<compile_context>
chip_gen: v7x
topology: tpu7x:2x2x1
jax: 0.10.2.dev20260603
libtpu: 0.0.44.dev20260713+nightly
codegen_flags: <defaults>
</compile_context>

<pallas_src>
import functools

import jax
import jax.numpy as jnp
from jax import lax
from jax.experimental import pallas as pl
from jax.experimental.pallas import tpu as pltpu
from jax.experimental.pallas import tpu_sc as plsc

N = 10000
NP = 10240
D = 128
G = 64
OUT = 10
E = 320000
CH = 128
NCHUNK = 80
ROUNDS = 2
CPR = NCHUNK // ROUNDS
NW = 32
EP = CH * NCHUNK * NW
RPT = NP // 16

_f32 = jnp.float32
_mesh = plsc.VectorSubcoreMesh(core_axis_name="c", subcore_axis_name="s")


@functools.partial(
    pl.kernel,
    mesh=_mesh,
    out_type=jax.ShapeDtypeStruct((2, NP), _f32),
    scratch_types=[
        pltpu.VMEM((NCHUNK, CH), jnp.int32),
        pltpu.VMEM((CH,), _f32),
        pltpu.VMEM((RPT,), _f32),
        pltpu.VMEM_SHARED((NP,), _f32),
    ],
)
def _deg(dst_hbm, out_hbm, dst_idx, ones_v, zeros_v, counts):
    c = lax.axis_index("c")
    s = lax.axis_index("s")
    w = c * 16 + s
    pltpu.sync_copy(dst_hbm.at[w], dst_idx)

    def _fill(i, _):
        zeros_v[pl.ds(i * 16, 16)] = jnp.zeros((16,), _f32)
        return 0
    lax.fori_loop(0, RPT // 16, _fill, 0)
    for k in range(CH // 16):
        ones_v[pl.ds(k * 16, 16)] = jnp.ones((16,), _f32)

    pltpu.sync_copy(zeros_v, counts.at[pl.ds(s * RPT, RPT)])
    plsc.subcore_barrier()

    def _chunk(j, _):
        pltpu.sync_copy(ones_v, counts.at[dst_idx.at[j]], add=True)
        return 0
    lax.fori_loop(0, NCHUNK, _chunk, 0)

    plsc.subcore_barrier()
    pltpu.sync_copy(counts.at[pl.ds(s * RPT, RPT)],
                    out_hbm.at[c, pl.ds(s * RPT, RPT)])


@functools.partial(
    pl.kernel,
    mesh=_mesh,
    out_type=jax.ShapeDtypeStruct((2, NP, D), _f32),
    scratch_types=[
        pltpu.VMEM((CPR, CH), jnp.int32),
        pltpu.VMEM((CPR, CH), jnp.int32),
        pltpu.VMEM((CH, D), _f32),
        pltpu.VMEM((CH, D), _f32),
        pltpu.VMEM_SHARED((NP, D), _f32),
        pltpu.SemaphoreType.DMA,
        pltpu.SemaphoreType.DMA,
    ],
)
def _agg(gs_hbm, src_hbm, dst_hbm, out_hbm,
         src_idx, dst_idx, r0, r1, acc, sg0, sg1):
    c = lax.axis_index("c")
    s = lax.axis_index("s")
    w = c * 16 + s

    def _zrow(i, _):
        for k in range(D // 16):
            r0[i, pl.ds(k * 16, 16)] = jnp.zeros((16,), _f32)
        return 0
    lax.fori_loop(0, CH, _zrow, 0)
    for z in range(RPT // CH):
        pltpu.sync_copy(r0, acc.at[pl.ds(s * RPT + z * CH, CH)])
    plsc.subcore_barrier()

    def _round(r, _):
        pltpu.sync_copy(src_hbm.at[w, pl.ds(r * CPR, CPR)], src_idx)
        pltpu.sync_copy(dst_hbm.at[w, pl.ds(r * CPR, CPR)], dst_idx)
        pltpu.async_copy(gs_hbm.at[src_idx.at[0]], r0, sg0)

        def _step(g, _):
            j0 = 2 * g
            pltpu.make_async_copy(gs_hbm.at[src_idx.at[j0]], r0, sg0).wait()
            pltpu.async_copy(gs_hbm.at[src_idx.at[j0 + 1]], r1, sg1)
            pltpu.sync_copy(r0, acc.at[dst_idx.at[j0]], add=True)

            @pl.when(g < CPR // 2 - 1)
            def _():
                pltpu.async_copy(gs_hbm.at[src_idx.at[j0 + 2]], r0, sg0)

            pltpu.make_async_copy(gs_hbm.at[src_idx.at[j0 + 1]], r1,
                                  sg1).wait()
            pltpu.sync_copy(r1, acc.at[dst_idx.at[j0 + 1]], add=True)
            return 0
        lax.fori_loop(0, CPR // 2, _step, 0)
        return 0
    lax.fori_loop(0, ROUNDS, _round, 0)

    plsc.subcore_barrier()
    pltpu.sync_copy(acc.at[pl.ds(s * RPT, RPT)],
                    out_hbm.at[c, pl.ds(s * RPT, RPT)])


BR = NP // 8
_GRID = NP // BR


def _k1_body(x_ref, w_ref, c0_ref, c1_ref, gs_ref, dinv_ref):
    deg = c0_ref[...] + c1_ref[...] + 1.0
    dinv = lax.rsqrt(deg)
    g = jnp.dot(x_ref[...], w_ref[...], preferred_element_type=_f32)
    gs_ref[...] = g * dinv
    dinv_ref[...] = dinv


_k1 = pl.pallas_call(
    _k1_body,
    grid=(_GRID,),
    in_specs=[
        pl.BlockSpec((BR, D), lambda i: (i, 0)),
        pl.BlockSpec((D, D), lambda i: (0, 0)),
        pl.BlockSpec((BR, 1), lambda i: (i, 0)),
        pl.BlockSpec((BR, 1), lambda i: (i, 0)),
    ],
    out_specs=(pl.BlockSpec((BR, D), lambda i: (i, 0)),
               pl.BlockSpec((BR, 1), lambda i: (i, 0))),
    out_shape=(jax.ShapeDtypeStruct((NP, D), _f32),
               jax.ShapeDtypeStruct((NP, 1), _f32)),
)


def _kmid_body(s_ref, gsp_ref, dinv_ref, b_ref, w_ref, gs_ref):
    dinv = dinv_ref[...]
    h = jnp.maximum((s_ref[0] + s_ref[1] + gsp_ref[...]) * dinv + b_ref[...],
                    0.0)
    gs_ref[...] = jnp.dot(h, w_ref[...], preferred_element_type=_f32) * dinv


_kmid = pl.pallas_call(
    _kmid_body,
    grid=(_GRID,),
    in_specs=[
        pl.BlockSpec((2, BR, D), lambda i: (0, i, 0)),
        pl.BlockSpec((BR, D), lambda i: (i, 0)),
        pl.BlockSpec((BR, 1), lambda i: (i, 0)),
        pl.BlockSpec((1, D), lambda i: (0, 0)),
        pl.BlockSpec((D, D), lambda i: (0, 0)),
    ],
    out_specs=pl.BlockSpec((BR, D), lambda i: (i, 0)),
    out_shape=jax.ShapeDtypeStruct((NP, D), _f32),
)


def _klast_body(s_ref, gsp_ref, dinv_ref, b_ref, batch_ref,
                wl1_ref, bl1_ref, wl2_ref, bl2_ref, out_ref, pacc, cacc):
    i = pl.program_id(0)
    h = jnp.maximum(
        (s_ref[0] + s_ref[1] + gsp_ref[...]) * dinv_ref[...] + b_ref[...],
        0.0)
    io = lax.broadcasted_iota(jnp.int32, (BR, G), 1)
    onehot = (batch_ref[...] == io).astype(_f32)
    pooled = lax.dot_general(onehot, h, (((0,), (0,)), ((), ())),
                             preferred_element_type=_f32)
    cnt = lax.dot_general(onehot, jnp.ones((BR, 1), _f32),
                          (((0,), (0,)), ((), ())),
                          preferred_element_type=_f32)

    @pl.when(i == 0)
    def _():
        pacc[...] = pooled
        cacc[...] = cnt

    @pl.when(i > 0)
    def _():
        pacc[...] += pooled
        cacc[...] += cnt

    @pl.when(i == _GRID - 1)
    def _():
        pm = pacc[...] / jnp.maximum(cacc[...], 1.0)
        h2 = jnp.maximum(
            jnp.dot(pm, wl1_ref[...], preferred_element_type=_f32)
            + bl1_ref[...], 0.0)
        logits = (jnp.dot(h2, wl2_ref[...], preferred_element_type=_f32)
                  + bl2_ref[...])
        m = jnp.max(logits, axis=-1, keepdims=True)
        sh = logits - m
        out_ref[...] = sh - jnp.log(
            jnp.sum(jnp.exp(sh), axis=-1, keepdims=True))


_klast = pl.pallas_call(
    _klast_body,
    grid=(_GRID,),
    in_specs=[
        pl.BlockSpec((2, BR, D), lambda i: (0, i, 0)),
        pl.BlockSpec((BR, D), lambda i: (i, 0)),
        pl.BlockSpec((BR, 1), lambda i: (i, 0)),
        pl.BlockSpec((1, D), lambda i: (0, 0)),
        pl.BlockSpec((BR, 1), lambda i: (i, 0)),
        pl.BlockSpec((D, D), lambda i: (0, 0)),
        pl.BlockSpec((1, D), lambda i: (0, 0)),
        pl.BlockSpec((D, OUT), lambda i: (0, 0)),
        pl.BlockSpec((1, OUT), lambda i: (0, 0)),
    ],
    out_specs=pl.BlockSpec((G, OUT), lambda i: (0, 0)),
    out_shape=jax.ShapeDtypeStruct((G, OUT), _f32),
    scratch_shapes=[pltpu.VMEM((G, D), _f32), pltpu.VMEM((G, 1), _f32)],
)


def kernel(x, edge_index, batch, W1, b1, W2, b2, W3, b3, Wl1, bl1, Wl2, bl2):
    padn = EP - E
    ar = jnp.arange(padn, dtype=jnp.int32)
    pad_src = (ar * 97) % N
    pad_dst = N + (ar % (NP - N))
    srcs = jnp.concatenate([edge_index[0], pad_src]).reshape(NW, NCHUNK, CH)
    dsts = jnp.concatenate([edge_index[1], pad_dst]).reshape(NW, NCHUNK, CH)
    xp = jnp.pad(x, ((0, NP - N), (0, 0)))
    batchp = jnp.pad(batch, (0, NP - N), constant_values=G).reshape(NP, 1)

    counts = _deg(dsts)
    c0 = counts[0].reshape(NP, 1)
    c1 = counts[1].reshape(NP, 1)

    gs1, dinv = _k1(xp, W1, c0, c1)
    s1 = _agg(gs1, srcs, dsts)
    gs2 = _kmid(s1, gs1, dinv, b1.reshape(1, D), W2)
    s2 = _agg(gs2, srcs, dsts)
    gs3 = _kmid(s2, gs2, dinv, b2.reshape(1, D), W3)
    s3 = _agg(gs3, srcs, dsts)
    return _klast(s3, gs3, dinv, b3.reshape(1, D), batchp,
                  Wl1, bl1.reshape(1, D), Wl2, bl2.reshape(1, OUT))

# --- scband reference (transcript-rebuilt; emitter-appended) ---
"""Pipeline reference for scband-gcn-net-81243601371599 (READ-ONLY COPY).

The authoritative reference and input builder live on the scoring server;
editing this copy changes nothing except your own understanding.
"""

import jax, jax.numpy as jnp
import numpy as np

N = 10000
E = 320000
D_IN = 128
DIM = 128
OUT = 10
G = 64


def setup_inputs(seed: int = 0) -> dict:
    key = jax.random.key(seed)
    ks = jax.random.split(key, 16)
    x = jax.random.normal(ks[0], (N, D_IN), dtype=jnp.float32)
    edge_index = jax.random.randint(ks[1], (2, E), 0, N, dtype=jnp.int32)
    batch = jnp.sort(jax.random.randint(ks[2], (N,), 0, G, dtype=jnp.int32))
    s = 0.05
    W1 = jax.random.normal(ks[3], (D_IN, DIM), jnp.float32) * s
    b1 = jnp.zeros((DIM,), jnp.float32)
    W2 = jax.random.normal(ks[4], (DIM, DIM), jnp.float32) * s
    b2 = jnp.zeros((DIM,), jnp.float32)
    W3 = jax.random.normal(ks[5], (DIM, DIM), jnp.float32) * s
    b3 = jnp.zeros((DIM,), jnp.float32)
    Wl1 = jax.random.normal(ks[6], (DIM, DIM), jnp.float32) * s
    bl1 = jnp.zeros((DIM,), jnp.float32)
    Wl2 = jax.random.normal(ks[7], (DIM, OUT), jnp.float32) * s
    bl2 = jnp.zeros((OUT,), jnp.float32)
    return {"x": x, "edge_index": edge_index, "batch": batch,
            "W1": W1, "b1": b1, "W2": W2, "b2": b2, "W3": W3, "b3": b3,
            "Wl1": Wl1, "bl1": bl1, "Wl2": Wl2, "bl2": bl2}


def _gcn_conv(h, W, b, src, dst, norm):
    h = h @ W
    msg = h[src] * norm[:, None]
    out = jnp.zeros_like(h).at[dst].add(msg)
    return out + b


def reference(x, edge_index, batch, W1, b1, W2, b2, W3, b3, Wl1, bl1, Wl2, bl2):
    # GCN normalization with added self-loops (PyG gcn_norm semantics)
    loop = jnp.arange(N, dtype=edge_index.dtype)
    src = jnp.concatenate([edge_index[0], loop])
    dst = jnp.concatenate([edge_index[1], loop])
    deg = jnp.zeros((N,), jnp.float32).at[dst].add(1.0)
    dinv = 1.0 / jnp.sqrt(deg)
    norm = dinv[src] * dinv[dst]

    h = jax.nn.relu(_gcn_conv(x, W1, b1, src, dst, norm))
    h = jax.nn.relu(_gcn_conv(h, W2, b2, src, dst, norm))
    h = jax.nn.relu(_gcn_conv(h, W3, b3, src, dst, norm))

    # global mean pool over graphs in the batch
    pooled = jax.ops.segment_sum(h, batch, num_segments=G)
    counts = jax.ops.segment_sum(jnp.ones((N, 1), jnp.float32), batch, num_segments=G)
    pooled = pooled / jnp.clip(counts, 1.0, None)

    h = jax.nn.relu(pooled @ Wl1 + bl1)
    # dropout is identity in eval mode
    logits = h @ Wl2 + bl2
    return jax.nn.log_softmax(logits, axis=-1)

if __name__ == "__main__":
    import jax
    _d = setup_inputs()
    print(jax.jit(kernel)(*tuple(_d.values())))

</pallas_src>

<mosaic_0001>
#map = affine_map<(d0, d1) -> (0, 0, 0)>
#map1 = affine_map<(d0, d1) -> (0, 0)>
module attributes {stable_mosaic.version = 14 : i64} {
  func.func @_deg(%arg0: i32, %arg1: i32, %arg2: memref<32x80x128xi32, #tpu.memory_space<hbm>>, %arg3: memref<2x10240xf32, #tpu.memory_space<hbm>>, %arg4: memref<80x128xi32, #tpu.memory_space<vmem>>, %arg5: memref<128xf32, #tpu.memory_space<vmem>>, %arg6: memref<640xf32, #tpu.memory_space<vmem>>, %arg7: memref<10240xf32, #tpu.memory_space<vmem_shared>>) attributes {dimension_semantics = [#tpu.dimension_semantics<core_parallel>, #tpu.dimension_semantics<subcore_parallel>], iteration_bounds = array<i64: 2, 16>, scalar_prefetch = 0 : i64, scratch_operands = 4 : i64, tpu.core_type = #tpu.core_type<sc_vector_subcore>, window_params = [{transform_indices = #map}, {transform_indices = #map1}]} {
    %mul3A = arith.constant 16 : i32
    %mul3A_0 = arith.muli %arg0, %mul3A : i32
    %add3A = arith.addi %mul3A_0, %arg1 : i32
    "tpu.region"() ({
      %run_scoped3A = tpu.sem_alloc : memref<!tpu.dma_semaphore, #tpu.memory_space<semaphore_mem>>
      %dma_start3A = arith.constant 0 : i32
      %dma_start3A_67 = arith.constant 0 : i32
      %dma_start3A_68 = tpu.memref_slice %arg2[%add3A, %dma_start3A, %dma_start3A_67] : memref<32x80x128xi32, #tpu.memory_space<hbm>> -> memref<1x80x128xi32, #tpu.memory_space<hbm>>
      %dma_start3A_69 = tpu.memref_squeeze %dma_start3A_68 : memref<1x80x128xi32, #tpu.memory_space<hbm>> -> memref<80x128xi32, #tpu.memory_space<hbm>>
      %dma_start3A_70 = arith.constant 0 : i32
      %dma_start3A_71 = arith.constant 0 : i32
      %dma_start3A_72 = tpu.memref_slice %arg2[%add3A, %dma_start3A_70, %dma_start3A_71] : memref<32x80x128xi32, #tpu.memory_space<hbm>> -> memref<1x80x128xi32, #tpu.memory_space<hbm>>
      %dma_start3A_73 = tpu.memref_squeeze %dma_start3A_72 : memref<1x80x128xi32, #tpu.memory_space<hbm>> -> memref<80x128xi32, #tpu.memory_space<hbm>>
      tpu.enqueue_dma source(%dma_start3A_73 : memref<80x128xi32, #tpu.memory_space<hbm>>) target(%arg4 : memref<80x128xi32, #tpu.memory_space<vmem>>) target_semaphore(%run_scoped3A : memref<!tpu.dma_semaphore, #tpu.memory_space<semaphore_mem>>)
      %dma_wait3A = arith.constant 0 : i32
      %dma_wait3A_74 = arith.constant 0 : i32
      %dma_wait3A_75 = tpu.memref_slice %arg2[%add3A, %dma_wait3A, %dma_wait3A_74] : memref<32x80x128xi32, #tpu.memory_space<hbm>> -> memref<1x80x128xi32, #tpu.memory_space<hbm>>
      %dma_wait3A_76 = tpu.memref_squeeze %dma_wait3A_75 : memref<1x80x128xi32, #tpu.memory_space<hbm>> -> memref<80x128xi32, #tpu.memory_space<hbm>>
      %dma_wait3A_77 = arith.constant 0 : i32
      %dma_wait3A_78 = arith.constant 0 : i32
      %dma_wait3A_79 = tpu.memref_slice %arg2[%add3A, %dma_wait3A_77, %dma_wait3A_78] : memref<32x80x128xi32, #tpu.memory_space<hbm>> -> memref<1x80x128xi32, #tpu.memory_space<hbm>>
      %dma_wait3A_80 = tpu.memref_squeeze %dma_wait3A_79 : memref<1x80x128xi32, #tpu.memory_space<hbm>> -> memref<80x128xi32, #tpu.memory_space<hbm>>
      tpu.wait_dma2 semaphore(%run_scoped3A : memref<!tpu.dma_semaphore, #tpu.memory_space<semaphore_mem>>) src(%dma_wait3A_80 : memref<80x128xi32, #tpu.memory_space<hbm>>) dst(%arg4 : memref<80x128xi32, #tpu.memory_space<vmem>>)
      tpu.yield
    }) : () -> ()
    %scan3A = arith.constant 0 : i32
    %scan3A_1 = arith.constant 0 : i32
    %scan3A_2 = arith.constant 40 : i32
    %scan3A_3 = arith.addi %scan3A_1, %scan3A_2 : i32
    %scan3A_4 = arith.constant 1 : i32
    %scan3A_5 = scf.for %scan3A_67 = %scan3A_1 to %scan3A_3 step %scan3A_4 iter_args(%scan3A_68 = %scan3A) -> (i32)  : i32 {
      %broadcast_in_dim3A_69 = arith.constant 0.000000e+00 : f32
      %broadcast_in_dim3A_70 = vector.broadcast %broadcast_in_dim3A_69 : f32 to vector<16xf32>
      %mul3A_71 = arith.constant 16 : i32
      %mul3A_72 = arith.muli %scan3A_67, %mul3A_71 : i32
      %swap3A_73 = arith.index_cast %mul3A_72 : i32 to index
      %swap3A_74 = tpu.vector_load %arg6[%swap3A_73] {strides = array<i32>} : memref<640xf32, #tpu.memory_space<vmem>>, vector<16xf32>,
      %swap3A_75 = vector.shape_cast %swap3A_74 : vector<16xf32> to vector<16xf32>
      %swap3A_76 = vector.shape_cast %broadcast_in_dim3A_70 : vector<16xf32> to vector<16xf32>
      tpu.vector_store %arg6[%swap3A_73], %swap3A_76 {strides = array<i32>} : memref<640xf32, #tpu.memory_space<vmem>>, vector<16xf32>,
      %scan3A_77 = arith.constant 0 : i32
      scf.yield %scan3A_77 : i32
    }
    %scan3A_6 = arith.constant 40 : i32
    %broadcast_in_dim3A = arith.constant 1.000000e+00 : f32
    %broadcast_in_dim3A_7 = vector.broadcast %broadcast_in_dim3A : f32 to vector<16xf32>
    %swap3A = arith.constant 0 : index
    %swap3A_8 = tpu.vector_load %arg5[%swap3A] {strides = array<i32>} : memref<128xf32, #tpu.memory_space<vmem>>, vector<16xf32>,
    %swap3A_9 = vector.shape_cast %swap3A_8 : vector<16xf32> to vector<16xf32>
    %swap3A_10 = vector.shape_cast %broadcast_in_dim3A_7 : vector<16xf32> to vector<16xf32>
    tpu.vector_store %arg5[%swap3A], %swap3A_10 {strides = array<i32>} : memref<128xf32, #tpu.memory_space<vmem>>, vector<16xf32>,
    %broadcast_in_dim3A_11 = arith.constant 1.000000e+00 : f32
    %broadcast_in_dim3A_12 = vector.broadcast %broadcast_in_dim3A_11 : f32 to vector<16xf32>
    %swap3A_13 = arith.constant 16 : index
    %swap3A_14 = tpu.vector_load %arg5[%swap3A_13] {strides = array<i32>} : memref<128xf32, #tpu.memory_space<vmem>>, vector<16xf32>,
    %swap3A_15 = vector.shape_cast %swap3A_14 : vector<16xf32> to vector<16xf32>
    %swap3A_16 = vector.shape_cast %broadcast_in_dim3A_12 : vector<16xf32> to vector<16xf32>
    tpu.vector_store %arg5[%swap3A_13], %swap3A_16 {strides = array<i32>} : memref<128xf32, #tpu.memory_space<vmem>>, vector<16xf32>,
    %broadcast_in_dim3A_17 = arith.constant 1.000000e+00 : f32
    %broadcast_in_dim3A_18 = vector.broadcast %broadcast_in_dim3A_17 : f32 to vector<16xf32>
    %swap3A_19 = arith.constant 32 : index
    %swap3A_20 = tpu.vector_load %arg5[%swap3A_19] {strides = array<i32>} : memref<128xf32, #tpu.memory_space<vmem>>, vector<16xf32>,
    %swap3A_21 = vector.shape_cast %swap3A_20 : vector<16xf32> to vector<16xf32>
    %swap3A_22 = vector.shape_cast %broadcast_in_dim3A_18 : vector<16xf32> to vector<16xf32>
    tpu.vector_store %arg5[%swap3A_19], %swap3A_22 {strides = array<i32>} : memref<128xf32, #tpu.memory_space<vmem>>, vector<16xf32>,
    %broadcast_in_dim3A_23 = arith.constant 1.000000e+00 : f32
    %broadcast_in_dim3A_24 = vector.broadcast %broadcast_in_dim3A_23 : f32 to vector<16xf32>
    %swap3A_25 = arith.constant 48 : index
    %swap3A_26 = tpu.vector_load %arg5[%swap3A_25] {strides = array<i32>} : memref<128xf32, #tpu.memory_space<vmem>>, vector<16xf32>,
    %swap3A_27 = vector.shape_cast %swap3A_26 : vector<16xf32> to vector<16xf32>
    %swap3A_28 = vector.shape_cast %broadcast_in_dim3A_24 : vector<16xf32> to vector<16xf32>
    tpu.vector_store %arg5[%swap3A_25], %swap3A_28 {strides = array<i32>} : memref<128xf32, #tpu.memory_space<vmem>>, vector<16xf32>,
    %broadcast_in_dim3A_29 = arith.constant 1.000000e+00 : f32
    %broadcast_in_dim3A_30 = vector.broadcast %broadcast_in_dim3A_29 : f32 to vector<16xf32>
    %swap3A_31 = arith.constant 64 : index
    %swap3A_32 = tpu.vector_load %arg5[%swap3A_31] {strides = array<i32>} : memref<128xf32, #tpu.memory_space<vmem>>, vector<16xf32>,
    %swap3A_33 = vector.shape_cast %swap3A_32 : vector<16xf32> to vector<16xf32>
    %swap3A_34 = vector.shape_cast %broadcast_in_dim3A_30 : vector<16xf32> to vector<16xf32>
    tpu.vector_store %arg5[%swap3A_31], %swap3A_34 {strides = array<i32>} : memref<128xf32, #tpu.memory_space<vmem>>, vector<16xf32>,
    %broadcast_in_dim3A_35 = arith.constant 1.000000e+00 : f32
    %broadcast_in_dim3A_36 = vector.broadcast %broadcast_in_dim3A_35 : f32 to vector<16xf32>
    %swap3A_37 = arith.constant 80 : index
    %swap3A_38 = tpu.vector_load %arg5[%swap3A_37] {strides = array<i32>} : memref<128xf32, #tpu.memory_space<vmem>>, vector<16xf32>,
    %swap3A_39 = vector.shape_cast %swap3A_38 : vector<16xf32> to vector<16xf32>
    %swap3A_40 = vector.shape_cast %broadcast_in_dim3A_36 : vector<16xf32> to vector<16xf32>
    tpu.vector_store %arg5[%swap3A_37], %swap3A_40 {strides = array<i32>} : memref<128xf32, #tpu.memory_space<vmem>>, vector<16xf32>,
    %broadcast_in_dim3A_41 = arith.constant 1.000000e+00 : f32
    %broadcast_in_dim3A_42 = vector.broadcast %broadcast_in_dim3A_41 : f32 to vector<16xf32>
    %swap3A_43 = arith.constant 96 : index
    %swap3A_44 = tpu.vector_load %arg5[%swap3A_43] {strides = array<i32>} : memref<128xf32, #tpu.memory_space<vmem>>, vector<16xf32>,
    %swap3A_45 = vector.shape_cast %swap3A_44 : vector<16xf32> to vector<16xf32>
    %swap3A_46 = vector.shape_cast %broadcast_in_dim3A_42 : vector<16xf32> to vector<16xf32>
    tpu.vector_store %arg5[%swap3A_43], %swap3A_46 {strides = array<i32>} : memref<128xf32, #tpu.memory_space<vmem>>, vector<16xf32>,
    %broadcast_in_dim3A_47 = arith.constant 1.000000e+00 : f32
    %broadcast_in_dim3A_48 = vector.broadcast %broadcast_in_dim3A_47 : f32 to vector<16xf32>
    %swap3A_49 = arith.constant 112 : index
    %swap3A_50 = tpu.vector_load %arg5[%swap3A_49] {strides = array<i32>} : memref<128xf32, #tpu.memory_space<vmem>>, vector<16xf32>,
    %swap3A_51 = vector.shape_cast %swap3A_50 : vector<16xf32> to vector<16xf32>
    %swap3A_52 = vector.shape_cast %broadcast_in_dim3A_48 : vector<16xf32> to vector<16xf32>
    tpu.vector_store %arg5[%swap3A_49], %swap3A_52 {strides = array<i32>} : memref<128xf32, #tpu.memory_space<vmem>>, vector<16xf32>,
    %mul3A_53 = arith.constant 640 : i32
    %mul3A_54 = arith.muli %arg1, %mul3A_53 : i32
    "tpu.region"() ({
      %run_scoped3A = tpu.sem_alloc : memref<!tpu.dma_semaphore, #tpu.memory_space<semaphore_mem>>
      %dma_start3A = tpu.memref_slice %arg7[%mul3A_54] : memref<10240xf32, #tpu.memory_space<vmem_shared>> -> memref<640xf32, #tpu.memory_space<vmem_shared>>
      %dma_start3A_67 = tpu.memref_slice %arg7[%mul3A_54] : memref<10240xf32, #tpu.memory_space<vmem_shared>> -> memref<640xf32, #tpu.memory_space<vmem_shared>>
      tpu.enqueue_dma source(%arg6 : memref<640xf32, #tpu.memory_space<vmem>>) target(%dma_start3A_67 : memref<640xf32, #tpu.memory_space<vmem_shared>>) target_semaphore(%run_scoped3A : memref<!tpu.dma_semaphore, #tpu.memory_space<semaphore_mem>>)
      %dma_wait3A = tpu.memref_slice %arg7[%mul3A_54] : memref<10240xf32, #tpu.memory_space<vmem_shared>> -> memref<640xf32, #tpu.memory_space<vmem_shared>>
      %dma_wait3A_68 = tpu.memref_slice %arg7[%mul3A_54] : memref<10240xf32, #tpu.memory_space<vmem_shared>> -> memref<640xf32, #tpu.memory_space<vmem_shared>>
      tpu.wait_dma2 semaphore(%run_scoped3A : memref<!tpu.dma_semaphore, #tpu.memory_space<semaphore_mem>>) src(%arg6 : memref<640xf32, #tpu.memory_space<vmem>>) dst(%dma_wait3A_68 : memref<640xf32, #tpu.memory_space<vmem_shared>>)
      tpu.yield
    }) : () -> ()
    %barrier3A = arith.constant 0 : index
    tpu.barrier barrier_id(%barrier3A)
    %scan3A_55 = arith.constant 0 : i32
    %scan3A_56 = arith.constant 0 : i32
    %scan3A_57 = arith.constant 80 : i32
    %scan3A_58 = arith.addi %scan3A_56, %scan3A_57 : i32
    %scan3A_59 = arith.constant 1 : i32
    %scan3A_60 = scf.for %scan3A_67 = %scan3A_56 to %scan3A_58 step %scan3A_59 iter_args(%scan3A_68 = %scan3A_55) -> (i32)  : i32 {
      "tpu.region"() ({
        %run_scoped3A = tpu.sem_alloc : memref<!tpu.dma_semaphore, #tpu.memory_space<semaphore_mem>>
        %dma_start3A = arith.constant 0 : i32
        %dma_start3A_70 = tpu.memref_slice %arg4[%scan3A_67, %dma_start3A] : memref<80x128xi32, #tpu.memory_space<vmem>> -> memref<1x128xi32, #tpu.memory_space<vmem>>
        %dma_start3A_71 = tpu.memref_squeeze %dma_start3A_70 : memref<1x128xi32, #tpu.memory_space<vmem>> -> memref<128xi32, #tpu.memory_space<vmem>>
        %dma_start3A_72 = arith.constant 0 : i32
        %dma_start3A_73 = tpu.memref_slice %arg7[%dma_start3A_72] : memref<10240xf32, #tpu.memory_space<vmem_shared>> -> memref<10240xf32, #tpu.memory_space<vmem_shared>>
        tpu.enqueue_indirect_dma source(%arg5 : memref<128xf32, #tpu.memory_space<vmem>>) target(%dma_start3A_73 : memref<10240xf32, #tpu.memory_space<vmem_shared>>) offsets(%dma_start3A_71 : memref<128xi32, #tpu.memory_space<vmem>>) semaphore(%run_scoped3A : memref<!tpu.dma_semaphore, #tpu.memory_space<semaphore_mem>>) {add = true}
        %dma_wait3A = arith.constant 0 : i32
        %dma_wait3A_74 = tpu.memref_slice %arg4[%scan3A_67, %dma_wait3A] : memref<80x128xi32, #tpu.memory_space<vmem>> -> memref<1x128xi32, #tpu.memory_space<vmem>>
        %dma_wait3A_75 = tpu.memref_squeeze %dma_wait3A_74 : memref<1x128xi32, #tpu.memory_space<vmem>> -> memref<128xi32, #tpu.memory_space<vmem>>
        %dma_wait3A_76 = arith.constant 0 : i32
        %dma_wait3A_77 = tpu.memref_slice %arg7[%dma_wait3A_76] : memref<10240xf32, #tpu.memory_space<vmem_shared>> -> memref<10240xf32, #tpu.memory_space<vmem_shared>>
        tpu.wait_indirect_dma semaphore(%run_scoped3A : memref<!tpu.dma_semaphore, #tpu.memory_space<semaphore_mem>>) src(%arg5 : memref<128xf32, #tpu.memory_space<vmem>>) dst(%dma_wait3A_77 : memref<10240xf32, #tpu.memory_space<vmem_shared>>)
        tpu.yield
      }) : () -> ()
      %scan3A_69 = arith.constant 0 : i32
      scf.yield %scan3A_69 : i32
    }
    %scan3A_61 = arith.constant 80 : i32
    %barrier3A_62 = arith.constant 0 : index
    tpu.barrier barrier_id(%barrier3A_62)
    %mul3A_63 = arith.constant 640 : i32
    %mul3A_64 = arith.muli %arg1, %mul3A_63 : i32
    %mul3A_65 = arith.constant 640 : i32
    %mul3A_66 = arith.muli %arg1, %mul3A_65 : i32
    "tpu.region"() ({
      %run_scoped3A = tpu.sem_alloc : memref<!tpu.dma_semaphore, #tpu.memory_space<semaphore_mem>>
      %dma_start3A = tpu.memref_slice %arg3[%arg0, %mul3A_66] : memref<2x10240xf32, #tpu.memory_space<hbm>> -> memref<1x640xf32, #tpu.memory_space<hbm>>
      %dma_start3A_67 = tpu.memref_squeeze %dma_start3A : memref<1x640xf32, #tpu.memory_space<hbm>> -> memref<640xf32, #tpu.memory_space<hbm>>
      %dma_start3A_68 = tpu.memref_slice %arg7[%mul3A_64] : memref<10240xf32, #tpu.memory_space<vmem_shared>> -> memref<640xf32, #tpu.memory_space<vmem_shared>>
      tpu.enqueue_dma source(%dma_start3A_68 : memref<640xf32, #tpu.memory_space<vmem_shared>>) target(%dma_start3A_67 : memref<640xf32, #tpu.memory_space<hbm>>) target_semaphore(%run_scoped3A : memref<!tpu.dma_semaphore, #tpu.memory_space<semaphore_mem>>)
      %dma_wait3A = tpu.memref_slice %arg3[%arg0, %mul3A_66] : memref<2x10240xf32, #tpu.memory_space<hbm>> -> memref<1x640xf32, #tpu.memory_space<hbm>>
      %dma_wait3A_69 = tpu.memref_squeeze %dma_wait3A : memref<1x640xf32, #tpu.memory_space<hbm>> -> memref<640xf32, #tpu.memory_space<hbm>>
      %dma_wait3A_70 = tpu.memref_slice %arg7[%mul3A_64] : memref<10240xf32, #tpu.memory_space<vmem_shared>> -> memref<640xf32, #tpu.memory_space<vmem_shared>>
      tpu.wait_dma2 semaphore(%run_scoped3A : memref<!tpu.dma_semaphore, #tpu.memory_space<semaphore_mem>>) src(%dma_wait3A_70 : memref<640xf32, #tpu.memory_space<vmem_shared>>) dst(%dma_wait3A_69 : memref<640xf32, #tpu.memory_space<hbm>>)
      tpu.yield
    }) : () -> ()
    return
  }
}

#map = affine_map<(d0, d1) -> (0, 0)>
#map1 = affine_map<(d0, d1) -> (0, 0, 0)>
module attributes {stable_mosaic.version = 14 : i64} {
  func.func @_agg(%arg0: i32, %arg1: i32, %arg2: memref<10240x128xf32, #tpu.memory_space<hbm>>, %arg3: memref<32x80x128xi32, #tpu.memory_space<hbm>>, %arg4: memref<32x80x128xi32, #tpu.memory_space<hbm>>, %arg5: memref<2x10240x128xf32, #tpu.memory_space<hbm>>, %arg6: memref<40x128xi32, #tpu.memory_space<vmem>>, %arg7: memref<40x128xi32, #tpu.memory_space<vmem>>, %arg8: memref<128x128xf32, #tpu.memory_space<vmem>>, %arg9: memref<128x128xf32, #tpu.memory_space<vmem>>, %arg10: memref<10240x128xf32, #tpu.memory_space<vmem_shared>>, %arg11: memref<!tpu.dma_semaphore, #tpu.memory_space<semaphore_mem>>, %arg12: memref<!tpu.dma_semaphore, #tpu.memory_space<semaphore_mem>>) attributes {dimension_semantics = [#tpu.dimension_semantics<core_parallel>, #tpu.dimension_semantics<subcore_parallel>], iteration_bounds = array<i64: 2, 16>, scalar_prefetch = 0 : i64, scratch_operands = 7 : i64, tpu.core_type = #tpu.core_type<sc_vector_subcore>, window_params = [{transform_indices = #map}, {transform_indices = #map1}, {transform_indices = #map1}, {transform_indices = #map1}]} {
    %mul3A = arith.constant 16 : i32
    %mul3A_0 = arith.muli %arg0, %mul3A : i32
    %add3A = arith.addi %mul3A_0, %arg1 : i32
    %scan3A = arith.constant 0 : i32
    %scan3A_1 = arith.constant 0 : i32
    %scan3A_2 = arith.constant 128 : i32
    %scan3A_3 = arith.addi %scan3A_1, %scan3A_2 : i32
    %scan3A_4 = arith.constant 1 : i32
    %scan3A_5 = scf.for %scan3A_39 = %scan3A_1 to %scan3A_3 step %scan3A_4 iter_args(%scan3A_40 = %scan3A) -> (i32)  : i32 {
      %broadcast_in_dim3A = arith.constant 0.000000e+00 : f32
      %broadcast_in_dim3A_41 = vector.broadcast %broadcast_in_dim3A : f32 to vector<16xf32>
      %swap3A = arith.index_cast %scan3A_39 : i32 to index
      %swap3A_42 = arith.constant 0 : index
      %swap3A_43 = tpu.vector_load %arg8[%swap3A, %swap3A_42] {strides = array<i32>} : memref<128x128xf32, #tpu.memory_space<vmem>>, vector<1x16xf32>,
      %swap3A_44 = vector.shape_cast %swap3A_43 : vector<1x16xf32> to vector<16xf32>
      %swap3A_45 = vector.shape_cast %broadcast_in_dim3A_41 : vector<16xf32> to vector<1x16xf32>
      tpu.vector_store %arg8[%swap3A, %swap3A_42], %swap3A_45 {strides = array<i32>} : memref<128x128xf32, #tpu.memory_space<vmem>>, vector<1x16xf32>,
      %broadcast_in_dim3A_46 = arith.constant 0.000000e+00 : f32
      %broadcast_in_dim3A_47 = vector.broadcast %broadcast_in_dim3A_46 : f32 to vector<16xf32>
      %swap3A_48 = arith.index_cast %scan3A_39 : i32 to index
      %swap3A_49 = arith.constant 16 : index
      %swap3A_50 = tpu.vector_load %arg8[%swap3A_48, %swap3A_49] {strides = array<i32>} : memref<128x128xf32, #tpu.memory_space<vmem>>, vector<1x16xf32>,
      %swap3A_51 = vector.shape_cast %swap3A_50 : vector<1x16xf32> to vector<16xf32>
      %swap3A_52 = vector.shape_cast %broadcast_in_dim3A_47 : vector<16xf32> to vector<1x16xf32>
      tpu.vector_store %arg8[%swap3A_48, %swap3A_49], %swap3A_52 {strides = array<i32>} : memref<128x128xf32, #tpu.memory_space<vmem>>, vector<1x16xf32>,
      %broadcast_in_dim3A_53 = arith.constant 0.000000e+00 : f32
      %broadcast_in_dim3A_54 = vector.broadcast %broadcast_in_dim3A_53 : f32 to vector<16xf32>
      %swap3A_55 = arith.index_cast %scan3A_39 : i32 to index
      %swap3A_56 = arith.constant 32 : index
      %swap3A_57 = tpu.vector_load %arg8[%swap3A_55, %swap3A_56] {strides = array<i32>} : memref<128x128xf32, #tpu.memory_space<vmem>>, vector<1x16xf32>,
      %swap3A_58 = vector.shape_cast %swap3A_57 : vector<1x16xf32> to vector<16xf32>
      %swap3A_59 = vector.shape_cast %broadcast_in_dim3A_54 : vector<16xf32> to vector<1x16xf32>
      tpu.vector_store %arg8[%swap3A_55, %swap3A_56], %swap3A_59 {strides = array<i32>} : memref<128x128xf32, #tpu.memory_space<vmem>>, vector<1x16xf32>,
      %broadcast_in_dim3A_60 = arith.constant 0.000000e+00 : f32
      %broadcast_in_dim3A_61 = vector.broadcast %broadcast_in_dim3A_60 : f32 to vector<16xf32>
      %swap3A_62 = arith.index_cast %scan3A_39 : i32 to index
      %swap3A_63 = arith.constant 48 : index
      %swap3A_64 = tpu.vector_load %arg8[%swap3A_62, %swap3A_63] {strides = array<i32>} : memref<128x128xf32, #tpu.memory_space<vmem>>, vector<1x16xf32>,
      %swap3A_65 = vector.shape_cast %swap3A_64 : vector<1x16xf32> to vector<16xf32>
      %swap3A_66 = vector.shape_cast %broadcast_in_dim3A_61 : vector<16xf32> to vector<1x16xf32>
      tpu.vector_store %arg8[%swap3A_62, %swap3A_63], %swap3A_66 {strides = array<i32>} : memref<128x128xf32, #tpu.memory_space<vmem>>, vector<1x16xf32>,
      %broadcast_in_dim3A_67 = arith.constant 0.000000e+00 : f32
      %broadcast_in_dim3A_68 = vector.broadcast %broadcast_in_dim3A_67 : f32 to vector<16xf32>
      %swap3A_69 = arith.index_cast %scan3A_39 : i32 to index
      %swap3A_70 = arith.constant 64 : index
      %swap3A_71 = tpu.vector_load %arg8[%swap3A_69, %swap3A_70] {strides = array<i32>} : memref<128x128xf32, #tpu.memory_space<vmem>>, vector<1x16xf32>,
      %swap3A_72 = vector.shape_cast %swap3A_71 : vector<1x16xf32> to vector<16xf32>
      %swap3A_73 = vector.shape_cast %broadcast_in_dim3A_68 : vector<16xf32> to vector<1x16xf32>
      tpu.vector_store %arg8[%swap3A_69, %swap3A_70], %swap3A_73 {strides = array<i32>} : memref<128x128xf32, #tpu.memory_space<vmem>>, vector<1x16xf32>,
      %broadcast_in_dim3A_74 = arith.constant 0.000000e+00 : f32
      %broadcast_in_dim3A_75 = vector.broadcast %broadcast_in_dim3A_74 : f32 to vector<16xf32>
      %swap3A_76 = arith.index_cast %scan3A_39 : i32 to index
      %swap3A_77 = arith.constant 80 : index
      %swap3A_78 = tpu.vector_load %arg8[%swap3A_76, %swap3A_77] {strides = array<i32>} : memref<128x128xf32, #tpu.memory_space<vmem>>, vector<1x16xf32>,
      %swap3A_79 = vector.shape_cast %swap3A_78 : vector<1x16xf32> to vector<16xf32>
      %swap3A_80 = vector.shape_cast %broadcast_in_dim3A_75 : vector<16xf32> to vector<1x16xf32>
      tpu.vector_store %arg8[%swap3A_76, %swap3A_77], %swap3A_80 {strides = array<i32>} : memref<128x128xf32, #tpu.memory_space<vmem>>, vector<1x16xf32>,
      %broadcast_in_dim3A_81 = arith.constant 0.000000e+00 : f32
      %broadcast_in_dim3A_82 = vector.broadcast %broadcast_in_dim3A_81 : f32 to vector<16xf32>
      %swap3A_83 = arith.index_cast %scan3A_39 : i32 to index
      %swap3A_84 = arith.constant 96 : index
      %swap3A_85 = tpu.vector_load %arg8[%swap3A_83, %swap3A_84] {strides = array<i32>} : memref<128x128xf32, #tpu.memory_space<vmem>>, vector<1x16xf32>,
      %swap3A_86 = vector.shape_cast %swap3A_85 : vector<1x16xf32> to vector<16xf32>
      %swap3A_87 = vector.shape_cast %broadcast_in_dim3A_82 : vector<16xf32> to vector<1x16xf32>
      tpu.vector_store %arg8[%swap3A_83, %swap3A_84], %swap3A_87 {strides = array<i32>} : memref<128x128xf32, #tpu.memory_space<vmem>>, vector<1x16xf32>,
      %broadcast_in_dim3A_88 = arith.constant 0.000000e+00 : f32
      %broadcast_in_dim3A_89 = vector.broadcast %broadcast_in_dim3A_88 : f32 to vector<16xf32>
      %swap3A_90 = arith.index_cast %scan3A_39 : i32 to index
      %swap3A_91 = arith.constant 112 : index
      %swap3A_92 = tpu.vector_load %arg8[%swap3A_90, %swap3A_91] {strides = array<i32>} : memref<128x128xf32, #tpu.memory_space<vmem>>, vector<1x16xf32>,
      %swap3A_93 = vector.shape_cast %swap3A_92 : vector<1x16xf32> to vector<16xf32>
      %swap3A_94 = vector.shape_cast %broadcast_in_dim3A_89 : vector<16xf32> to vector<1x16xf32>
      tpu.vector_store %arg8[%swap3A_90, %swap3A_91], %swap3A_94 {strides = array<i32>} : memref<128x128xf32, #tpu.memory_space<vmem>>, vector<1x16xf32>,
      %scan3A_95 = arith.constant 0 : i32
      scf.yield %scan3A_95 : i32
    }
    %scan3A_6 = arith.constant 128 : i32
    %mul3A_7 = arith.constant 640 : i32
    %mul3A_8 = arith.muli %arg1, %mul3A_7 : i32
    %add3A_9 = arith.constant 0 : i32
    %add3A_10 = arith.addi %mul3A_8, %add3A_9 : i32
    "tpu.region"() ({
      %run_scoped3A = tpu.sem_alloc : memref<!tpu.dma_semaphore, #tpu.memory_space<semaphore_mem>>
      %dma_start3A = arith.constant 0 : i32
      %dma_start3A_39 = tpu.memref_slice %arg10[%add3A_10, %dma_start3A] : memref<10240x128xf32, #tpu.memory_space<vmem_shared>> -> memref<128x128xf32, #tpu.memory_space<vmem_shared>>
      %dma_start3A_40 = arith.constant 0 : i32
      %dma_start3A_41 = tpu.memref_slice %arg10[%add3A_10, %dma_start3A_40] : memref<10240x128xf32, #tpu.memory_space<vmem_shared>> -> memref<128x128xf32, #tpu.memory_space<vmem_shared>>
      tpu.enqueue_dma source(%arg8 : memref<128x128xf32, #tpu.memory_space<vmem>>) target(%dma_start3A_41 : memref<128x128xf32, #tpu.memory_space<vmem_shared>>) target_semaphore(%run_scoped3A : memref<!tpu.dma_semaphore, #tpu.memory_space<semaphore_mem>>)
      %dma_wait3A = arith.constant 0 : i32
      %dma_wait3A_42 = tpu.memref_slice %arg10[%add3A_10, %dma_wait3A] : memref<10240x128xf32, #tpu.memory_space<vmem_shared>> -> memref<128x128xf32, #tpu.memory_space<vmem_shared>>
      %dma_wait3A_43 = arith.constant 0 : i32
      %dma_wait3A_44 = tpu.memref_slice %arg10[%add3A_10, %dma_wait3A_43] : memref<10240x128xf32, #tpu.memory_space<vmem_shared>> -> memref<128x128xf32, #tpu.memory_space<vmem_shared>>
      tpu.wait_dma2 semaphore(%run_scoped3A : memref<!tpu.dma_semaphore, #tpu.memory_space<semaphore_mem>>) src(%arg8 : memref<128x128xf32, #tpu.memory_space<vmem>>) dst(%dma_wait3A_44 : memref<128x128xf32, #tpu.memory_space<vmem_shared>>)
      tpu.yield
    }) : () -> ()
    %mul3A_11 = arith.constant 640 : i32
    %mul3A_12 = arith.muli %arg1, %mul3A_11 : i32
    %add3A_13 = arith.constant 128 : i32
    %add3A_14 = arith.addi %mul3A_12, %add3A_13 : i32
    "tpu.region"() ({
      %run_scoped3A = tpu.sem_alloc : memref<!tpu.dma_semaphore, #tpu.memory_space<semaphore_mem>>
      %dma_start3A = arith.constant 0 : i32
      %dma_start3A_39 = tpu.memref_slice %arg10[%add3A_14, %dma_start3A] : memref<10240x128xf32, #tpu.memory_space<vmem_shared>> -> memref<128x128xf32, #tpu.memory_space<vmem_shared>>
      %dma_start3A_40 = arith.constant 0 : i32
      %dma_start3A_41 = tpu.memref_slice %arg10[%add3A_14, %dma_start3A_40] : memref<10240x128xf32, #tpu.memory_space<vmem_shared>> -> memref<128x128xf32, #tpu.memory_space<vmem_shared>>
      tpu.enqueue_dma source(%arg8 : memref<128x128xf32, #tpu.memory_space<vmem>>) target(%dma_start3A_41 : memref<128x128xf32, #tpu.memory_space<vmem_shared>>) target_semaphore(%run_scoped3A : memref<!tpu.dma_semaphore, #tpu.memory_space<semaphore_mem>>)
      %dma_wait3A = arith.constant 0 : i32
      %dma_wait3A_42 = tpu.memref_slice %arg10[%add3A_14, %dma_wait3A] : memref<10240x128xf32, #tpu.memory_space<vmem_shared>> -> memref<128x128xf32, #tpu.memory_space<vmem_shared>>
      %dma_wait3A_43 = arith.constant 0 : i32
      %dma_wait3A_44 = tpu.memref_slice %arg10[%add3A_14, %dma_wait3A_43] : memref<10240x128xf32, #tpu.memory_space<vmem_shared>> -> memref<128x128xf32, #tpu.memory_space<vmem_shared>>
      tpu.wait_dma2 semaphore(%run_scoped3A : memref<!tpu.dma_semaphore, #tpu.memory_space<semaphore_mem>>) src(%arg8 : memref<128x128xf32, #tpu.memory_space<vmem>>) dst(%dma_wait3A_44 : memref<128x128xf32, #tpu.memory_space<vmem_shared>>)
      tpu.yield
    }) : () -> ()
    %mul3A_15 = arith.constant 640 : i32
    %mul3A_16 = arith.muli %arg1, %mul3A_15 : i32
    %add3A_17 = arith.constant 256 : i32
    %add3A_18 = arith.addi %mul3A_16, %add3A_17 : i32
    "tpu.region"() ({
      %run_scoped3A = tpu.sem_alloc : memref<!tpu.dma_semaphore, #tpu.memory_space<semaphore_mem>>
      %dma_start3A = arith.constant 0 : i32
      %dma_start3A_39 = tpu.memref_slice %arg10[%add3A_18, %dma_start3A] : memref<10240x128xf32, #tpu.memory_space<vmem_shared>> -> memref<128x128xf32, #tpu.memory_space<vmem_shared>>
      %dma_start3A_40 = arith.constant 0 : i32
      %dma_start3A_41 = tpu.memref_slice %arg10[%add3A_18, %dma_start3A_40] : memref<10240x128xf32, #tpu.memory_space<vmem_shared>> -> memref<128x128xf32, #tpu.memory_space<vmem_shared>>
      tpu.enqueue_dma source(%arg8 : memref<128x128xf32, #tpu.memory_space<vmem>>) target(%dma_start3A_41 : memref<128x128xf32, #tpu.memory_space<vmem_shared>>) target_semaphore(%run_scoped3A : memref<!tpu.dma_semaphore, #tpu.memory_space<semaphore_mem>>)
      %dma_wait3A = arith.constant 0 : i32
      %dma_wait3A_42 = tpu.memref_slice %arg10[%add3A_18, %dma_wait3A] : memref<10240x128xf32, #tpu.memory_space<vmem_shared>> -> memref<128x128xf32, #tpu.memory_space<vmem_shared>>
      %dma_wait3A_43 = arith.constant 0 : i32
      %dma_wait3A_44 = tpu.memref_slice %arg10[%add3A_18, %dma_wait3A_43] : memref<10240x128xf32, #tpu.memory_space<vmem_shared>> -> memref<128x128xf32, #tpu.memory_space<vmem_shared>>
      tpu.wait_dma2 semaphore(%run_scoped3A : memref<!tpu.dma_semaphore, #tpu.memory_space<semaphore_mem>>) src(%arg8 : memref<128x128xf32, #tpu.memory_space<vmem>>) dst(%dma_wait3A_44 : memref<128x128xf32, #tpu.memory_space<vmem_shared>>)
      tpu.yield
    }) : () -> ()
    %mul3A_19 = arith.constant 640 : i32
    %mul3A_20 = arith.muli %arg1, %mul3A_19 : i32
    %add3A_21 = arith.constant 384 : i32
    %add3A_22 = arith.addi %mul3A_20, %add3A_21 : i32
    "tpu.region"() ({
      %run_scoped3A = tpu.sem_alloc : memref<!tpu.dma_semaphore, #tpu.memory_space<semaphore_mem>>
      %dma_start3A = arith.constant 0 : i32
      %dma_start3A_39 = tpu.memref_slice %arg10[%add3A_22, %dma_start3A] : memref<10240x128xf32, #tpu.memory_space<vmem_shared>> -> memref<128x128xf32, #tpu.memory_space<vmem_shared>>
      %dma_start3A_40 = arith.constant 0 : i32
      %dma_start3A_41 = tpu.memref_slice %arg10[%add3A_22, %dma_start3A_40] : memref<10240x128xf32, #tpu.memory_space<vmem_shared>> -> memref<128x128xf32, #tpu.memory_space<vmem_shared>>
      tpu.enqueue_dma source(%arg8 : memref<128x128xf32, #tpu.memory_space<vmem>>) target(%dma_start3A_41 : memref<128x128xf32, #tpu.memory_space<vmem_shared>>) target_semaphore(%run_scoped3A : memref<!tpu.dma_semaphore, #tpu.memory_space<semaphore_mem>>)
      %dma_wait3A = arith.constant 0 : i32
      %dma_wait3A_42 = tpu.memref_slice %arg10[%add3A_22, %dma_wait3A] : memref<10240x128xf32, #tpu.memory_space<vmem_shared>> -> memref<128x128xf32, #tpu.memory_space<vmem_shared>>
      %dma_wait3A_43 = arith.constant 0 : i32
      %dma_wait3A_44 = tpu.memref_slice %arg10[%add3A_22, %dma_wait3A_43] : memref<10240x128xf32, #tpu.memory_space<vmem_shared>> -> memref<128x128xf32, #tpu.memory_space<vmem_shared>>
      tpu.wait_dma2 semaphore(%run_scoped3A : memref<!tpu.dma_semaphore, #tpu.memory_space<semaphore_mem>>) src(%arg8 : memref<128x128xf32, #tpu.memory_space<vmem>>) dst(%dma_wait3A_44 : memref<128x128xf32, #tpu.memory_space<vmem_shared>>)
      tpu.yield
    }) : () -> ()
    %mul3A_23 = arith.constant 640 : i32
    %mul3A_24 = arith.muli %arg1, %mul3A_23 : i32
    %add3A_25 = arith.constant 512 : i32
    %add3A_26 = arith.addi %mul3A_24, %add3A_25 : i32
    "tpu.region"() ({
      %run_scoped3A = tpu.sem_alloc : memref<!tpu.dma_semaphore, #tpu.memory_space<semaphore_mem>>
      %dma_start3A = arith.constant 0 : i32
      %dma_start3A_39 = tpu.memref_slice %arg10[%add3A_26, %dma_start3A] : memref<10240x128xf32, #tpu.memory_space<vmem_shared>> -> memref<128x128xf32, #tpu.memory_space<vmem_shared>>
      %dma_start3A_40 = arith.constant 0 : i32
      %dma_start3A_41 = tpu.memref_slice %arg10[%add3A_26, %dma_start3A_40] : memref<10240x128xf32, #tpu.memory_space<vmem_shared>> -> memref<128x128xf32, #tpu.memory_space<vmem_shared>>
      tpu.enqueue_dma source(%arg8 : memref<128x128xf32, #tpu.memory_space<vmem>>) target(%dma_start3A_41 : memref<128x128xf32, #tpu.memory_space<vmem_shared>>) target_semaphore(%run_scoped3A : memref<!tpu.dma_semaphore, #tpu.memory_space<semaphore_mem>>)
      %dma_wait3A = arith.constant 0 : i32
      %dma_wait3A_42 = tpu.memref_slice %arg10[%add3A_26, %dma_wait3A] : memref<10240x128xf32, #tpu.memory_space<vmem_shared>> -> memref<128x128xf32, #tpu.memory_space<vmem_shared>>
      %dma_wait3A_43 = arith.constant 0 : i32
      %dma_wait3A_44 = tpu.memref_slice %arg10[%add3A_26, %dma_wait3A_43] : memref<10240x128xf32, #tpu.memory_space<vmem_shared>> -> memref<128x128xf32, #tpu.memory_space<vmem_shared>>
      tpu.wait_dma2 semaphore(%run_scoped3A : memref<!tpu.dma_semaphore, #tpu.memory_space<semaphore_mem>>) src(%arg8 : memref<128x128xf32, #tpu.memory_space<vmem>>) dst(%dma_wait3A_44 : memref<128x128xf32, #tpu.memory_space<vmem_shared>>)
      tpu.yield
    }) : () -> ()
    %barrier3A = arith.constant 0 : index
    tpu.barrier barrier_id(%barrier3A)
    %scan3A_27 = arith.constant 0 : i32
    %scan3A_28 = arith.constant 0 : i32
    %scan3A_29 = arith.constant 2 : i32
    %scan3A_30 = arith.addi %scan3A_28, %scan3A_29 : i32
    %scan3A_31 = arith.constant 1 : i32
    %scan3A_32 = scf.for %scan3A_39 = %scan3A_28 to %scan3A_30 step %scan3A_31 iter_args(%scan3A_40 = %scan3A_27) -> (i32)  : i32 {
      %mul3A_41 = arith.constant 40 : i32
      %mul3A_42 = arith.muli %scan3A_39, %mul3A_41 : i32
      "tpu.region"() ({
        %run_scoped3A = tpu.sem_alloc : memref<!tpu.dma_semaphore, #tpu.memory_space<semaphore_mem>>
        %dma_start3A_59 = arith.constant 0 : i32
        %dma_start3A_60 = tpu.memref_slice %arg3[%add3A, %mul3A_42, %dma_start3A_59] : memref<32x80x128xi32, #tpu.memory_space<hbm>> -> memref<1x40x128xi32, #tpu.memory_space<hbm>>
        %dma_start3A_61 = tpu.memref_squeeze %dma_start3A_60 : memref<1x40x128xi32, #tpu.memory_space<hbm>> -> memref<40x128xi32, #tpu.memory_space<hbm>>
        %dma_start3A_62 = arith.constant 0 : i32
        %dma_start3A_63 = tpu.memref_slice %arg3[%add3A, %mul3A_42, %dma_start3A_62] : memref<32x80x128xi32, #tpu.memory_space<hbm>> -> memref<1x40x128xi32, #tpu.memory_space<hbm>>
        %dma_start3A_64 = tpu.memref_squeeze %dma_start3A_63 : memref<1x40x128xi32, #tpu.memory_space<hbm>> -> memref<40x128xi32, #tpu.memory_space<hbm>>
        tpu.enqueue_dma source(%dma_start3A_64 : memref<40x128xi32, #tpu.memory_space<hbm>>) target(%arg6 : memref<40x128xi32, #tpu.memory_space<vmem>>) target_semaphore(%run_scoped3A : memref<!tpu.dma_semaphore, #tpu.memory_space<semaphore_mem>>)
        %dma_wait3A = arith.constant 0 : i32
        %dma_wait3A_65 = tpu.memref_slice %arg3[%add3A, %mul3A_42, %dma_wait3A] : memref<32x80x128xi32, #tpu.memory_space<hbm>> -> memref<1x40x128xi32, #tpu.memory_space<hbm>>
        %dma_wait3A_66 = tpu.memref_squeeze %dma_wait3A_65 : memref<1x40x128xi32, #tpu.memory_space<hbm>> -> memref<40x128xi32, #tpu.memory_space<hbm>>
        %dma_wait3A_67 = arith.constant 0 : i32
        %dma_wait3A_68 = tpu.memref_slice %arg3[%add3A, %mul3A_42, %dma_wait3A_67] : memref<32x80x128xi32, #tpu.memory_space<hbm>> -> memref<1x40x128xi32, #tpu.memory_space<hbm>>
        %dma_wait3A_69 = tpu.memref_squeeze %dma_wait3A_68 : memref<1x40x128xi32, #tpu.memory_space<hbm>> -> memref<40x128xi32, #tpu.memory_space<hbm>>
        tpu.wait_dma2 semaphore(%run_scoped3A : memref<!tpu.dma_semaphore, #tpu.memory_space<semaphore_mem>>) src(%dma_wait3A_69 : memref<40x128xi32, #tpu.memory_space<hbm>>) dst(%arg6 : memref<40x128xi32, #tpu.memory_space<vmem>>)
        tpu.yield
      }) : () -> ()
      %mul3A_43 = arith.constant 40 : i32
      %mul3A_44 = arith.muli %scan3A_39, %mul3A_43 : i32
      "tpu.region"() ({
        %run_scoped3A = tpu.sem_alloc : memref<!tpu.dma_semaphore, #tpu.memory_space<semaphore_mem>>
        %dma_start3A_59 = arith.constant 0 : i32
        %dma_start3A_60 = tpu.memref_slice %arg4[%add3A, %mul3A_44, %dma_start3A_59] : memref<32x80x128xi32, #tpu.memory_space<hbm>> -> memref<1x40x128xi32, #tpu.memory_space<hbm>>
        %dma_start3A_61 = tpu.memref_squeeze %dma_start3A_60 : memref<1x40x128xi32, #tpu.memory_space<hbm>> -> memref<40x128xi32, #tpu.memory_space<hbm>>
        %dma_start3A_62 = arith.constant 0 : i32
        %dma_start3A_63 = tpu.memref_slice %arg4[%add3A, %mul3A_44, %dma_start3A_62] : memref<32x80x128xi32, #tpu.memory_space<hbm>> -> memref<1x40x128xi32, #tpu.memory_space<hbm>>
        %dma_start3A_64 = tpu.memref_squeeze %dma_start3A_63 : memref<1x40x128xi32, #tpu.memory_space<hbm>> -> memref<40x128xi32, #tpu.memory_space<hbm>>
        tpu.enqueue_dma source(%dma_start3A_64 : memref<40x128xi32, #tpu.memory_space<hbm>>) target(%arg7 : memref<40x128xi32, #tpu.memory_space<vmem>>) target_semaphore(%run_scoped3A : memref<!tpu.dma_semaphore, #tpu.memory_space<semaphore_mem>>)
        %dma_wait3A = arith.constant 0 : i32
        %dma_wait3A_65 = tpu.memref_slice %arg4[%add3A, %mul3A_44, %dma_wait3A] : memref<32x80x128xi32, #tpu.memory_space<hbm>> -> memref<1x40x128xi32, #tpu.memory_space<hbm>>
        %dma_wait3A_66 = tpu.memref_squeeze %dma_wait3A_65 : memref<1x40x128xi32, #tpu.memory_space<hbm>> -> memref<40x128xi32, #tpu.memory_space<hbm>>
        %dma_wait3A_67 = arith.constant 0 : i32
        %dma_wait3A_68 = tpu.memref_slice %arg4[%add3A, %mul3A_44, %dma_wait3A_67] : memref<32x80x128xi32, #tpu.memory_space<hbm>> -> memref<1x40x128xi32, #tpu.memory_space<hbm>>
        %dma_wait3A_69 = tpu.memref_squeeze %dma_wait3A_68 : memref<1x40x128xi32, #tpu.memory_space<hbm>> -> memref<40x128xi32, #tpu.memory_space<hbm>>
        tpu.wait_dma2 semaphore(%run_scoped3A : memref<!tpu.dma_semaphore, #tpu.memory_space<semaphore_mem>>) src(%dma_wait3A_69 : memref<40x128xi32, #tpu.memory_space<hbm>>) dst(%arg7 : memref<40x128xi32, #tpu.memory_space<vmem>>)
        tpu.yield
      }) : () -> ()
      %dma_start3A = arith.constant 0 : i32
      %dma_start3A_45 = arith.constant 0 : i32
      %dma_start3A_46 = tpu.memref_slice %arg6[%dma_start3A, %dma_start3A_45] : memref<40x128xi32, #tpu.memory_space<vmem>> -> memref<1x128xi32, #tpu.memory_space<vmem>>
      %dma_start3A_47 = tpu.memref_squeeze %dma_start3A_46 : memref<1x128xi32, #tpu.memory_space<vmem>> -> memref<128xi32, #tpu.memory_space<vmem>>
      %dma_start3A_48 = arith.constant 0 : i32
      %dma_start3A_49 = arith.constant 0 : i32
      %dma_start3A_50 = tpu.memref_slice %arg2[%dma_start3A_48, %dma_start3A_49] : memref<10240x128xf32, #tpu.memory_space<hbm>> -> memref<10240x128xf32, #tpu.memory_space<hbm>>
      tpu.enqueue_indirect_dma source(%dma_start3A_50 : memref<10240x128xf32, #tpu.memory_space<hbm>>) target(%arg8 : memref<128x128xf32, #tpu.memory_space<vmem>>) offsets(%dma_start3A_47 : memref<128xi32, #tpu.memory_space<vmem>>) semaphore(%arg11 : memref<!tpu.dma_semaphore, #tpu.memory_space<semaphore_mem>>)
      %scan3A_51 = arith.constant 0 : i32
      %scan3A_52 = arith.constant 0 : i32
      %scan3A_53 = arith.constant 20 : i32
      %scan3A_54 = arith.addi %scan3A_52, %scan3A_53 : i32
      %scan3A_55 = arith.constant 1 : i32
      %scan3A_56 = scf.for %scan3A_59 = %scan3A_52 to %scan3A_54 step %scan3A_55 iter_args(%scan3A_60 = %scan3A_51) -> (i32)  : i32 {
        %mul3A_61 = arith.constant 2 : i32
        %mul3A_62 = arith.muli %mul3A_61, %scan3A_59 : i32
        %dma_wait3A = arith.constant 0 : i32
        %dma_wait3A_63 = tpu.memref_slice %arg6[%mul3A_62, %dma_wait3A] : memref<40x128xi32, #tpu.memory_space<vmem>> -> memref<1x128xi32, #tpu.memory_space<vmem>>
        %dma_wait3A_64 = tpu.memref_squeeze %dma_wait3A_63 : memref<1x128xi32, #tpu.memory_space<vmem>> -> memref<128xi32, #tpu.memory_space<vmem>>
        %dma_wait3A_65 = arith.constant 0 : i32
        %dma_wait3A_66 = arith.constant 0 : i32
        %dma_wait3A_67 = tpu.memref_slice %arg2[%dma_wait3A_65, %dma_wait3A_66] : memref<10240x128xf32, #tpu.memory_space<hbm>> -> memref<10240x128xf32, #tpu.memory_space<hbm>>
        tpu.wait_indirect_dma semaphore(%arg11 : memref<!tpu.dma_semaphore, #tpu.memory_space<semaphore_mem>>) src(%dma_wait3A_67 : memref<10240x128xf32, #tpu.memory_space<hbm>>) dst(%arg8 : memref<128x128xf32, #tpu.memory_space<vmem>>)
        %add3A_68 = arith.constant 1 : i32
        %add3A_69 = arith.addi %mul3A_62, %add3A_68 : i32
        %dma_start3A_70 = arith.constant 0 : i32
        %dma_start3A_71 = tpu.memref_slice %arg6[%add3A_69, %dma_start3A_70] : memref<40x128xi32, #tpu.memory_space<vmem>> -> memref<1x128xi32, #tpu.memory_space<vmem>>
        %dma_start3A_72 = tpu.memref_squeeze %dma_start3A_71 : memref<1x128xi32, #tpu.memory_space<vmem>> -> memref<128xi32, #tpu.memory_space<vmem>>
        %dma_start3A_73 = arith.constant 0 : i32
        %dma_start3A_74 = arith.constant 0 : i32
        %dma_start3A_75 = tpu.memref_slice %arg2[%dma_start3A_73, %dma_start3A_74] : memref<10240x128xf32, #tpu.memory_space<hbm>> -> memref<10240x128xf32, #tpu.memory_space<hbm>>
        tpu.enqueue_indirect_dma source(%dma_start3A_75 : memref<10240x128xf32, #tpu.memory_space<hbm>>) target(%arg9 : memref<128x128xf32, #tpu.memory_space<vmem>>) offsets(%dma_start3A_72 : memref<128xi32, #tpu.memory_space<vmem>>) semaphore(%arg12 : memref<!tpu.dma_semaphore, #tpu.memory_space<semaphore_mem>>)
        "tpu.region"() ({
          %run_scoped3A = tpu.sem_alloc : memref<!tpu.dma_semaphore, #tpu.memory_space<semaphore_mem>>
          %dma_start3A_89 = arith.constant 0 : i32
          %dma_start3A_90 = tpu.memref_slice %arg7[%mul3A_62, %dma_start3A_89] : memref<40x128xi32, #tpu.memory_space<vmem>> -> memref<1x128xi32, #tpu.memory_space<vmem>>
          %dma_start3A_91 = tpu.memref_squeeze %dma_start3A_90 : memref<1x128xi32, #tpu.memory_space<vmem>> -> memref<128xi32, #tpu.memory_space<vmem>>
          %dma_start3A_92 = arith.constant 0 : i32
          %dma_start3A_93 = arith.constant 0 : i32
          %dma_start3A_94 = tpu.memref_slice %arg10[%dma_start3A_92, %dma_start3A_93] : memref<10240x128xf32, #tpu.memory_space<vmem_shared>> -> memref<10240x128xf32, #tpu.memory_space<vmem_shared>>
          tpu.enqueue_indirect_dma source(%arg8 : memref<128x128xf32, #tpu.memory_space<vmem>>) target(%dma_start3A_94 : memref<10240x128xf32, #tpu.memory_space<vmem_shared>>) offsets(%dma_start3A_91 : memref<128xi32, #tpu.memory_space<vmem>>) semaphore(%run_scoped3A : memref<!tpu.dma_semaphore, #tpu.memory_space<semaphore_mem>>) {add = true}
          %dma_wait3A_95 = arith.constant 0 : i32
          %dma_wait3A_96 = tpu.memref_slice %arg7[%mul3A_62, %dma_wait3A_95] : memref<40x128xi32, #tpu.memory_space<vmem>> -> memref<1x128xi32, #tpu.memory_space<vmem>>
          %dma_wait3A_97 = tpu.memref_squeeze %dma_wait3A_96 : memref<1x128xi32, #tpu.memory_space<vmem>> -> memref<128xi32, #tpu.memory_space<vmem>>
          %dma_wait3A_98 = arith.constant 0 : i32
          %dma_wait3A_99 = arith.constant 0 : i32
          %dma_wait3A_100 = tpu.memref_slice %arg10[%dma_wait3A_98, %dma_wait3A_99] : memref<10240x128xf32, #tpu.memory_space<vmem_shared>> -> memref<10240x128xf32, #tpu.memory_space<vmem_shared>>
          tpu.wait_indirect_dma semaphore(%run_scoped3A : memref<!tpu.dma_semaphore, #tpu.memory_space<semaphore_mem>>) src(%arg8 : memref<128x128xf32, #tpu.memory_space<vmem>>) dst(%dma_wait3A_100 : memref<10240x128xf32, #tpu.memory_space<vmem_shared>>)
          tpu.yield
        }) : () -> ()
        %lt3A = arith.constant 19 : i32
        %lt3A_76 = arith.cmpi slt, %scan3A_59, %lt3A : i32
        %convert_element_type3A = arith.extui %lt3A_76 : i1 to i32
        %cond3A = arith.constant 0 : i32
        %cond3A_77 = arith.cmpi ne, %convert_element_type3A, %cond3A : i32
        scf.if %cond3A_77 {
          %add3A_89 = arith.constant 2 : i32
          %add3A_90 = arith.addi %mul3A_62, %add3A_89 : i32
          %dma_start3A_91 = arith.constant 0 : i32
          %dma_start3A_92 = tpu.memref_slice %arg6[%add3A_90, %dma_start3A_91] : memref<40x128xi32, #tpu.memory_space<vmem>> -> memref<1x128xi32, #tpu.memory_space<vmem>>
          %dma_start3A_93 = tpu.memref_squeeze %dma_start3A_92 : memref<1x128xi32, #tpu.memory_space<vmem>> -> memref<128xi32, #tpu.memory_space<vmem>>
          %dma_start3A_94 = arith.constant 0 : i32
          %dma_start3A_95 = arith.constant 0 : i32
          %dma_start3A_96 = tpu.memref_slice %arg2[%dma_start3A_94, %dma_start3A_95] : memref<10240x128xf32, #tpu.memory_space<hbm>> -> memref<10240x128xf32, #tpu.memory_space<hbm>>
          tpu.enqueue_indirect_dma source(%dma_start3A_96 : memref<10240x128xf32, #tpu.memory_space<hbm>>) target(%arg8 : memref<128x128xf32, #tpu.memory_space<vmem>>) offsets(%dma_start3A_93 : memref<128xi32, #tpu.memory_space<vmem>>) semaphore(%arg11 : memref<!tpu.dma_semaphore, #tpu.memory_space<semaphore_mem>>)
        } else {
        }
        %add3A_78 = arith.constant 1 : i32
        %add3A_79 = arith.addi %mul3A_62, %add3A_78 : i32
        %dma_wait3A_80 = arith.constant 0 : i32
        %dma_wait3A_81 = tpu.memref_slice %arg6[%add3A_79, %dma_wait3A_80] : memref<40x128xi32, #tpu.memory_space<vmem>> -> memref<1x128xi32, #tpu.memory_space<vmem>>
        %dma_wait3A_82 = tpu.memref_squeeze %dma_wait3A_81 : memref<1x128xi32, #tpu.memory_space<vmem>> -> memref<128xi32, #tpu.memory_space<vmem>>
        %dma_wait3A_83 = arith.constant 0 : i32
        %dma_wait3A_84 = arith.constant 0 : i32
        %dma_wait3A_85 = tpu.memref_slice %arg2[%dma_wait3A_83, %dma_wait3A_84] : memref<10240x128xf32, #tpu.memory_space<hbm>> -> memref<10240x128xf32, #tpu.memory_space<hbm>>
        tpu.wait_indirect_dma semaphore(%arg12 : memref<!tpu.dma_semaphore, #tpu.memory_space<semaphore_mem>>) src(%dma_wait3A_85 : memref<10240x128xf32, #tpu.memory_space<hbm>>) dst(%arg9 : memref<128x128xf32, #tpu.memory_space<vmem>>)
        %add3A_86 = arith.constant 1 : i32
        %add3A_87 = arith.addi %mul3A_62, %add3A_86 : i32
        "tpu.region"() ({
          %run_scoped3A = tpu.sem_alloc : memref<!tpu.dma_semaphore, #tpu.memory_space<semaphore_mem>>
          %dma_start3A_89 = arith.constant 0 : i32
          %dma_start3A_90 = tpu.memref_slice %arg7[%add3A_87, %dma_start3A_89] : memref<40x128xi32, #tpu.memory_space<vmem>> -> memref<1x128xi32, #tpu.memory_space<vmem>>
          %dma_start3A_91 = tpu.memref_squeeze %dma_start3A_90 : memref<1x128xi32, #tpu.memory_space<vmem>> -> memref<128xi32, #tpu.memory_space<vmem>>
          %dma_start3A_92 = arith.constant 0 : i32
          %dma_start3A_93 = arith.constant 0 : i32
          %dma_start3A_94 = tpu.memref_slice %arg10[%dma_start3A_92, %dma_start3A_93] : memref<10240x128xf32, #tpu.memory_space<vmem_shared>> -> memref<10240x128xf32, #tpu.memory_space<vmem_shared>>
          tpu.enqueue_indirect_dma source(%arg9 : memref<128x128xf32, #tpu.memory_space<vmem>>) target(%dma_start3A_94 : memref<10240x128xf32, #tpu.memory_space<vmem_shared>>) offsets(%dma_start3A_91 : memref<128xi32, #tpu.memory_space<vmem>>) semaphore(%run_scoped3A : memref<!tpu.dma_semaphore, #tpu.memory_space<semaphore_mem>>) {add = true}
          %dma_wait3A_95 = arith.constant 0 : i32
          %dma_wait3A_96 = tpu.memref_slice %arg7[%add3A_87, %dma_wait3A_95] : memref<40x128xi32, #tpu.memory_space<vmem>> -> memref<1x128xi32, #tpu.memory_space<vmem>>
          %dma_wait3A_97 = tpu.memref_squeeze %dma_wait3A_96 : memref<1x128xi32, #tpu.memory_space<vmem>> -> memref<128xi32, #tpu.memory_space<vmem>>
          %dma_wait3A_98 = arith.constant 0 : i32
          %dma_wait3A_99 = arith.constant 0 : i32
          %dma_wait3A_100 = tpu.memref_slice %arg10[%dma_wait3A_98, %dma_wait3A_99] : memref<10240x128xf32, #tpu.memory_space<vmem_shared>> -> memref<10240x128xf32, #tpu.memory_space<vmem_shared>>
          tpu.wait_indirect_dma semaphore(%run_scoped3A : memref<!tpu.dma_semaphore, #tpu.memory_space<semaphore_mem>>) src(%arg9 : memref<128x128xf32, #tpu.memory_space<vmem>>) dst(%dma_wait3A_100 : memref<10240x128xf32, #tpu.memory_space<vmem_shared>>)
          tpu.yield
        }) : () -> ()
        %scan3A_88 = arith.constant 0 : i32
        scf.yield %scan3A_88 : i32
      }
      %scan3A_57 = arith.constant 20 : i32
      %scan3A_58 = arith.constant 0 : i32
      scf.yield %scan3A_58 : i32
    }
    %scan3A_33 = arith.constant 2 : i32
    %barrier3A_34 = arith.constant 0 : index
    tpu.barrier barrier_id(%barrier3A_34)
    %mul3A_35 = arith.constant 640 : i32
    %mul3A_36 = arith.muli %arg1, %mul3A_35 : i32
    %mul3A_37 = arith.constant 640 : i32
    %mul3A_38 = arith.muli %arg1, %mul3A_37 : i32
    "tpu.region"() ({
      %run_scoped3A = tpu.sem_alloc : memref<!tpu.dma_semaphore, #tpu.memory_space<semaphore_mem>>
      %dma_start3A = arith.constant 0 : i32
      %dma_start3A_39 = tpu.memref_slice %arg5[%arg0, %mul3A_38, %dma_start3A] : memref<2x10240x128xf32, #tpu.memory_space<hbm>> -> memref<1x640x128xf32, #tpu.memory_space<hbm>>
      %dma_start3A_40 = tpu.memref_squeeze %dma_start3A_39 : memref<1x640x128xf32, #tpu.memory_space<hbm>> -> memref<640x128xf32, #tpu.memory_space<hbm>>
      %dma_start3A_41 = arith.constant 0 : i32
      %dma_start3A_42 = tpu.memref_slice %arg10[%mul3A_36, %dma_start3A_41] : memref<10240x128xf32, #tpu.memory_space<vmem_shared>> -> memref<640x128xf32, #tpu.memory_space<vmem_shared>>
      tpu.enqueue_dma source(%dma_start3A_42 : memref<640x128xf32, #tpu.memory_space<vmem_shared>>) target(%dma_start3A_40 : memref<640x128xf32, #tpu.memory_space<hbm>>) target_semaphore(%run_scoped3A : memref<!tpu.dma_semaphore, #tpu.memory_space<semaphore_mem>>)
      %dma_wait3A = arith.constant 0 : i32
      %dma_wait3A_43 = tpu.memref_slice %arg5[%arg0, %mul3A_38, %dma_wait3A] : memref<2x10240x128xf32, #tpu.memory_space<hbm>> -> memref<1x640x128xf32, #tpu.memory_space<hbm>>
      %dma_wait3A_44 = tpu.memref_squeeze %dma_wait3A_43 : memref<1x640x128xf32, #tpu.memory_space<hbm>> -> memref<640x128xf32, #tpu.memory_space<hbm>>
      %dma_wait3A_45 = arith.constant 0 : i32
      %dma_wait3A_46 = tpu.memref_slice %arg10[%mul3A_36, %dma_wait3A_45] : memref<10240x128xf32, #tpu.memory_space<vmem_shared>> -> memref<640x128xf32, #tpu.memory_space<vmem_shared>>
      tpu.wait_dma2 semaphore(%run_scoped3A : memref<!tpu.dma_semaphore, #tpu.memory_space<semaphore_mem>>) src(%dma_wait3A_46 : memref<640x128xf32, #tpu.memory_space<vmem_shared>>) dst(%dma_wait3A_44 : memref<640x128xf32, #tpu.memory_space<hbm>>)
      tpu.yield
    }) : () -> ()
    return
  }
}

#map = affine_map<(d0, d1) -> (0, 0)>
#map1 = affine_map<(d0, d1) -> (0, 0, 0)>
module attributes {stable_mosaic.version = 14 : i64} {
  func.func @_agg(%arg0: i32, %arg1: i32, %arg2: memref<10240x128xf32, #tpu.memory_space<hbm>>, %arg3: memref<32x80x128xi32, #tpu.memory_space<hbm>>, %arg4: memref<32x80x128xi32, #tpu.memory_space<hbm>>, %arg5: memref<2x10240x128xf32, #tpu.memory_space<hbm>>, %arg6: memref<40x128xi32, #tpu.memory_space<vmem>>, %arg7: memref<40x128xi32, #tpu.memory_space<vmem>>, %arg8: memref<128x128xf32, #tpu.memory_space<vmem>>, %arg9: memref<128x128xf32, #tpu.memory_space<vmem>>, %arg10: memref<10240x128xf32, #tpu.memory_space<vmem_shared>>, %arg11: memref<!tpu.dma_semaphore, #tpu.memory_space<semaphore_mem>>, %arg12: memref<!tpu.dma_semaphore, #tpu.memory_space<semaphore_mem>>) attributes {dimension_semantics = [#tpu.dimension_semantics<core_parallel>, #tpu.dimension_semantics<subcore_parallel>], iteration_bounds = array<i64: 2, 16>, scalar_prefetch = 0 : i64, scratch_operands = 7 : i64, tpu.core_type = #tpu.core_type<sc_vector_subcore>, window_params = [{transform_indices = #map}, {transform_indices = #map1}, {transform_indices = #map1}, {transform_indices = #map1}]} {
    %mul3A = arith.constant 16 : i32
    %mul3A_0 = arith.muli %arg0, %mul3A : i32
    %add3A = arith.addi %mul3A_0, %arg1 : i32
    %scan3A = arith.constant 0 : i32
    %scan3A_1 = arith.constant 0 : i32
    %scan3A_2 = arith.constant 128 : i32
    %scan3A_3 = arith.addi %scan3A_1, %scan3A_2 : i32
    %scan3A_4 = arith.constant 1 : i32
    %scan3A_5 = scf.for %scan3A_39 = %scan3A_1 to %scan3A_3 step %scan3A_4 iter_args(%scan3A_40 = %scan3A) -> (i32)  : i32 {
      %broadcast_in_dim3A = arith.constant 0.000000e+00 : f32
      %broadcast_in_dim3A_41 = vector.broadcast %broadcast_in_dim3A : f32 to vector<16xf32>
      %swap3A = arith.index_cast %scan3A_39 : i32 to index
      %swap3A_42 = arith.constant 0 : index
      %swap3A_43 = tpu.vector_load %arg8[%swap3A, %swap3A_42] {strides = array<i32>} : memref<128x128xf32, #tpu.memory_space<vmem>>, vector<1x16xf32>,
      %swap3A_44 = vector.shape_cast %swap3A_43 : vector<1x16xf32> to vector<16xf32>
      %swap3A_45 = vector.shape_cast %broadcast_in_dim3A_41 : vector<16xf32> to vector<1x16xf32>
      tpu.vector_store %arg8[%swap3A, %swap3A_42], %swap3A_45 {strides = array<i32>} : memref<128x128xf32, #tpu.memory_space<vmem>>, vector<1x16xf32>,
      %broadcast_in_dim3A_46 = arith.constant 0.000000e+00 : f32
      %broadcast_in_dim3A_47 = vector.broadcast %broadcast_in_dim3A_46 : f32 to vector<16xf32>
      %swap3A_48 = arith.index_cast %scan3A_39 : i32 to index
      %swap3A_49 = arith.constant 16 : index
      %swap3A_50 = tpu.vector_load %arg8[%swap3A_48, %swap3A_49] {strides = array<i32>} : memref<128x128xf32, #tpu.memory_space<vmem>>, vector<1x16xf32>,
      %swap3A_51 = vector.shape_cast %swap3A_50 : vector<1x16xf32> to vector<16xf32>
      %swap3A_52 = vector.shape_cast %broadcast_in_dim3A_47 : vector<16xf32> to vector<1x16xf32>
      tpu.vector_store %arg8[%swap3A_48, %swap3A_49], %swap3A_52 {strides = array<i32>} : memref<128x128xf32, #tpu.memory_space<vmem>>, vector<1x16xf32>,
      %broadcast_in_dim3A_53 = arith.constant 0.000000e+00 : f32
      %broadcast_in_dim3A_54 = vector.broadcast %broadcast_in_dim3A_53 : f32 to vector<16xf32>
      %swap3A_55 = arith.index_cast %scan3A_39 : i32 to index
      %swap3A_56 = arith.constant 32 : index
      %swap3A_57 = tpu.vector_load %arg8[%swap3A_55, %swap3A_56] {strides = array<i32>} : memref<128x128xf32, #tpu.memory_space<vmem>>, vector<1x16xf32>,
      %swap3A_58 = vector.shape_cast %swap3A_57 : vector<1x16xf32> to vector<16xf32>
      %swap3A_59 = vector.shape_cast %broadcast_in_dim3A_54 : vector<16xf32> to vector<1x16xf32>
      tpu.vector_store %arg8[%swap3A_55, %swap3A_56], %swap3A_59 {strides = array<i32>} : memref<128x128xf32, #tpu.memory_space<vmem>>, vector<1x16xf32>,
      %broadcast_in_dim3A_60 = arith.constant 0.000000e+00 : f32
      %broadcast_in_dim3A_61 = vector.broadcast %broadcast_in_dim3A_60 : f32 to vector<16xf32>
      %swap3A_62 = arith.index_cast %scan3A_39 : i32 to index
      %swap3A_63 = arith.constant 48 : index
      %swap3A_64 = tpu.vector_load %arg8[%swap3A_62, %swap3A_63] {strides = array<i32>} : memref<128x128xf32, #tpu.memory_space<vmem>>, vector<1x16xf32>,
      %swap3A_65 = vector.shape_cast %swap3A_64 : vector<1x16xf32> to vector<16xf32>
      %swap3A_66 = vector.shape_cast %broadcast_in_dim3A_61 : vector<16xf32> to vector<1x16xf32>
      tpu.vector_store %arg8[%swap3A_62, %swap3A_63], %swap3A_66 {strides = array<i32>} : memref<128x128xf32, #tpu.memory_space<vmem>>, vector<1x16xf32>,
      %broadcast_in_dim3A_67 = arith.constant 0.000000e+00 : f32
      %broadcast_in_dim3A_68 = vector.broadcast %broadcast_in_dim3A_67 : f32 to vector<16xf32>
      %swap3A_69 = arith.index_cast %scan3A_39 : i32 to index
      %swap3A_70 = arith.constant 64 : index
      %swap3A_71 = tpu.vector_load %arg8[%swap3A_69, %swap3A_70] {strides = array<i32>} : memref<128x128xf32, #tpu.memory_space<vmem>>, vector<1x16xf32>,
      %swap3A_72 = vector.shape_cast %swap3A_71 : vector<1x16xf32> to vector<16xf32>
      %swap3A_73 = vector.shape_cast %broadcast_in_dim3A_68 : vector<16xf32> to vector<1x16xf32>
      tpu.vector_store %arg8[%swap3A_69, %swap3A_70], %swap3A_73 {strides = array<i32>} : memref<128x128xf32, #tpu.memory_space<vmem>>, vector<1x16xf32>,
      %broadcast_in_dim3A_74 = arith.constant 0.000000e+00 : f32
      %broadcast_in_dim3A_75 = vector.broadcast %broadcast_in_dim3A_74 : f32 to vector<16xf32>
      %swap3A_76 = arith.index_cast %scan3A_39 : i32 to index
      %swap3A_77 = arith.constant 80 : index
      %swap3A_78 = tpu.vector_load %arg8[%swap3A_76, %swap3A_77] {strides = array<i32>} : memref<128x128xf32, #tpu.memory_space<vmem>>, vector<1x16xf32>,
      %swap3A_79 = vector.shape_cast %swap3A_78 : vector<1x16xf32> to vector<16xf32>
      %swap3A_80 = vector.shape_cast %broadcast_in_dim3A_75 : vector<16xf32> to vector<1x16xf32>
      tpu.vector_store %arg8[%swap3A_76, %swap3A_77], %swap3A_80 {strides = array<i32>} : memref<128x128xf32, #tpu.memory_space<vmem>>, vector<1x16xf32>,
      %broadcast_in_dim3A_81 = arith.constant 0.000000e+00 : f32
      %broadcast_in_dim3A_82 = vector.broadcast %broadcast_in_dim3A_81 : f32 to vector<16xf32>
      %swap3A_83 = arith.index_cast %scan3A_39 : i32 to index
      %swap3A_84 = arith.constant 96 : index
      %swap3A_85 = tpu.vector_load %arg8[%swap3A_83, %swap3A_84] {strides = array<i32>} : memref<128x128xf32, #tpu.memory_space<vmem>>, vector<1x16xf32>,
      %swap3A_86 = vector.shape_cast %swap3A_85 : vector<1x16xf32> to vector<16xf32>
      %swap3A_87 = vector.shape_cast %broadcast_in_dim3A_82 : vector<16xf32> to vector<1x16xf32>
      tpu.vector_store %arg8[%swap3A_83, %swap3A_84], %swap3A_87 {strides = array<i32>} : memref<128x128xf32, #tpu.memory_space<vmem>>, vector<1x16xf32>,
      %broadcast_in_dim3A_88 = arith.constant 0.000000e+00 : f32
      %broadcast_in_dim3A_89 = vector.broadcast %broadcast_in_dim3A_88 : f32 to vector<16xf32>
      %swap3A_90 = arith.index_cast %scan3A_39 : i32 to index
      %swap3A_91 = arith.constant 112 : index
      %swap3A_92 = tpu.vector_load %arg8[%swap3A_90, %swap3A_91] {strides = array<i32>} : memref<128x128xf32, #tpu.memory_space<vmem>>, vector<1x16xf32>,
      %swap3A_93 = vector.shape_cast %swap3A_92 : vector<1x16xf32> to vector<16xf32>
      %swap3A_94 = vector.shape_cast %broadcast_in_dim3A_89 : vector<16xf32> to vector<1x16xf32>
      tpu.vector_store %arg8[%swap3A_90, %swap3A_91], %swap3A_94 {strides = array<i32>} : memref<128x128xf32, #tpu.memory_space<vmem>>, vector<1x16xf32>,
      %scan3A_95 = arith.constant 0 : i32
      scf.yield %scan3A_95 : i32
    }
    %scan3A_6 = arith.constant 128 : i32
    %mul3A_7 = arith.constant 640 : i32
    %mul3A_8 = arith.muli %arg1, %mul3A_7 : i32
    %add3A_9 = arith.constant 0 : i32
    %add3A_10 = arith.addi %mul3A_8, %add3A_9 : i32
    "tpu.region"() ({
      %run_scoped3A = tpu.sem_alloc : memref<!tpu.dma_semaphore, #tpu.memory_space<semaphore_mem>>
      %dma_start3A = arith.constant 0 : i32
      %dma_start3A_39 = tpu.memref_slice %arg10[%add3A_10, %dma_start3A] : memref<10240x128xf32, #tpu.memory_space<vmem_shared>> -> memref<128x128xf32, #tpu.memory_space<vmem_shared>>
      %dma_start3A_40 = arith.constant 0 : i32
      %dma_start3A_41 = tpu.memref_slice %arg10[%add3A_10, %dma_start3A_40] : memref<10240x128xf32, #tpu.memory_space<vmem_shared>> -> memref<128x128xf32, #tpu.memory_space<vmem_shared>>
      tpu.enqueue_dma source(%arg8 : memref<128x128xf32, #tpu.memory_space<vmem>>) target(%dma_start3A_41 : memref<128x128xf32, #tpu.memory_space<vmem_shared>>) target_semaphore(%run_scoped3A : memref<!tpu.dma_semaphore, #tpu.memory_space<semaphore_mem>>)
      %dma_wait3A = arith.constant 0 : i32
      %dma_wait3A_42 = tpu.memref_slice %arg10[%add3A_10, %dma_wait3A] : memref<10240x128xf32, #tpu.memory_space<vmem_shared>> -> memref<128x128xf32, #tpu.memory_space<vmem_shared>>
      %dma_wait3A_43 = arith.constant 0 : i32
      %dma_wait3A_44 = tpu.memref_slice %arg10[%add3A_10, %dma_wait3A_43] : memref<10240x128xf32, #tpu.memory_space<vmem_shared>> -> memref<128x128xf32, #tpu.memory_space<vmem_shared>>
      tpu.wait_dma2 semaphore(%run_scoped3A : memref<!tpu.dma_semaphore, #tpu.memory_space<semaphore_mem>>) src(%arg8 : memref<128x128xf32, #tpu.memory_space<vmem>>) dst(%dma_wait3A_44 : memref<128x128xf32, #tpu.memory_space<vmem_shared>>)
      tpu.yield
    }) : () -> ()
    %mul3A_11 = arith.constant 640 : i32
    %mul3A_12 = arith.muli %arg1, %mul3A_11 : i32
    %add3A_13 = arith.constant 128 : i32
    %add3A_14 = arith.addi %mul3A_12, %add3A_13 : i32
    "tpu.region"() ({
      %run_scoped3A = tpu.sem_alloc : memref<!tpu.dma_semaphore, #tpu.memory_space<semaphore_mem>>
      %dma_start3A = arith.constant 0 : i32
      %dma_start3A_39 = tpu.memref_slice %arg10[%add3A_14, %dma_start3A] : memref<10240x128xf32, #tpu.memory_space<vmem_shared>> -> memref<128x128xf32, #tpu.memory_space<vmem_shared>>
      %dma_start3A_40 = arith.constant 0 : i32
      %dma_start3A_41 = tpu.memref_slice %arg10[%add3A_14, %dma_start3A_40] : memref<10240x128xf32, #tpu.memory_space<vmem_shared>> -> memref<128x128xf32, #tpu.memory_space<vmem_shared>>
      tpu.enqueue_dma source(%arg8 : memref<128x128xf32, #tpu.memory_space<vmem>>) target(%dma_start3A_41 : memref<128x128xf32, #tpu.memory_space<vmem_shared>>) target_semaphore(%run_scoped3A : memref<!tpu.dma_semaphore, #tpu.memory_space<semaphore_mem>>)
      %dma_wait3A = arith.constant 0 : i32
      %dma_wait3A_42 = tpu.memref_slice %arg10[%add3A_14, %dma_wait3A] : memref<10240x128xf32, #tpu.memory_space<vmem_shared>> -> memref<128x128xf32, #tpu.memory_space<vmem_shared>>
      %dma_wait3A_43 = arith.constant 0 : i32
      %dma_wait3A_44 = tpu.memref_slice %arg10[%add3A_14, %dma_wait3A_43] : memref<10240x128xf32, #tpu.memory_space<vmem_shared>> -> memref<128x128xf32, #tpu.memory_space<vmem_shared>>
      tpu.wait_dma2 semaphore(%run_scoped3A : memref<!tpu.dma_semaphore, #tpu.memory_space<semaphore_mem>>) src(%arg8 : memref<128x128xf32, #tpu.memory_space<vmem>>) dst(%dma_wait3A_44 : memref<128x128xf32, #tpu.memory_space<vmem_shared>>)
      tpu.yield
    }) : () -> ()
    %mul3A_15 = arith.constant 640 : i32
    %mul3A_16 = arith.muli %arg1, %mul3A_15 : i32
    %add3A_17 = arith.constant 256 : i32
    %add3A_18 = arith.addi %mul3A_16, %add3A_17 : i32
    "tpu.region"() ({
      %run_scoped3A = tpu.sem_alloc : memref<!tpu.dma_semaphore, #tpu.memory_space<semaphore_mem>>
      %dma_start3A = arith.constant 0 : i32
      %dma_start3A_39 = tpu.memref_slice %arg10[%add3A_18, %dma_start3A] : memref<10240x128xf32, #tpu.memory_space<vmem_shared>> -> memref<128x128xf32, #tpu.memory_space<vmem_shared>>
      %dma_start3A_40 = arith.constant 0 : i32
      %dma_start3A_41 = tpu.memref_slice %arg10[%add3A_18, %dma_start3A_40] : memref<10240x128xf32, #tpu.memory_space<vmem_shared>> -> memref<128x128xf32, #tpu.memory_space<vmem_shared>>
      tpu.enqueue_dma source(%arg8 : memref<128x128xf32, #tpu.memory_space<vmem>>) target(%dma_start3A_41 : memref<128x128xf32, #tpu.memory_space<vmem_shared>>) target_semaphore(%run_scoped3A : memref<!tpu.dma_semaphore, #tpu.memory_space<semaphore_mem>>)
      %dma_wait3A = arith.constant 0 : i32
      %dma_wait3A_42 = tpu.memref_slice %arg10[%add3A_18, %dma_wait3A] : memref<10240x128xf32, #tpu.memory_space<vmem_shared>> -> memref<128x128xf32, #tpu.memory_space<vmem_shared>>
      %dma_wait3A_43 = arith.constant 0 : i32
      %dma_wait3A_44 = tpu.memref_slice %arg10[%add3A_18, %dma_wait3A_43] : memref<10240x128xf32, #tpu.memory_space<vmem_shared>> -> memref<128x128xf32, #tpu.memory_space<vmem_shared>>
      tpu.wait_dma2 semaphore(%run_scoped3A : memref<!tpu.dma_semaphore, #tpu.memory_space<semaphore_mem>>) src(%arg8 : memref<128x128xf32, #tpu.memory_space<vmem>>) dst(%dma_wait3A_44 : memref<128x128xf32, #tpu.memory_space<vmem_shared>>)
      tpu.yield
    }) : () -> ()
    %mul3A_19 = arith.constant 640 : i32
    %mul3A_20 = arith.muli %arg1, %mul3A_19 : i32
    %add3A_21 = arith.constant 384 : i32
    %add3A_22 = arith.addi %mul3A_20, %add3A_21 : i32
    "tpu.region"() ({
      %run_scoped3A = tpu.sem_alloc : memref<!tpu.dma_semaphore, #tpu.memory_space<semaphore_mem>>
      %dma_start3A = arith.constant 0 : i32
      %dma_start3A_39 = tpu.memref_slice %arg10[%add3A_22, %dma_start3A] : memref<10240x128xf32, #tpu.memory_space<vmem_shared>> -> memref<128x128xf32, #tpu.memory_space<vmem_shared>>
      %dma_start3A_40 = arith.constant 0 : i32
      %dma_start3A_41 = tpu.memref_slice %arg10[%add3A_22, %dma_start3A_40] : memref<10240x128xf32, #tpu.memory_space<vmem_shared>> -> memref<128x128xf32, #tpu.memory_space<vmem_shared>>
      tpu.enqueue_dma source(%arg8 : memref<128x128xf32, #tpu.memory_space<vmem>>) target(%dma_start3A_41 : memref<128x128xf32, #tpu.memory_space<vmem_shared>>) target_semaphore(%run_scoped3A : memref<!tpu.dma_semaphore, #tpu.memory_space<semaphore_mem>>)
      %dma_wait3A = arith.constant 0 : i32
      %dma_wait3A_42 = tpu.memref_slice %arg10[%add3A_22, %dma_wait3A] : memref<10240x128xf32, #tpu.memory_space<vmem_shared>> -> memref<128x128xf32, #tpu.memory_space<vmem_shared>>
      %dma_wait3A_43 = arith.constant 0 : i32
      %dma_wait3A_44 = tpu.memref_slice %arg10[%add3A_22, %dma_wait3A_43] : memref<10240x128xf32, #tpu.memory_space<vmem_shared>> -> memref<128x128xf32, #tpu.memory_space<vmem_shared>>
      tpu.wait_dma2 semaphore(%run_scoped3A : memref<!tpu.dma_semaphore, #tpu.memory_space<semaphore_mem>>) src(%arg8 : memref<128x128xf32, #tpu.memory_space<vmem>>) dst(%dma_wait3A_44 : memref<128x128xf32, #tpu.memory_space<vmem_shared>>)
      tpu.yield
    }) : () -> ()
    %mul3A_23 = arith.constant 640 : i32
    %mul3A_24 = arith.muli %arg1, %mul3A_23 : i32
    %add3A_25 = arith.constant 512 : i32
    %add3A_26 = arith.addi %mul3A_24, %add3A_25 : i32
    "tpu.region"() ({
      %run_scoped3A = tpu.sem_alloc : memref<!tpu.dma_semaphore, #tpu.memory_space<semaphore_mem>>
      %dma_start3A = arith.constant 0 : i32
      %dma_start3A_39 = tpu.memref_slice %arg10[%add3A_26, %dma_start3A] : memref<10240x128xf32, #tpu.memory_space<vmem_shared>> -> memref<128x128xf32, #tpu.memory_space<vmem_shared>>
      %dma_start3A_40 = arith.constant 0 : i32
      %dma_start3A_41 = tpu.memref_slice %arg10[%add3A_26, %dma_start3A_40] : memref<10240x128xf32, #tpu.memory_space<vmem_shared>> -> memref<128x128xf32, #tpu.memory_space<vmem_shared>>
      tpu.enqueue_dma source(%arg8 : memref<128x128xf32, #tpu.memory_space<vmem>>) target(%dma_start3A_41 : memref<128x128xf32, #tpu.memory_space<vmem_shared>>) target_semaphore(%run_scoped3A : memref<!tpu.dma_semaphore, #tpu.memory_space<semaphore_mem>>)
      %dma_wait3A = arith.constant 0 : i32
      %dma_wait3A_42 = tpu.memref_slice %arg10[%add3A_26, %dma_wait3A] : memref<10240x128xf32, #tpu.memory_space<vmem_shared>> -> memref<128x128xf32, #tpu.memory_space<vmem_shared>>
      %dma_wait3A_43 = arith.constant 0 : i32
      %dma_wait3A_44 = tpu.memref_slice %arg10[%add3A_26, %dma_wait3A_43] : memref<10240x128xf32, #tpu.memory_space<vmem_shared>> -> memref<128x128xf32, #tpu.memory_space<vmem_shared>>
      tpu.wait_dma2 semaphore(%run_scoped3A : memref<!tpu.dma_semaphore, #tpu.memory_space<semaphore_mem>>) src(%arg8 : memref<128x128xf32, #tpu.memory_space<vmem>>) dst(%dma_wait3A_44 : memref<128x128xf32, #tpu.memory_space<vmem_shared>>)
      tpu.yield
    }) : () -> ()
    %barrier3A = arith.constant 0 : index
    tpu.barrier barrier_id(%barrier3A)
    %scan3A_27 = arith.constant 0 : i32
    %scan3A_28 = arith.constant 0 : i32
    %scan3A_29 = arith.constant 2 : i32
    %scan3A_30 = arith.addi %scan3A_28, %scan3A_29 : i32
    %scan3A_31 = arith.constant 1 : i32
    %scan3A_32 = scf.for %scan3A_39 = %scan3A_28 to %scan3A_30 step %scan3A_31 iter_args(%scan3A_40 = %scan3A_27) -> (i32)  : i32 {
      %mul3A_41 = arith.constant 40 : i32
      %mul3A_42 = arith.muli %scan3A_39, %mul3A_41 : i32
      "tpu.region"() ({
        %run_scoped3A = tpu.sem_alloc : memref<!tpu.dma_semaphore, #tpu.memory_space<semaphore_mem>>
        %dma_start3A_59 = arith.constant 0 : i32
        %dma_start3A_60 = tpu.memref_slice %arg3[%add3A, %mul3A_42, %dma_start3A_59] : memref<32x80x128xi32, #tpu.memory_space<hbm>> -> memref<1x40x128xi32, #tpu.memory_space<hbm>>
        %dma_start3A_61 = tpu.memref_squeeze %dma_start3A_60 : memref<1x40x128xi32, #tpu.memory_space<hbm>> -> memref<40x128xi32, #tpu.memory_space<hbm>>
        %dma_start3A_62 = arith.constant 0 : i32
        %dma_start3A_63 = tpu.memref_slice %arg3[%add3A, %mul3A_42, %dma_start3A_62] : memref<32x80x128xi32, #tpu.memory_space<hbm>> -> memref<1x40x128xi32, #tpu.memory_space<hbm>>
        %dma_start3A_64 = tpu.memref_squeeze %dma_start3A_63 : memref<1x40x128xi32, #tpu.memory_space<hbm>> -> memref<40x128xi32, #tpu.memory_space<hbm>>
        tpu.enqueue_dma source(%dma_start3A_64 : memref<40x128xi32, #tpu.memory_space<hbm>>) target(%arg6 : memref<40x128xi32, #tpu.memory_space<vmem>>) target_semaphore(%run_scoped3A : memref<!tpu.dma_semaphore, #tpu.memory_space<semaphore_mem>>)
        %dma_wait3A = arith.constant 0 : i32
        %dma_wait3A_65 = tpu.memref_slice %arg3[%add3A, %mul3A_42, %dma_wait3A] : memref<32x80x128xi32, #tpu.memory_space<hbm>> -> memref<1x40x128xi32, #tpu.memory_space<hbm>>
        %dma_wait3A_66 = tpu.memref_squeeze %dma_wait3A_65 : memref<1x40x128xi32, #tpu.memory_space<hbm>> -> memref<40x128xi32, #tpu.memory_space<hbm>>
        %dma_wait3A_67 = arith.constant 0 : i32
        %dma_wait3A_68 = tpu.memref_slice %arg3[%add3A, %mul3A_42, %dma_wait3A_67] : memref<32x80x128xi32, #tpu.memory_space<hbm>> -> memref<1x40x128xi32, #tpu.memory_space<hbm>>
        %dma_wait3A_69 = tpu.memref_squeeze %dma_wait3A_68 : memref<1x40x128xi32, #tpu.memory_space<hbm>> -> memref<40x128xi32, #tpu.memory_space<hbm>>
        tpu.wait_dma2 semaphore(%run_scoped3A : memref<!tpu.dma_semaphore, #tpu.memory_space<semaphore_mem>>) src(%dma_wait3A_69 : memref<40x128xi32, #tpu.memory_space<hbm>>) dst(%arg6 : memref<40x128xi32, #tpu.memory_space<vmem>>)
        tpu.yield
      }) : () -> ()
      %mul3A_43 = arith.constant 40 : i32
      %mul3A_44 = arith.muli %scan3A_39, %mul3A_43 : i32
      "tpu.region"() ({
        %run_scoped3A = tpu.sem_alloc : memref<!tpu.dma_semaphore, #tpu.memory_space<semaphore_mem>>
        %dma_start3A_59 = arith.constant 0 : i32
        %dma_start3A_60 = tpu.memref_slice %arg4[%add3A, %mul3A_44, %dma_start3A_59] : memref<32x80x128xi32, #tpu.memory_space<hbm>> -> memref<1x40x128xi32, #tpu.memory_space<hbm>>
        %dma_start3A_61 = tpu.memref_squeeze %dma_start3A_60 : memref<1x40x128xi32, #tpu.memory_space<hbm>> -> memref<40x128xi32, #tpu.memory_space<hbm>>
        %dma_start3A_62 = arith.constant 0 : i32
        %dma_start3A_63 = tpu.memref_slice %arg4[%add3A, %mul3A_44, %dma_start3A_62] : memref<32x80x128xi32, #tpu.memory_space<hbm>> -> memref<1x40x128xi32, #tpu.memory_space<hbm>>
        %dma_start3A_64 = tpu.memref_squeeze %dma_start3A_63 : memref<1x40x128xi32, #tpu.memory_space<hbm>> -> memref<40x128xi32, #tpu.memory_space<hbm>>
        tpu.enqueue_dma source(%dma_start3A_64 : memref<40x128xi32, #tpu.memory_space<hbm>>) target(%arg7 : memref<40x128xi32, #tpu.memory_space<vmem>>) target_semaphore(%run_scoped3A : memref<!tpu.dma_semaphore, #tpu.memory_space<semaphore_mem>>)
        %dma_wait3A = arith.constant 0 : i32
        %dma_wait3A_65 = tpu.memref_slice %arg4[%add3A, %mul3A_44, %dma_wait3A] : memref<32x80x128xi32, #tpu.memory_space<hbm>> -> memref<1x40x128xi32, #tpu.memory_space<hbm>>
        %dma_wait3A_66 = tpu.memref_squeeze %dma_wait3A_65 : memref<1x40x128xi32, #tpu.memory_space<hbm>> -> memref<40x128xi32, #tpu.memory_space<hbm>>
        %dma_wait3A_67 = arith.constant 0 : i32
        %dma_wait3A_68 = tpu.memref_slice %arg4[%add3A, %mul3A_44, %dma_wait3A_67] : memref<32x80x128xi32, #tpu.memory_space<hbm>> -> memref<1x40x128xi32, #tpu.memory_space<hbm>>
        %dma_wait3A_69 = tpu.memref_squeeze %dma_wait3A_68 : memref<1x40x128xi32, #tpu.memory_space<hbm>> -> memref<40x128xi32, #tpu.memory_space<hbm>>
        tpu.wait_dma2 semaphore(%run_scoped3A : memref<!tpu.dma_semaphore, #tpu.memory_space<semaphore_mem>>) src(%dma_wait3A_69 : memref<40x128xi32, #tpu.memory_space<hbm>>) dst(%arg7 : memref<40x128xi32, #tpu.memory_space<vmem>>)
        tpu.yield
      }) : () -> ()
      %dma_start3A = arith.constant 0 : i32
      %dma_start3A_45 = arith.constant 0 : i32
      %dma_start3A_46 = tpu.memref_slice %arg6[%dma_start3A, %dma_start3A_45] : memref<40x128xi32, #tpu.memory_space<vmem>> -> memref<1x128xi32, #tpu.memory_space<vmem>>
      %dma_start3A_47 = tpu.memref_squeeze %dma_start3A_46 : memref<1x128xi32, #tpu.memory_space<vmem>> -> memref<128xi32, #tpu.memory_space<vmem>>
      %dma_start3A_48 = arith.constant 0 : i32
      %dma_start3A_49 = arith.constant 0 : i32
      %dma_start3A_50 = tpu.memref_slice %arg2[%dma_start3A_48, %dma_start3A_49] : memref<10240x128xf32, #tpu.memory_space<hbm>> -> memref<10240x128xf32, #tpu.memory_space<hbm>>
      tpu.enqueue_indirect_dma source(%dma_start3A_50 : memref<10240x128xf32, #tpu.memory_space<hbm>>) target(%arg8 : memref<128x128xf32, #tpu.memory_space<vmem>>) offsets(%dma_start3A_47 : memref<128xi32, #tpu.memory_space<vmem>>) semaphore(%arg11 : memref<!tpu.dma_semaphore, #tpu.memory_space<semaphore_mem>>)
      %scan3A_51 = arith.constant 0 : i32
      %scan3A_52 = arith.constant 0 : i32
      %scan3A_53 = arith.constant 20 : i32
      %scan3A_54 = arith.addi %scan3A_52, %scan3A_53 : i32
      %scan3A_55 = arith.constant 1 : i32
      %scan3A_56 = scf.for %scan3A_59 = %scan3A_52 to %scan3A_54 step %scan3A_55 iter_args(%scan3A_60 = %scan3A_51) -> (i32)  : i32 {
        %mul3A_61 = arith.constant 2 : i32
        %mul3A_62 = arith.muli %mul3A_61, %scan3A_59 : i32
        %dma_wait3A = arith.constant 0 : i32
        %dma_wait3A_63 = tpu.memref_slice %arg6[%mul3A_62, %dma_wait3A] : memref<40x128xi32, #tpu.memory_space<vmem>> -> memref<1x128xi32, #tpu.memory_space<vmem>>
        %dma_wait3A_64 = tpu.memref_squeeze %dma_wait3A_63 : memref<1x128xi32, #tpu.memory_space<vmem>> -> memref<128xi32, #tpu.memory_space<vmem>>
        %dma_wait3A_65 = arith.constant 0 : i32
        %dma_wait3A_66 = arith.constant 0 : i32
        %dma_wait3A_67 = tpu.memref_slice %arg2[%dma_wait3A_65, %dma_wait3A_66] : memref<10240x128xf32, #tpu.memory_space<hbm>> -> memref<10240x128xf32, #tpu.memory_space<hbm>>
        tpu.wait_indirect_dma semaphore(%arg11 : memref<!tpu.dma_semaphore, #tpu.memory_space<semaphore_mem>>) src(%dma_wait3A_67 : memref<10240x128xf32, #tpu.memory_space<hbm>>) dst(%arg8 : memref<128x128xf32, #tpu.memory_space<vmem>>)
        %add3A_68 = arith.constant 1 : i32
        %add3A_69 = arith.addi %mul3A_62, %add3A_68 : i32
        %dma_start3A_70 = arith.constant 0 : i32
        %dma_start3A_71 = tpu.memref_slice %arg6[%add3A_69, %dma_start3A_70] : memref<40x128xi32, #tpu.memory_space<vmem>> -> memref<1x128xi32, #tpu.memory_space<vmem>>
        %dma_start3A_72 = tpu.memref_squeeze %dma_start3A_71 : memref<1x128xi32, #tpu.memory_space<vmem>> -> memref<128xi32, #tpu.memory_space<vmem>>
        %dma_start3A_73 = arith.constant 0 : i32
        %dma_start3A_74 = arith.constant 0 : i32
        %dma_start3A_75 = tpu.memref_slice %arg2[%dma_start3A_73, %dma_start3A_74] : memref<10240x128xf32, #tpu.memory_space<hbm>> -> memref<10240x128xf32, #tpu.memory_space<hbm>>
        tpu.enqueue_indirect_dma source(%dma_start3A_75 : memref<10240x128xf32, #tpu.memory_space<hbm>>) target(%arg9 : memref<128x128xf32, #tpu.memory_space<vmem>>) offsets(%dma_start3A_72 : memref<128xi32, #tpu.memory_space<vmem>>) semaphore(%arg12 : memref<!tpu.dma_semaphore, #tpu.memory_space<semaphore_mem>>)
        "tpu.region"() ({
          %run_scoped3A = tpu.sem_alloc : memref<!tpu.dma_semaphore, #tpu.memory_space<semaphore_mem>>
          %dma_start3A_89 = arith.constant 0 : i32
          %dma_start3A_90 = tpu.memref_slice %arg7[%mul3A_62, %dma_start3A_89] : memref<40x128xi32, #tpu.memory_space<vmem>> -> memref<1x128xi32, #tpu.memory_space<vmem>>
          %dma_start3A_91 = tpu.memref_squeeze %dma_start3A_90 : memref<1x128xi32, #tpu.memory_space<vmem>> -> memref<128xi32, #tpu.memory_space<vmem>>
          %dma_start3A_92 = arith.constant 0 : i32
          %dma_start3A_93 = arith.constant 0 : i32
          %dma_start3A_94 = tpu.memref_slice %arg10[%dma_start3A_92, %dma_start3A_93] : memref<10240x128xf32, #tpu.memory_space<vmem_shared>> -> memref<10240x128xf32, #tpu.memory_space<vmem_shared>>
          tpu.enqueue_indirect_dma source(%arg8 : memref<128x128xf32, #tpu.memory_space<vmem>>) target(%dma_start3A_94 : memref<10240x128xf32, #tpu.memory_space<vmem_shared>>) offsets(%dma_start3A_91 : memref<128xi32, #tpu.memory_space<vmem>>) semaphore(%run_scoped3A : memref<!tpu.dma_semaphore, #tpu.memory_space<semaphore_mem>>) {add = true}
          %dma_wait3A_95 = arith.constant 0 : i32
          %dma_wait3A_96 = tpu.memref_slice %arg7[%mul3A_62, %dma_wait3A_95] : memref<40x128xi32, #tpu.memory_space<vmem>> -> memref<1x128xi32, #tpu.memory_space<vmem>>
          %dma_wait3A_97 = tpu.memref_squeeze %dma_wait3A_96 : memref<1x128xi32, #tpu.memory_space<vmem>> -> memref<128xi32, #tpu.memory_space<vmem>>
          %dma_wait3A_98 = arith.constant 0 : i32
          %dma_wait3A_99 = arith.constant 0 : i32
          %dma_wait3A_100 = tpu.memref_slice %arg10[%dma_wait3A_98, %dma_wait3A_99] : memref<10240x128xf32, #tpu.memory_space<vmem_shared>> -> memref<10240x128xf32, #tpu.memory_space<vmem_shared>>
          tpu.wait_indirect_dma semaphore(%run_scoped3A : memref<!tpu.dma_semaphore, #tpu.memory_space<semaphore_mem>>) src(%arg8 : memref<128x128xf32, #tpu.memory_space<vmem>>) dst(%dma_wait3A_100 : memref<10240x128xf32, #tpu.memory_space<vmem_shared>>)
          tpu.yield
        }) : () -> ()
        %lt3A = arith.constant 19 : i32
        %lt3A_76 = arith.cmpi slt, %scan3A_59, %lt3A : i32
        %convert_element_type3A = arith.extui %lt3A_76 : i1 to i32
        %cond3A = arith.constant 0 : i32
        %cond3A_77 = arith.cmpi ne, %convert_element_type3A, %cond3A : i32
        scf.if %cond3A_77 {
          %add3A_89 = arith.constant 2 : i32
          %add3A_90 = arith.addi %mul3A_62, %add3A_89 : i32
          %dma_start3A_91 = arith.constant 0 : i32
          %dma_start3A_92 = tpu.memref_slice %arg6[%add3A_90, %dma_start3A_91] : memref<40x128xi32, #tpu.memory_space<vmem>> -> memref<1x128xi32, #tpu.memory_space<vmem>>
          %dma_start3A_93 = tpu.memref_squeeze %dma_start3A_92 : memref<1x128xi32, #tpu.memory_space<vmem>> -> memref<128xi32, #tpu.memory_space<vmem>>
          %dma_start3A_94 = arith.constant 0 : i32
          %dma_start3A_95 = arith.constant 0 : i32
          %dma_start3A_96 = tpu.memref_slice %arg2[%dma_start3A_94, %dma_start3A_95] : memref<10240x128xf32, #tpu.memory_space<hbm>> -> memref<10240x128xf32, #tpu.memory_space<hbm>>
          tpu.enqueue_indirect_dma source(%dma_start3A_96 : memref<10240x128xf32, #tpu.memory_space<hbm>>) target(%arg8 : memref<128x128xf32, #tpu.memory_space<vmem>>) offsets(%dma_start3A_93 : memref<128xi32, #tpu.memory_space<vmem>>) semaphore(%arg11 : memref<!tpu.dma_semaphore, #tpu.memory_space<semaphore_mem>>)
        } else {
        }
        %add3A_78 = arith.constant 1 : i32
        %add3A_79 = arith.addi %mul3A_62, %add3A_78 : i32
        %dma_wait3A_80 = arith.constant 0 : i32
        %dma_wait3A_81 = tpu.memref_slice %arg6[%add3A_79, %dma_wait3A_80] : memref<40x128xi32, #tpu.memory_space<vmem>> -> memref<1x128xi32, #tpu.memory_space<vmem>>
        %dma_wait3A_82 = tpu.memref_squeeze %dma_wait3A_81 : memref<1x128xi32, #tpu.memory_space<vmem>> -> memref<128xi32, #tpu.memory_space<vmem>>
        %dma_wait3A_83 = arith.constant 0 : i32
        %dma_wait3A_84 = arith.constant 0 : i32
        %dma_wait3A_85 = tpu.memref_slice %arg2[%dma_wait3A_83, %dma_wait3A_84] : memref<10240x128xf32, #tpu.memory_space<hbm>> -> memref<10240x128xf32, #tpu.memory_space<hbm>>
        tpu.wait_indirect_dma semaphore(%arg12 : memref<!tpu.dma_semaphore, #tpu.memory_space<semaphore_mem>>) src(%dma_wait3A_85 : memref<10240x128xf32, #tpu.memory_space<hbm>>) dst(%arg9 : memref<128x128xf32, #tpu.memory_space<vmem>>)
        %add3A_86 = arith.constant 1 : i32
        %add3A_87 = arith.addi %mul3A_62, %add3A_86 : i32
        "tpu.region"() ({
          %run_scoped3A = tpu.sem_alloc : memref<!tpu.dma_semaphore, #tpu.memory_space<semaphore_mem>>
          %dma_start3A_89 = arith.constant 0 : i32
          %dma_start3A_90 = tpu.memref_slice %arg7[%add3A_87, %dma_start3A_89] : memref<40x128xi32, #tpu.memory_space<vmem>> -> memref<1x128xi32, #tpu.memory_space<vmem>>
          %dma_start3A_91 = tpu.memref_squeeze %dma_start3A_90 : memref<1x128xi32, #tpu.memory_space<vmem>> -> memref<128xi32, #tpu.memory_space<vmem>>
          %dma_start3A_92 = arith.constant 0 : i32
          %dma_start3A_93 = arith.constant 0 : i32
          %dma_start3A_94 = tpu.memref_slice %arg10[%dma_start3A_92, %dma_start3A_93] : memref<10240x128xf32, #tpu.memory_space<vmem_shared>> -> memref<10240x128xf32, #tpu.memory_space<vmem_shared>>
          tpu.enqueue_indirect_dma source(%arg9 : memref<128x128xf32, #tpu.memory_space<vmem>>) target(%dma_start3A_94 : memref<10240x128xf32, #tpu.memory_space<vmem_shared>>) offsets(%dma_start3A_91 : memref<128xi32, #tpu.memory_space<vmem>>) semaphore(%run_scoped3A : memref<!tpu.dma_semaphore, #tpu.memory_space<semaphore_mem>>) {add = true}
          %dma_wait3A_95 = arith.constant 0 : i32
          %dma_wait3A_96 = tpu.memref_slice %arg7[%add3A_87, %dma_wait3A_95] : memref<40x128xi32, #tpu.memory_space<vmem>> -> memref<1x128xi32, #tpu.memory_space<vmem>>
          %dma_wait3A_97 = tpu.memref_squeeze %dma_wait3A_96 : memref<1x128xi32, #tpu.memory_space<vmem>> -> memref<128xi32, #tpu.memory_space<vmem>>
          %dma_wait3A_98 = arith.constant 0 : i32
          %dma_wait3A_99 = arith.constant 0 : i32
          %dma_wait3A_100 = tpu.memref_slice %arg10[%dma_wait3A_98, %dma_wait3A_99] : memref<10240x128xf32, #tpu.memory_space<vmem_shared>> -> memref<10240x128xf32, #tpu.memory_space<vmem_shared>>
          tpu.wait_indirect_dma semaphore(%run_scoped3A : memref<!tpu.dma_semaphore, #tpu.memory_space<semaphore_mem>>) src(%arg9 : memref<128x128xf32, #tpu.memory_space<vmem>>) dst(%dma_wait3A_100 : memref<10240x128xf32, #tpu.memory_space<vmem_shared>>)
          tpu.yield
        }) : () -> ()
        %scan3A_88 = arith.constant 0 : i32
        scf.yield %scan3A_88 : i32
      }
      %scan3A_57 = arith.constant 20 : i32
      %scan3A_58 = arith.constant 0 : i32
      scf.yield %scan3A_58 : i32
    }
    %scan3A_33 = arith.constant 2 : i32
    %barrier3A_34 = arith.constant 0 : index
    tpu.barrier barrier_id(%barrier3A_34)
    %mul3A_35 = arith.constant 640 : i32
    %mul3A_36 = arith.muli %arg1, %mul3A_35 : i32
    %mul3A_37 = arith.constant 640 : i32
    %mul3A_38 = arith.muli %arg1, %mul3A_37 : i32
    "tpu.region"() ({
      %run_scoped3A = tpu.sem_alloc : memref<!tpu.dma_semaphore, #tpu.memory_space<semaphore_mem>>
      %dma_start3A = arith.constant 0 : i32
      %dma_start3A_39 = tpu.memref_slice %arg5[%arg0, %mul3A_38, %dma_start3A] : memref<2x10240x128xf32, #tpu.memory_space<hbm>> -> memref<1x640x128xf32, #tpu.memory_space<hbm>>
      %dma_start3A_40 = tpu.memref_squeeze %dma_start3A_39 : memref<1x640x128xf32, #tpu.memory_space<hbm>> -> memref<640x128xf32, #tpu.memory_space<hbm>>
      %dma_start3A_41 = arith.constant 0 : i32
      %dma_start3A_42 = tpu.memref_slice %arg10[%mul3A_36, %dma_start3A_41] : memref<10240x128xf32, #tpu.memory_space<vmem_shared>> -> memref<640x128xf32, #tpu.memory_space<vmem_shared>>
      tpu.enqueue_dma source(%dma_start3A_42 : memref<640x128xf32, #tpu.memory_space<vmem_shared>>) target(%dma_start3A_40 : memref<640x128xf32, #tpu.memory_space<hbm>>) target_semaphore(%run_scoped3A : memref<!tpu.dma_semaphore, #tpu.memory_space<semaphore_mem>>)
      %dma_wait3A = arith.constant 0 : i32
      %dma_wait3A_43 = tpu.memref_slice %arg5[%arg0, %mul3A_38, %dma_wait3A] : memref<2x10240x128xf32, #tpu.memory_space<hbm>> -> memref<1x640x128xf32, #tpu.memory_space<hbm>>
      %dma_wait3A_44 = tpu.memref_squeeze %dma_wait3A_43 : memref<1x640x128xf32, #tpu.memory_space<hbm>> -> memref<640x128xf32, #tpu.memory_space<hbm>>
      %dma_wait3A_45 = arith.constant 0 : i32
      %dma_wait3A_46 = tpu.memref_slice %arg10[%mul3A_36, %dma_wait3A_45] : memref<10240x128xf32, #tpu.memory_space<vmem_shared>> -> memref<640x128xf32, #tpu.memory_space<vmem_shared>>
      tpu.wait_dma2 semaphore(%run_scoped3A : memref<!tpu.dma_semaphore, #tpu.memory_space<semaphore_mem>>) src(%dma_wait3A_46 : memref<640x128xf32, #tpu.memory_space<vmem_shared>>) dst(%dma_wait3A_44 : memref<640x128xf32, #tpu.memory_space<hbm>>)
      tpu.yield
    }) : () -> ()
    return
  }
}

#map = affine_map<(d0, d1) -> (0, 0)>
#map1 = affine_map<(d0, d1) -> (0, 0, 0)>
module attributes {stable_mosaic.version = 14 : i64} {
  func.func @_agg(%arg0: i32, %arg1: i32, %arg2: memref<10240x128xf32, #tpu.memory_space<hbm>>, %arg3: memref<32x80x128xi32, #tpu.memory_space<hbm>>, %arg4: memref<32x80x128xi32, #tpu.memory_space<hbm>>, %arg5: memref<2x10240x128xf32, #tpu.memory_space<hbm>>, %arg6: memref<40x128xi32, #tpu.memory_space<vmem>>, %arg7: memref<40x128xi32, #tpu.memory_space<vmem>>, %arg8: memref<128x128xf32, #tpu.memory_space<vmem>>, %arg9: memref<128x128xf32, #tpu.memory_space<vmem>>, %arg10: memref<10240x128xf32, #tpu.memory_space<vmem_shared>>, %arg11: memref<!tpu.dma_semaphore, #tpu.memory_space<semaphore_mem>>, %arg12: memref<!tpu.dma_semaphore, #tpu.memory_space<semaphore_mem>>) attributes {dimension_semantics = [#tpu.dimension_semantics<core_parallel>, #tpu.dimension_semantics<subcore_parallel>], iteration_bounds = array<i64: 2, 16>, scalar_prefetch = 0 : i64, scratch_operands = 7 : i64, tpu.core_type = #tpu.core_type<sc_vector_subcore>, window_params = [{transform_indices = #map}, {transform_indices = #map1}, {transform_indices = #map1}, {transform_indices = #map1}]} {
    %mul3A = arith.constant 16 : i32
    %mul3A_0 = arith.muli %arg0, %mul3A : i32
    %add3A = arith.addi %mul3A_0, %arg1 : i32
    %scan3A = arith.constant 0 : i32
    %scan3A_1 = arith.constant 0 : i32
    %scan3A_2 = arith.constant 128 : i32
    %scan3A_3 = arith.addi %scan3A_1, %scan3A_2 : i32
    %scan3A_4 = arith.constant 1 : i32
    %scan3A_5 = scf.for %scan3A_39 = %scan3A_1 to %scan3A_3 step %scan3A_4 iter_args(%scan3A_40 = %scan3A) -> (i32)  : i32 {
      %broadcast_in_dim3A = arith.constant 0.000000e+00 : f32
      %broadcast_in_dim3A_41 = vector.broadcast %broadcast_in_dim3A : f32 to vector<16xf32>
      %swap3A = arith.index_cast %scan3A_39 : i32 to index
      %swap3A_42 = arith.constant 0 : index
      %swap3A_43 = tpu.vector_load %arg8[%swap3A, %swap3A_42] {strides = array<i32>} : memref<128x128xf32, #tpu.memory_space<vmem>>, vector<1x16xf32>,
      %swap3A_44 = vector.shape_cast %swap3A_43 : vector<1x16xf32> to vector<16xf32>
      %swap3A_45 = vector.shape_cast %broadcast_in_dim3A_41 : vector<16xf32> to vector<1x16xf32>
      tpu.vector_store %arg8[%swap3A, %swap3A_42], %swap3A_45 {strides = array<i32>} : memref<128x128xf32, #tpu.memory_space<vmem>>, vector<1x16xf32>,
      %broadcast_in_dim3A_46 = arith.constant 0.000000e+00 : f32
      %broadcast_in_dim3A_47 = vector.broadcast %broadcast_in_dim3A_46 : f32 to vector<16xf32>
      %swap3A_48 = arith.index_cast %scan3A_39 : i32 to index
      %swap3A_49 = arith.constant 16 : index
      %swap3A_50 = tpu.vector_load %arg8[%swap3A_48, %swap3A_49] {strides = array<i32>} : memref<128x128xf32, #tpu.memory_space<vmem>>, vector<1x16xf32>,
      %swap3A_51 = vector.shape_cast %swap3A_50 : vector<1x16xf32> to vector<16xf32>
      %swap3A_52 = vector.shape_cast %broadcast_in_dim3A_47 : vector<16xf32> to vector<1x16xf32>
      tpu.vector_store %arg8[%swap3A_48, %swap3A_49], %swap3A_52 {strides = array<i32>} : memref<128x128xf32, #tpu.memory_space<vmem>>, vector<1x16xf32>,
      %broadcast_in_dim3A_53 = arith.constant 0.000000e+00 : f32
      %broadcast_in_dim3A_54 = vector.broadcast %broadcast_in_dim3A_53 : f32 to vector<16xf32>
      %swap3A_55 = arith.index_cast %scan3A_39 : i32 to index
      %swap3A_56 = arith.constant 32 : index
      %swap3A_57 = tpu.vector_load %arg8[%swap3A_55, %swap3A_56] {strides = array<i32>} : memref<128x128xf32, #tpu.memory_space<vmem>>, vector<1x16xf32>,
      %swap3A_58 = vector.shape_cast %swap3A_57 : vector<1x16xf32> to vector<16xf32>
      %swap3A_59 = vector.shape_cast %broadcast_in_dim3A_54 : vector<16xf32> to vector<1x16xf32>
      tpu.vector_store %arg8[%swap3A_55, %swap3A_56], %swap3A_59 {strides = array<i32>} : memref<128x128xf32, #tpu.memory_space<vmem>>, vector<1x16xf32>,
      %broadcast_in_dim3A_60 = arith.constant 0.000000e+00 : f32
      %broadcast_in_dim3A_61 = vector.broadcast %broadcast_in_dim3A_60 : f32 to vector<16xf32>
      %swap3A_62 = arith.index_cast %scan3A_39 : i32 to index
      %swap3A_63 = arith.constant 48 : index
      %swap3A_64 = tpu.vector_load %arg8[%swap3A_62, %swap3A_63] {strides = array<i32>} : memref<128x128xf32, #tpu.memory_space<vmem>>, vector<1x16xf32>,
      %swap3A_65 = vector.shape_cast %swap3A_64 : vector<1x16xf32> to vector<16xf32>
      %swap3A_66 = vector.shape_cast %broadcast_in_dim3A_61 : vector<16xf32> to vector<1x16xf32>
      tpu.vector_store %arg8[%swap3A_62, %swap3A_63], %swap3A_66 {strides = array<i32>} : memref<128x128xf32, #tpu.memory_space<vmem>>, vector<1x16xf32>,
      %broadcast_in_dim3A_67 = arith.constant 0.000000e+00 : f32
      %broadcast_in_dim3A_68 = vector.broadcast %broadcast_in_dim3A_67 : f32 to vector<16xf32>
      %swap3A_69 = arith.index_cast %scan3A_39 : i32 to index
      %swap3A_70 = arith.constant 64 : index
      %swap3A_71 = tpu.vector_load %arg8[%swap3A_69, %swap3A_70] {strides = array<i32>} : memref<128x128xf32, #tpu.memory_space<vmem>>, vector<1x16xf32>,
      %swap3A_72 = vector.shape_cast %swap3A_71 : vector<1x16xf32> to vector<16xf32>
      %swap3A_73 = vector.shape_cast %broadcast_in_dim3A_68 : vector<16xf32> to vector<1x16xf32>
      tpu.vector_store %arg8[%swap3A_69, %swap3A_70], %swap3A_73 {strides = array<i32>} : memref<128x128xf32, #tpu.memory_space<vmem>>, vector<1x16xf32>,
      %broadcast_in_dim3A_74 = arith.constant 0.000000e+00 : f32
      %broadcast_in_dim3A_75 = vector.broadcast %broadcast_in_dim3A_74 : f32 to vector<16xf32>
      %swap3A_76 = arith.index_cast %scan3A_39 : i32 to index
      %swap3A_77 = arith.constant 80 : index
      %swap3A_78 = tpu.vector_load %arg8[%swap3A_76, %swap3A_77] {strides = array<i32>} : memref<128x128xf32, #tpu.memory_space<vmem>>, vector<1x16xf32>,
      %swap3A_79 = vector.shape_cast %swap3A_78 : vector<1x16xf32> to vector<16xf32>
      %swap3A_80 = vector.shape_cast %broadcast_in_dim3A_75 : vector<16xf32> to vector<1x16xf32>
      tpu.vector_store %arg8[%swap3A_76, %swap3A_77], %swap3A_80 {strides = array<i32>} : memref<128x128xf32, #tpu.memory_space<vmem>>, vector<1x16xf32>,
      %broadcast_in_dim3A_81 = arith.constant 0.000000e+00 : f32
      %broadcast_in_dim3A_82 = vector.broadcast %broadcast_in_dim3A_81 : f32 to vector<16xf32>
      %swap3A_83 = arith.index_cast %scan3A_39 : i32 to index
      %swap3A_84 = arith.constant 96 : index
      %swap3A_85 = tpu.vector_load %arg8[%swap3A_83, %swap3A_84] {strides = array<i32>} : memref<128x128xf32, #tpu.memory_space<vmem>>, vector<1x16xf32>,
      %swap3A_86 = vector.shape_cast %swap3A_85 : vector<1x16xf32> to vector<16xf32>
      %swap3A_87 = vector.shape_cast %broadcast_in_dim3A_82 : vector<16xf32> to vector<1x16xf32>
      tpu.vector_store %arg8[%swap3A_83, %swap3A_84], %swap3A_87 {strides = array<i32>} : memref<128x128xf32, #tpu.memory_space<vmem>>, vector<1x16xf32>,
      %broadcast_in_dim3A_88 = arith.constant 0.000000e+00 : f32
      %broadcast_in_dim3A_89 = vector.broadcast %broadcast_in_dim3A_88 : f32 to vector<16xf32>
      %swap3A_90 = arith.index_cast %scan3A_39 : i32 to index
      %swap3A_91 = arith.constant 112 : index
      %swap3A_92 = tpu.vector_load %arg8[%swap3A_90, %swap3A_91] {strides = array<i32>} : memref<128x128xf32, #tpu.memory_space<vmem>>, vector<1x16xf32>,
      %swap3A_93 = vector.shape_cast %swap3A_92 : vector<1x16xf32> to vector<16xf32>
      %swap3A_94 = vector.shape_cast %broadcast_in_dim3A_89 : vector<16xf32> to vector<1x16xf32>
      tpu.vector_store %arg8[%swap3A_90, %swap3A_91], %swap3A_94 {strides = array<i32>} : memref<128x128xf32, #tpu.memory_space<vmem>>, vector<1x16xf32>,
      %scan3A_95 = arith.constant 0 : i32
      scf.yield %scan3A_95 : i32
    }
    %scan3A_6 = arith.constant 128 : i32
    %mul3A_7 = arith.constant 640 : i32
    %mul3A_8 = arith.muli %arg1, %mul3A_7 : i32
    %add3A_9 = arith.constant 0 : i32
    %add3A_10 = arith.addi %mul3A_8, %add3A_9 : i32
    "tpu.region"() ({
      %run_scoped3A = tpu.sem_alloc : memref<!tpu.dma_semaphore, #tpu.memory_space<semaphore_mem>>
      %dma_start3A = arith.constant 0 : i32
      %dma_start3A_39 = tpu.memref_slice %arg10[%add3A_10, %dma_start3A] : memref<10240x128xf32, #tpu.memory_space<vmem_shared>> -> memref<128x128xf32, #tpu.memory_space<vmem_shared>>
      %dma_start3A_40 = arith.constant 0 : i32
      %dma_start3A_41 = tpu.memref_slice %arg10[%add3A_10, %dma_start3A_40] : memref<10240x128xf32, #tpu.memory_space<vmem_shared>> -> memref<128x128xf32, #tpu.memory_space<vmem_shared>>
      tpu.enqueue_dma source(%arg8 : memref<128x128xf32, #tpu.memory_space<vmem>>) target(%dma_start3A_41 : memref<128x128xf32, #tpu.memory_space<vmem_shared>>) target_semaphore(%run_scoped3A : memref<!tpu.dma_semaphore, #tpu.memory_space<semaphore_mem>>)
      %dma_wait3A = arith.constant 0 : i32
      %dma_wait3A_42 = tpu.memref_slice %arg10[%add3A_10, %dma_wait3A] : memref<10240x128xf32, #tpu.memory_space<vmem_shared>> -> memref<128x128xf32, #tpu.memory_space<vmem_shared>>
      %dma_wait3A_43 = arith.constant 0 : i32
      %dma_wait3A_44 = tpu.memref_slice %arg10[%add3A_10, %dma_wait3A_43] : memref<10240x128xf32, #tpu.memory_space<vmem_shared>> -> memref<128x128xf32, #tpu.memory_space<vmem_shared>>
      tpu.wait_dma2 semaphore(%run_scoped3A : memref<!tpu.dma_semaphore, #tpu.memory_space<semaphore_mem>>) src(%arg8 : memref<128x128xf32, #tpu.memory_space<vmem>>) dst(%dma_wait3A_44 : memref<128x128xf32, #tpu.memory_space<vmem_shared>>)
      tpu.yield
    }) : () -> ()
    %mul3A_11 = arith.constant 640 : i32
    %mul3A_12 = arith.muli %arg1, %mul3A_11 : i32
    %add3A_13 = arith.constant 128 : i32
    %add3A_14 = arith.addi %mul3A_12, %add3A_13 : i32
    "tpu.region"() ({
      %run_scoped3A = tpu.sem_alloc : memref<!tpu.dma_semaphore, #tpu.memory_space<semaphore_mem>>
      %dma_start3A = arith.constant 0 : i32
      %dma_start3A_39 = tpu.memref_slice %arg10[%add3A_14, %dma_start3A] : memref<10240x128xf32, #tpu.memory_space<vmem_shared>> -> memref<128x128xf32, #tpu.memory_space<vmem_shared>>
      %dma_start3A_40 = arith.constant 0 : i32
      %dma_start3A_41 = tpu.memref_slice %arg10[%add3A_14, %dma_start3A_40] : memref<10240x128xf32, #tpu.memory_space<vmem_shared>> -> memref<128x128xf32, #tpu.memory_space<vmem_shared>>
      tpu.enqueue_dma source(%arg8 : memref<128x128xf32, #tpu.memory_space<vmem>>) target(%dma_start3A_41 : memref<128x128xf32, #tpu.memory_space<vmem_shared>>) target_semaphore(%run_scoped3A : memref<!tpu.dma_semaphore, #tpu.memory_space<semaphore_mem>>)
      %dma_wait3A = arith.constant 0 : i32
      %dma_wait3A_42 = tpu.memref_slice %arg10[%add3A_14, %dma_wait3A] : memref<10240x128xf32, #tpu.memory_space<vmem_shared>> -> memref<128x128xf32, #tpu.memory_space<vmem_shared>>
      %dma_wait3A_43 = arith.constant 0 : i32
      %dma_wait3A_44 = tpu.memref_slice %arg10[%add3A_14, %dma_wait3A_43] : memref<10240x128xf32, #tpu.memory_space<vmem_shared>> -> memref<128x128xf32, #tpu.memory_space<vmem_shared>>
      tpu.wait_dma2 semaphore(%run_scoped3A : memref<!tpu.dma_semaphore, #tpu.memory_space<semaphore_mem>>) src(%arg8 : memref<128x128xf32, #tpu.memory_space<vmem>>) dst(%dma_wait3A_44 : memref<128x128xf32, #tpu.memory_space<vmem_shared>>)
      tpu.yield
    }) : () -> ()
    %mul3A_15 = arith.constant 640 : i32
    %mul3A_16 = arith.muli %arg1, %mul3A_15 : i32
    %add3A_17 = arith.constant 256 : i32
    %add3A_18 = arith.addi %mul3A_16, %add3A_17 : i32
    "tpu.region"() ({
      %run_scoped3A = tpu.sem_alloc : memref<!tpu.dma_semaphore, #tpu.memory_space<semaphore_mem>>
      %dma_start3A = arith.constant 0 : i32
      %dma_start3A_39 = tpu.memref_slice %arg10[%add3A_18, %dma_start3A] : memref<10240x128xf32, #tpu.memory_space<vmem_shared>> -> memref<128x128xf32, #tpu.memory_space<vmem_shared>>
      %dma_start3A_40 = arith.constant 0 : i32
      %dma_start3A_41 = tpu.memref_slice %arg10[%add3A_18, %dma_start3A_40] : memref<10240x128xf32, #tpu.memory_space<vmem_shared>> -> memref<128x128xf32, #tpu.memory_space<vmem_shared>>
      tpu.enqueue_dma source(%arg8 : memref<128x128xf32, #tpu.memory_space<vmem>>) target(%dma_start3A_41 : memref<128x128xf32, #tpu.memory_space<vmem_shared>>) target_semaphore(%run_scoped3A : memref<!tpu.dma_semaphore, #tpu.memory_space<semaphore_mem>>)
      %dma_wait3A = arith.constant 0 : i32
      %dma_wait3A_42 = tpu.memref_slice %arg10[%add3A_18, %dma_wait3A] : memref<10240x128xf32, #tpu.memory_space<vmem_shared>> -> memref<128x128xf32, #tpu.memory_space<vmem_shared>>
      %dma_wait3A_43 = arith.constant 0 : i32
      %dma_wait3A_44 = tpu.memref_slice %arg10[%add3A_18, %dma_wait3A_43] : memref<10240x128xf32, #tpu.memory_space<vmem_shared>> -> memref<128x128xf32, #tpu.memory_space<vmem_shared>>
      tpu.wait_dma2 semaphore(%run_scoped3A : memref<!tpu.dma_semaphore, #tpu.memory_space<semaphore_mem>>) src(%arg8 : memref<128x128xf32, #tpu.memory_space<vmem>>) dst(%dma_wait3A_44 : memref<128x128xf32, #tpu.memory_space<vmem_shared>>)
      tpu.yield
    }) : () -> ()
    %mul3A_19 = arith.constant 640 : i32
    %mul3A_20 = arith.muli %arg1, %mul3A_19 : i32
    %add3A_21 = arith.constant 384 : i32
    %add3A_22 = arith.addi %mul3A_20, %add3A_21 : i32
    "tpu.region"() ({
      %run_scoped3A = tpu.sem_alloc : memref<!tpu.dma_semaphore, #tpu.memory_space<semaphore_mem>>
      %dma_start3A = arith.constant 0 : i32
      %dma_start3A_39 = tpu.memref_slice %arg10[%add3A_22, %dma_start3A] : memref<10240x128xf32, #tpu.memory_space<vmem_shared>> -> memref<128x128xf32, #tpu.memory_space<vmem_shared>>
      %dma_start3A_40 = arith.constant 0 : i32
      %dma_start3A_41 = tpu.memref_slice %arg10[%add3A_22, %dma_start3A_40] : memref<10240x128xf32, #tpu.memory_space<vmem_shared>> -> memref<128x128xf32, #tpu.memory_space<vmem_shared>>
      tpu.enqueue_dma source(%arg8 : memref<128x128xf32, #tpu.memory_space<vmem>>) target(%dma_start3A_41 : memref<128x128xf32, #tpu.memory_space<vmem_shared>>) target_semaphore(%run_scoped3A : memref<!tpu.dma_semaphore, #tpu.memory_space<semaphore_mem>>)
      %dma_wait3A = arith.constant 0 : i32
      %dma_wait3A_42 = tpu.memref_slice %arg10[%add3A_22, %dma_wait3A] : memref<10240x128xf32, #tpu.memory_space<vmem_shared>> -> memref<128x128xf32, #tpu.memory_space<vmem_shared>>
      %dma_wait3A_43 = arith.constant 0 : i32
      %dma_wait3A_44 = tpu.memref_slice %arg10[%add3A_22, %dma_wait3A_43] : memref<10240x128xf32, #tpu.memory_space<vmem_shared>> -> memref<128x128xf32, #tpu.memory_space<vmem_shared>>
      tpu.wait_dma2 semaphore(%run_scoped3A : memref<!tpu.dma_semaphore, #tpu.memory_space<semaphore_mem>>) src(%arg8 : memref<128x128xf32, #tpu.memory_space<vmem>>) dst(%dma_wait3A_44 : memref<128x128xf32, #tpu.memory_space<vmem_shared>>)
      tpu.yield
    }) : () -> ()
    %mul3A_23 = arith.constant 640 : i32
    %mul3A_24 = arith.muli %arg1, %mul3A_23 : i32
    %add3A_25 = arith.constant 512 : i32
    %add3A_26 = arith.addi %mul3A_24, %add3A_25 : i32
    "tpu.region"() ({
      %run_scoped3A = tpu.sem_alloc : memref<!tpu.dma_semaphore, #tpu.memory_space<semaphore_mem>>
      %dma_start3A = arith.constant 0 : i32
      %dma_start3A_39 = tpu.memref_slice %arg10[%add3A_26, %dma_start3A] : memref<10240x128xf32, #tpu.memory_space<vmem_shared>> -> memref<128x128xf32, #tpu.memory_space<vmem_shared>>
      %dma_start3A_40 = arith.constant 0 : i32
      %dma_start3A_41 = tpu.memref_slice %arg10[%add3A_26, %dma_start3A_40] : memref<10240x128xf32, #tpu.memory_space<vmem_shared>> -> memref<128x128xf32, #tpu.memory_space<vmem_shared>>
      tpu.enqueue_dma source(%arg8 : memref<128x128xf32, #tpu.memory_space<vmem>>) target(%dma_start3A_41 : memref<128x128xf32, #tpu.memory_space<vmem_shared>>) target_semaphore(%run_scoped3A : memref<!tpu.dma_semaphore, #tpu.memory_space<semaphore_mem>>)
      %dma_wait3A = arith.constant 0 : i32
      %dma_wait3A_42 = tpu.memref_slice %arg10[%add3A_26, %dma_wait3A] : memref<10240x128xf32, #tpu.memory_space<vmem_shared>> -> memref<128x128xf32, #tpu.memory_space<vmem_shared>>
      %dma_wait3A_43 = arith.constant 0 : i32
      %dma_wait3A_44 = tpu.memref_slice %arg10[%add3A_26, %dma_wait3A_43] : memref<10240x128xf32, #tpu.memory_space<vmem_shared>> -> memref<128x128xf32, #tpu.memory_space<vmem_shared>>
      tpu.wait_dma2 semaphore(%run_scoped3A : memref<!tpu.dma_semaphore, #tpu.memory_space<semaphore_mem>>) src(%arg8 : memref<128x128xf32, #tpu.memory_space<vmem>>) dst(%dma_wait3A_44 : memref<128x128xf32, #tpu.memory_space<vmem_shared>>)
      tpu.yield
    }) : () -> ()
    %barrier3A = arith.constant 0 : index
    tpu.barrier barrier_id(%barrier3A)
    %scan3A_27 = arith.constant 0 : i32
    %scan3A_28 = arith.constant 0 : i32
    %scan3A_29 = arith.constant 2 : i32
    %scan3A_30 = arith.addi %scan3A_28, %scan3A_29 : i32
    %scan3A_31 = arith.constant 1 : i32
    %scan3A_32 = scf.for %scan3A_39 = %scan3A_28 to %scan3A_30 step %scan3A_31 iter_args(%scan3A_40 = %scan3A_27) -> (i32)  : i32 {
      %mul3A_41 = arith.constant 40 : i32
      %mul3A_42 = arith.muli %scan3A_39, %mul3A_41 : i32
      "tpu.region"() ({
        %run_scoped3A = tpu.sem_alloc : memref<!tpu.dma_semaphore, #tpu.memory_space<semaphore_mem>>
        %dma_start3A_59 = arith.constant 0 : i32
        %dma_start3A_60 = tpu.memref_slice %arg3[%add3A, %mul3A_42, %dma_start3A_59] : memref<32x80x128xi32, #tpu.memory_space<hbm>> -> memref<1x40x128xi32, #tpu.memory_space<hbm>>
        %dma_start3A_61 = tpu.memref_squeeze %dma_start3A_60 : memref<1x40x128xi32, #tpu.memory_space<hbm>> -> memref<40x128xi32, #tpu.memory_space<hbm>>
        %dma_start3A_62 = arith.constant 0 : i32
        %dma_start3A_63 = tpu.memref_slice %arg3[%add3A, %mul3A_42, %dma_start3A_62] : memref<32x80x128xi32, #tpu.memory_space<hbm>> -> memref<1x40x128xi32, #tpu.memory_space<hbm>>
        %dma_start3A_64 = tpu.memref_squeeze %dma_start3A_63 : memref<1x40x128xi32, #tpu.memory_space<hbm>> -> memref<40x128xi32, #tpu.memory_space<hbm>>
        tpu.enqueue_dma source(%dma_start3A_64 : memref<40x128xi32, #tpu.memory_space<hbm>>) target(%arg6 : memref<40x128xi32, #tpu.memory_space<vmem>>) target_semaphore(%run_scoped3A : memref<!tpu.dma_semaphore, #tpu.memory_space<semaphore_mem>>)
        %dma_wait3A = arith.constant 0 : i32
        %dma_wait3A_65 = tpu.memref_slice %arg3[%add3A, %mul3A_42, %dma_wait3A] : memref<32x80x128xi32, #tpu.memory_space<hbm>> -> memref<1x40x128xi32, #tpu.memory_space<hbm>>
        %dma_wait3A_66 = tpu.memref_squeeze %dma_wait3A_65 : memref<1x40x128xi32, #tpu.memory_space<hbm>> -> memref<40x128xi32, #tpu.memory_space<hbm>>
        %dma_wait3A_67 = arith.constant 0 : i32
        %dma_wait3A_68 = tpu.memref_slice %arg3[%add3A, %mul3A_42, %dma_wait3A_67] : memref<32x80x128xi32, #tpu.memory_space<hbm>> -> memref<1x40x128xi32, #tpu.memory_space<hbm>>
        %dma_wait3A_69 = tpu.memref_squeeze %dma_wait3A_68 : memref<1x40x128xi32, #tpu.memory_space<hbm>> -> memref<40x128xi32, #tpu.memory_space<hbm>>
        tpu.wait_dma2 semaphore(%run_scoped3A : memref<!tpu.dma_semaphore, #tpu.memory_space<semaphore_mem>>) src(%dma_wait3A_69 : memref<40x128xi32, #tpu.memory_space<hbm>>) dst(%arg6 : memref<40x128xi32, #tpu.memory_space<vmem>>)
        tpu.yield
      }) : () -> ()
      %mul3A_43 = arith.constant 40 : i32
      %mul3A_44 = arith.muli %scan3A_39, %mul3A_43 : i32
      "tpu.region"() ({
        %run_scoped3A = tpu.sem_alloc : memref<!tpu.dma_semaphore, #tpu.memory_space<semaphore_mem>>
        %dma_start3A_59 = arith.constant 0 : i32
        %dma_start3A_60 = tpu.memref_slice %arg4[%add3A, %mul3A_44, %dma_start3A_59] : memref<32x80x128xi32, #tpu.memory_space<hbm>> -> memref<1x40x128xi32, #tpu.memory_space<hbm>>
        %dma_start3A_61 = tpu.memref_squeeze %dma_start3A_60 : memref<1x40x128xi32, #tpu.memory_space<hbm>> -> memref<40x128xi32, #tpu.memory_space<hbm>>
        %dma_start3A_62 = arith.constant 0 : i32
        %dma_start3A_63 = tpu.memref_slice %arg4[%add3A, %mul3A_44, %dma_start3A_62] : memref<32x80x128xi32, #tpu.memory_space<hbm>> -> memref<1x40x128xi32, #tpu.memory_space<hbm>>
        %dma_start3A_64 = tpu.memref_squeeze %dma_start3A_63 : memref<1x40x128xi32, #tpu.memory_space<hbm>> -> memref<40x128xi32, #tpu.memory_space<hbm>>
        tpu.enqueue_dma source(%dma_start3A_64 : memref<40x128xi32, #tpu.memory_space<hbm>>) target(%arg7 : memref<40x128xi32, #tpu.memory_space<vmem>>) target_semaphore(%run_scoped3A : memref<!tpu.dma_semaphore, #tpu.memory_space<semaphore_mem>>)
        %dma_wait3A = arith.constant 0 : i32
        %dma_wait3A_65 = tpu.memref_slice %arg4[%add3A, %mul3A_44, %dma_wait3A] : memref<32x80x128xi32, #tpu.memory_space<hbm>> -> memref<1x40x128xi32, #tpu.memory_space<hbm>>
        %dma_wait3A_66 = tpu.memref_squeeze %dma_wait3A_65 : memref<1x40x128xi32, #tpu.memory_space<hbm>> -> memref<40x128xi32, #tpu.memory_space<hbm>>
        %dma_wait3A_67 = arith.constant 0 : i32
        %dma_wait3A_68 = tpu.memref_slice %arg4[%add3A, %mul3A_44, %dma_wait3A_67] : memref<32x80x128xi32, #tpu.memory_space<hbm>> -> memref<1x40x128xi32, #tpu.memory_space<hbm>>
        %dma_wait3A_69 = tpu.memref_squeeze %dma_wait3A_68 : memref<1x40x128xi32, #tpu.memory_space<hbm>> -> memref<40x128xi32, #tpu.memory_space<hbm>>
        tpu.wait_dma2 semaphore(%run_scoped3A : memref<!tpu.dma_semaphore, #tpu.memory_space<semaphore_mem>>) src(%dma_wait3A_69 : memref<40x128xi32, #tpu.memory_space<hbm>>) dst(%arg7 : memref<40x128xi32, #tpu.memory_space<vmem>>)
        tpu.yield
      }) : () -> ()
      %dma_start3A = arith.constant 0 : i32
      %dma_start3A_45 = arith.constant 0 : i32
      %dma_start3A_46 = tpu.memref_slice %arg6[%dma_start3A, %dma_start3A_45] : memref<40x128xi32, #tpu.memory_space<vmem>> -> memref<1x128xi32, #tpu.memory_space<vmem>>
      %dma_start3A_47 = tpu.memref_squeeze %dma_start3A_46 : memref<1x128xi32, #tpu.memory_space<vmem>> -> memref<128xi32, #tpu.memory_space<vmem>>
      %dma_start3A_48 = arith.constant 0 : i32
      %dma_start3A_49 = arith.constant 0 : i32
      %dma_start3A_50 = tpu.memref_slice %arg2[%dma_start3A_48, %dma_start3A_49] : memref<10240x128xf32, #tpu.memory_space<hbm>> -> memref<10240x128xf32, #tpu.memory_space<hbm>>
      tpu.enqueue_indirect_dma source(%dma_start3A_50 : memref<10240x128xf32, #tpu.memory_space<hbm>>) target(%arg8 : memref<128x128xf32, #tpu.memory_space<vmem>>) offsets(%dma_start3A_47 : memref<128xi32, #tpu.memory_space<vmem>>) semaphore(%arg11 : memref<!tpu.dma_semaphore, #tpu.memory_space<semaphore_mem>>)
      %scan3A_51 = arith.constant 0 : i32
      %scan3A_52 = arith.constant 0 : i32
      %scan3A_53 = arith.constant 20 : i32
      %scan3A_54 = arith.addi %scan3A_52, %scan3A_53 : i32
      %scan3A_55 = arith.constant 1 : i32
      %scan3A_56 = scf.for %scan3A_59 = %scan3A_52 to %scan3A_54 step %scan3A_55 iter_args(%scan3A_60 = %scan3A_51) -> (i32)  : i32 {
        %mul3A_61 = arith.constant 2 : i32
        %mul3A_62 = arith.muli %mul3A_61, %scan3A_59 : i32
        %dma_wait3A = arith.constant 0 : i32
        %dma_wait3A_63 = tpu.memref_slice %arg6[%mul3A_62, %dma_wait3A] : memref<40x128xi32, #tpu.memory_space<vmem>> -> memref<1x128xi32, #tpu.memory_space<vmem>>
        %dma_wait3A_64 = tpu.memref_squeeze %dma_wait3A_63 : memref<1x128xi32, #tpu.memory_space<vmem>> -> memref<128xi32, #tpu.memory_space<vmem>>
        %dma_wait3A_65 = arith.constant 0 : i32
        %dma_wait3A_66 = arith.constant 0 : i32
        %dma_wait3A_67 = tpu.memref_slice %arg2[%dma_wait3A_65, %dma_wait3A_66] : memref<10240x128xf32, #tpu.memory_space<hbm>> -> memref<10240x128xf32, #tpu.memory_space<hbm>>
        tpu.wait_indirect_dma semaphore(%arg11 : memref<!tpu.dma_semaphore, #tpu.memory_space<semaphore_mem>>) src(%dma_wait3A_67 : memref<10240x128xf32, #tpu.memory_space<hbm>>) dst(%arg8 : memref<128x128xf32, #tpu.memory_space<vmem>>)
        %add3A_68 = arith.constant 1 : i32
        %add3A_69 = arith.addi %mul3A_62, %add3A_68 : i32
        %dma_start3A_70 = arith.constant 0 : i32
        %dma_start3A_71 = tpu.memref_slice %arg6[%add3A_69, %dma_start3A_70] : memref<40x128xi32, #tpu.memory_space<vmem>> -> memref<1x128xi32, #tpu.memory_space<vmem>>
        %dma_start3A_72 = tpu.memref_squeeze %dma_start3A_71 : memref<1x128xi32, #tpu.memory_space<vmem>> -> memref<128xi32, #tpu.memory_space<vmem>>
        %dma_start3A_73 = arith.constant 0 : i32
        %dma_start3A_74 = arith.constant 0 : i32
        %dma_start3A_75 = tpu.memref_slice %arg2[%dma_start3A_73, %dma_start3A_74] : memref<10240x128xf32, #tpu.memory_space<hbm>> -> memref<10240x128xf32, #tpu.memory_space<hbm>>
        tpu.enqueue_indirect_dma source(%dma_start3A_75 : memref<10240x128xf32, #tpu.memory_space<hbm>>) target(%arg9 : memref<128x128xf32, #tpu.memory_space<vmem>>) offsets(%dma_start3A_72 : memref<128xi32, #tpu.memory_space<vmem>>) semaphore(%arg12 : memref<!tpu.dma_semaphore, #tpu.memory_space<semaphore_mem>>)
        "tpu.region"() ({
          %run_scoped3A = tpu.sem_alloc : memref<!tpu.dma_semaphore, #tpu.memory_space<semaphore_mem>>
          %dma_start3A_89 = arith.constant 0 : i32
          %dma_start3A_90 = tpu.memref_slice %arg7[%mul3A_62, %dma_start3A_89] : memref<40x128xi32, #tpu.memory_space<vmem>> -> memref<1x128xi32, #tpu.memory_space<vmem>>
          %dma_start3A_91 = tpu.memref_squeeze %dma_start3A_90 : memref<1x128xi32, #tpu.memory_space<vmem>> -> memref<128xi32, #tpu.memory_space<vmem>>
          %dma_start3A_92 = arith.constant 0 : i32
          %dma_start3A_93 = arith.constant 0 : i32
          %dma_start3A_94 = tpu.memref_slice %arg10[%dma_start3A_92, %dma_start3A_93] : memref<10240x128xf32, #tpu.memory_space<vmem_shared>> -> memref<10240x128xf32, #tpu.memory_space<vmem_shared>>
          tpu.enqueue_indirect_dma source(%arg8 : memref<128x128xf32, #tpu.memory_space<vmem>>) target(%dma_start3A_94 : memref<10240x128xf32, #tpu.memory_space<vmem_shared>>) offsets(%dma_start3A_91 : memref<128xi32, #tpu.memory_space<vmem>>) semaphore(%run_scoped3A : memref<!tpu.dma_semaphore, #tpu.memory_space<semaphore_mem>>) {add = true}
          %dma_wait3A_95 = arith.constant 0 : i32
          %dma_wait3A_96 = tpu.memref_slice %arg7[%mul3A_62, %dma_wait3A_95] : memref<40x128xi32, #tpu.memory_space<vmem>> -> memref<1x128xi32, #tpu.memory_space<vmem>>
          %dma_wait3A_97 = tpu.memref_squeeze %dma_wait3A_96 : memref<1x128xi32, #tpu.memory_space<vmem>> -> memref<128xi32, #tpu.memory_space<vmem>>
          %dma_wait3A_98 = arith.constant 0 : i32
          %dma_wait3A_99 = arith.constant 0 : i32
          %dma_wait3A_100 = tpu.memref_slice %arg10[%dma_wait3A_98, %dma_wait3A_99] : memref<10240x128xf32, #tpu.memory_space<vmem_shared>> -> memref<10240x128xf32, #tpu.memory_space<vmem_shared>>
          tpu.wait_indirect_dma semaphore(%run_scoped3A : memref<!tpu.dma_semaphore, #tpu.memory_space<semaphore_mem>>) src(%arg8 : memref<128x128xf32, #tpu.memory_space<vmem>>) dst(%dma_wait3A_100 : memref<10240x128xf32, #tpu.memory_space<vmem_shared>>)
          tpu.yield
        }) : () -> ()
        %lt3A = arith.constant 19 : i32
        %lt3A_76 = arith.cmpi slt, %scan3A_59, %lt3A : i32
        %convert_element_type3A = arith.extui %lt3A_76 : i1 to i32
        %cond3A = arith.constant 0 : i32
        %cond3A_77 = arith.cmpi ne, %convert_element_type3A, %cond3A : i32
        scf.if %cond3A_77 {
          %add3A_89 = arith.constant 2 : i32
          %add3A_90 = arith.addi %mul3A_62, %add3A_89 : i32
          %dma_start3A_91 = arith.constant 0 : i32
          %dma_start3A_92 = tpu.memref_slice %arg6[%add3A_90, %dma_start3A_91] : memref<40x128xi32, #tpu.memory_space<vmem>> -> memref<1x128xi32, #tpu.memory_space<vmem>>
          %dma_start3A_93 = tpu.memref_squeeze %dma_start3A_92 : memref<1x128xi32, #tpu.memory_space<vmem>> -> memref<128xi32, #tpu.memory_space<vmem>>
          %dma_start3A_94 = arith.constant 0 : i32
          %dma_start3A_95 = arith.constant 0 : i32
          %dma_start3A_96 = tpu.memref_slice %arg2[%dma_start3A_94, %dma_start3A_95] : memref<10240x128xf32, #tpu.memory_space<hbm>> -> memref<10240x128xf32, #tpu.memory_space<hbm>>
          tpu.enqueue_indirect_dma source(%dma_start3A_96 : memref<10240x128xf32, #tpu.memory_space<hbm>>) target(%arg8 : memref<128x128xf32, #tpu.memory_space<vmem>>) offsets(%dma_start3A_93 : memref<128xi32, #tpu.memory_space<vmem>>) semaphore(%arg11 : memref<!tpu.dma_semaphore, #tpu.memory_space<semaphore_mem>>)
        } else {
        }
        %add3A_78 = arith.constant 1 : i32
        %add3A_79 = arith.addi %mul3A_62, %add3A_78 : i32
        %dma_wait3A_80 = arith.constant 0 : i32
        %dma_wait3A_81 = tpu.memref_slice %arg6[%add3A_79, %dma_wait3A_80] : memref<40x128xi32, #tpu.memory_space<vmem>> -> memref<1x128xi32, #tpu.memory_space<vmem>>
        %dma_wait3A_82 = tpu.memref_squeeze %dma_wait3A_81 : memref<1x128xi32, #tpu.memory_space<vmem>> -> memref<128xi32, #tpu.memory_space<vmem>>
        %dma_wait3A_83 = arith.constant 0 : i32
        %dma_wait3A_84 = arith.constant 0 : i32
        %dma_wait3A_85 = tpu.memref_slice %arg2[%dma_wait3A_83, %dma_wait3A_84] : memref<10240x128xf32, #tpu.memory_space<hbm>> -> memref<10240x128xf32, #tpu.memory_space<hbm>>
        tpu.wait_indirect_dma semaphore(%arg12 : memref<!tpu.dma_semaphore, #tpu.memory_space<semaphore_mem>>) src(%dma_wait3A_85 : memref<10240x128xf32, #tpu.memory_space<hbm>>) dst(%arg9 : memref<128x128xf32, #tpu.memory_space<vmem>>)
        %add3A_86 = arith.constant 1 : i32
        %add3A_87 = arith.addi %mul3A_62, %add3A_86 : i32
        "tpu.region"() ({
          %run_scoped3A = tpu.sem_alloc : memref<!tpu.dma_semaphore, #tpu.memory_space<semaphore_mem>>
          %dma_start3A_89 = arith.constant 0 : i32
          %dma_start3A_90 = tpu.memref_slice %arg7[%add3A_87, %dma_start3A_89] : memref<40x128xi32, #tpu.memory_space<vmem>> -> memref<1x128xi32, #tpu.memory_space<vmem>>
          %dma_start3A_91 = tpu.memref_squeeze %dma_start3A_90 : memref<1x128xi32, #tpu.memory_space<vmem>> -> memref<128xi32, #tpu.memory_space<vmem>>
          %dma_start3A_92 = arith.constant 0 : i32
          %dma_start3A_93 = arith.constant 0 : i32
          %dma_start3A_94 = tpu.memref_slice %arg10[%dma_start3A_92, %dma_start3A_93] : memref<10240x128xf32, #tpu.memory_space<vmem_shared>> -> memref<10240x128xf32, #tpu.memory_space<vmem_shared>>
          tpu.enqueue_indirect_dma source(%arg9 : memref<128x128xf32, #tpu.memory_space<vmem>>) target(%dma_start3A_94 : memref<10240x128xf32, #tpu.memory_space<vmem_shared>>) offsets(%dma_start3A_91 : memref<128xi32, #tpu.memory_space<vmem>>) semaphore(%run_scoped3A : memref<!tpu.dma_semaphore, #tpu.memory_space<semaphore_mem>>) {add = true}
          %dma_wait3A_95 = arith.constant 0 : i32
          %dma_wait3A_96 = tpu.memref_slice %arg7[%add3A_87, %dma_wait3A_95] : memref<40x128xi32, #tpu.memory_space<vmem>> -> memref<1x128xi32, #tpu.memory_space<vmem>>
          %dma_wait3A_97 = tpu.memref_squeeze %dma_wait3A_96 : memref<1x128xi32, #tpu.memory_space<vmem>> -> memref<128xi32, #tpu.memory_space<vmem>>
          %dma_wait3A_98 = arith.constant 0 : i32
          %dma_wait3A_99 = arith.constant 0 : i32
          %dma_wait3A_100 = tpu.memref_slice %arg10[%dma_wait3A_98, %dma_wait3A_99] : memref<10240x128xf32, #tpu.memory_space<vmem_shared>> -> memref<10240x128xf32, #tpu.memory_space<vmem_shared>>
          tpu.wait_indirect_dma semaphore(%run_scoped3A : memref<!tpu.dma_semaphore, #tpu.memory_space<semaphore_mem>>) src(%arg9 : memref<128x128xf32, #tpu.memory_space<vmem>>) dst(%dma_wait3A_100 : memref<10240x128xf32, #tpu.memory_space<vmem_shared>>)
          tpu.yield
        }) : () -> ()
        %scan3A_88 = arith.constant 0 : i32
        scf.yield %scan3A_88 : i32
      }
      %scan3A_57 = arith.constant 20 : i32
      %scan3A_58 = arith.constant 0 : i32
      scf.yield %scan3A_58 : i32
    }
    %scan3A_33 = arith.constant 2 : i32
    %barrier3A_34 = arith.constant 0 : index
    tpu.barrier barrier_id(%barrier3A_34)
    %mul3A_35 = arith.constant 640 : i32
    %mul3A_36 = arith.muli %arg1, %mul3A_35 : i32
    %mul3A_37 = arith.constant 640 : i32
    %mul3A_38 = arith.muli %arg1, %mul3A_37 : i32
    "tpu.region"() ({
      %run_scoped3A = tpu.sem_alloc : memref<!tpu.dma_semaphore, #tpu.memory_space<semaphore_mem>>
      %dma_start3A = arith.constant 0 : i32
      %dma_start3A_39 = tpu.memref_slice %arg5[%arg0, %mul3A_38, %dma_start3A] : memref<2x10240x128xf32, #tpu.memory_space<hbm>> -> memref<1x640x128xf32, #tpu.memory_space<hbm>>
      %dma_start3A_40 = tpu.memref_squeeze %dma_start3A_39 : memref<1x640x128xf32, #tpu.memory_space<hbm>> -> memref<640x128xf32, #tpu.memory_space<hbm>>
      %dma_start3A_41 = arith.constant 0 : i32
      %dma_start3A_42 = tpu.memref_slice %arg10[%mul3A_36, %dma_start3A_41] : memref<10240x128xf32, #tpu.memory_space<vmem_shared>> -> memref<640x128xf32, #tpu.memory_space<vmem_shared>>
      tpu.enqueue_dma source(%dma_start3A_42 : memref<640x128xf32, #tpu.memory_space<vmem_shared>>) target(%dma_start3A_40 : memref<640x128xf32, #tpu.memory_space<hbm>>) target_semaphore(%run_scoped3A : memref<!tpu.dma_semaphore, #tpu.memory_space<semaphore_mem>>)
      %dma_wait3A = arith.constant 0 : i32
      %dma_wait3A_43 = tpu.memref_slice %arg5[%arg0, %mul3A_38, %dma_wait3A] : memref<2x10240x128xf32, #tpu.memory_space<hbm>> -> memref<1x640x128xf32, #tpu.memory_space<hbm>>
      %dma_wait3A_44 = tpu.memref_squeeze %dma_wait3A_43 : memref<1x640x128xf32, #tpu.memory_space<hbm>> -> memref<640x128xf32, #tpu.memory_space<hbm>>
      %dma_wait3A_45 = arith.constant 0 : i32
      %dma_wait3A_46 = tpu.memref_slice %arg10[%mul3A_36, %dma_wait3A_45] : memref<10240x128xf32, #tpu.memory_space<vmem_shared>> -> memref<640x128xf32, #tpu.memory_space<vmem_shared>>
      tpu.wait_dma2 semaphore(%run_scoped3A : memref<!tpu.dma_semaphore, #tpu.memory_space<semaphore_mem>>) src(%dma_wait3A_46 : memref<640x128xf32, #tpu.memory_space<vmem_shared>>) dst(%dma_wait3A_44 : memref<640x128xf32, #tpu.memory_space<hbm>>)
      tpu.yield
    }) : () -> ()
    return
  }
}

module attributes {stable_mosaic.version = 14 : i64} {
  func.func @_k1_body(%arg0: i32, %arg1: memref<1280x128xf32, #tpu.memory_space<vmem>>, %arg2: memref<128x128xf32, #tpu.memory_space<vmem>>, %arg3: memref<1280x1xf32, #tpu.memory_space<vmem>>, %arg4: memref<1280x1xf32, #tpu.memory_space<vmem>>, %arg5: memref<1280x128xf32, #tpu.memory_space<vmem>>, %arg6: memref<1280x1xf32, #tpu.memory_space<vmem>>) attributes {dimension_semantics = [#tpu.dimension_semantics<arbitrary>], iteration_bounds = array<i64: 8>, scalar_prefetch = 0 : i64, scratch_operands = 0 : i64, tpu.core_type = #tpu.core_type<tc>, window_params = [{transform_indices = @transform_0, window_bounds = array<i64: 1280, 128>}, {pipeline_mode = #tpu.pipeline_mode<synchronous>, transform_indices = @transform_1, window_bounds = array<i64: 128, 128>}, {transform_indices = @transform_2, window_bounds = array<i64: 1280, 1>}, {transform_indices = @transform_3, window_bounds = array<i64: 1280, 1>}, {transform_indices = @transform_4, window_bounds = array<i64: 1280, 128>}, {transform_indices = @transform_5, window_bounds = array<i64: 1280, 1>}]} {
    %get3A = arith.constant 0 : index
    %get3A_0 = arith.constant 0 : index
    %get3A_1 = vector.load %arg3[%get3A, %get3A_0] : memref<1280x1xf32, #tpu.memory_space<vmem>>, vector<1280x1xf32>
    %get3A_2 = arith.constant 0 : index
    %get3A_3 = arith.constant 0 : index
    %get3A_4 = vector.load %arg4[%get3A_2, %get3A_3] : memref<1280x1xf32, #tpu.memory_space<vmem>>, vector<1280x1xf32>
    %add3A = arith.addf %get3A_1, %get3A_4 : vector<1280x1xf32>
    %add3A_5 = arith.constant 1.000000e+00 : f32
    %add3A_6 = vector.broadcast %add3A_5 : f32 to vector<1280x1xf32>
    %add3A_7 = arith.addf %add3A, %add3A_6 : vector<1280x1xf32>
    %rsqrt3A = math.rsqrt %add3A_7 : vector<1280x1xf32>
    %get3A_8 = arith.constant 0 : index
    %get3A_9 = arith.constant 0 : index
    %get3A_10 = vector.load %arg1[%get3A_8, %get3A_9] : memref<1280x128xf32, #tpu.memory_space<vmem>>, vector<1280x128xf32>
    %get3A_11 = arith.constant 0 : index
    %get3A_12 = arith.constant 0 : index
    %get3A_13 = vector.load %arg2[%get3A_11, %get3A_12] : memref<128x128xf32, #tpu.memory_space<vmem>>, vector<128x128xf32>
    %dot_general3A = arith.constant dense<0.000000e+00> : vector<1280x128xf32>
    %dot_general3A_14 = tpu.matmul %get3A_10, %get3A_13, %dot_general3A {dimension_numbers = #tpu.dot_dimension_numbers<[1], [0], [0], [1], [0, 0, 1, 1], [], []>, transpose_lhs_hint = false} : vector<1280x128xf32>, vector<128x128xf32>, vector<1280x128xf32> -> vector<1280x128xf32>
    %mul3A = vector.broadcast %rsqrt3A : vector<1280x1xf32> to vector<1280x128xf32>
    %mul3A_15 = arith.mulf %dot_general3A_14, %mul3A : vector<1280x128xf32>
    %swap3A = arith.constant 0 : index
    %swap3A_16 = arith.constant 0 : index
    %swap3A_17 = vector.load %arg5[%swap3A, %swap3A_16] : memref<1280x128xf32, #tpu.memory_space<vmem>>, vector<1280x128xf32>
    tpu.vector_store %arg5[%swap3A, %swap3A_16], %mul3A_15 {strides = array<i32>} : memref<1280x128xf32, #tpu.memory_space<vmem>>, vector<1280x128xf32>,
    %swap3A_18 = arith.constant 0 : index
    %swap3A_19 = arith.constant 0 : index
    %swap3A_20 = vector.load %arg6[%swap3A_18, %swap3A_19] : memref<1280x1xf32, #tpu.memory_space<vmem>>, vector<1280x1xf32>
    tpu.vector_store %arg6[%swap3A_18, %swap3A_19], %rsqrt3A {strides = array<i32>} : memref<1280x1xf32, #tpu.memory_space<vmem>>, vector<1280x1xf32>,
    return
  }
  func.func @transform_0(%arg0: i32) -> (i32, i32) {
    %c0_i32 = arith.constant 0 : i32
    %c0_i32_0 = arith.constant 0 : i32
    return %arg0, %c0_i32 : i32, i32
  }
  func.func @transform_1(%arg0: i32) -> (i32, i32) {
    %c0_i32 = arith.constant 0 : i32
    %c0_i32_0 = arith.constant 0 : i32
    %c0_i32_1 = arith.constant 0 : i32
    return %c0_i32, %c0_i32_0 : i32, i32
  }
  func.func @transform_2(%arg0: i32) -> (i32, i32) {
    %c0_i32 = arith.constant 0 : i32
    %c0_i32_0 = arith.constant 0 : i32
    return %arg0, %c0_i32 : i32, i32
  }
  func.func @transform_3(%arg0: i32) -> (i32, i32) {
    %c0_i32 = arith.constant 0 : i32
    %c0_i32_0 = arith.constant 0 : i32
    return %arg0, %c0_i32 : i32, i32
  }
  func.func @transform_4(%arg0: i32) -> (i32, i32) {
    %c0_i32 = arith.constant 0 : i32
    %c0_i32_0 = arith.constant 0 : i32
    return %arg0, %c0_i32 : i32, i32
  }
  func.func @transform_5(%arg0: i32) -> (i32, i32) {
    %c0_i32 = arith.constant 0 : i32
    %c0_i32_0 = arith.constant 0 : i32
    return %arg0, %c0_i32 : i32, i32
  }
}

module attributes {stable_mosaic.version = 14 : i64} {
  func.func @_kmid_body(%arg0: i32, %arg1: memref<2x1280x128xf32, #tpu.memory_space<vmem>>, %arg2: memref<1280x128xf32, #tpu.memory_space<vmem>>, %arg3: memref<1280x1xf32, #tpu.memory_space<vmem>>, %arg4: memref<1x128xf32, #tpu.memory_space<vmem>>, %arg5: memref<128x128xf32, #tpu.memory_space<vmem>>, %arg6: memref<1280x128xf32, #tpu.memory_space<vmem>>) attributes {dimension_semantics = [#tpu.dimension_semantics<arbitrary>], iteration_bounds = array<i64: 8>, scalar_prefetch = 0 : i64, scratch_operands = 0 : i64, tpu.core_type = #tpu.core_type<tc>, window_params = [{transform_indices = @transform_0, window_bounds = array<i64: 2, 1280, 128>}, {transform_indices = @transform_1, window_bounds = array<i64: 1280, 128>}, {transform_indices = @transform_2, window_bounds = array<i64: 1280, 1>}, {pipeline_mode = #tpu.pipeline_mode<synchronous>, transform_indices = @transform_3, window_bounds = array<i64: 1, 128>}, {pipeline_mode = #tpu.pipeline_mode<synchronous>, transform_indices = @transform_4, window_bounds = array<i64: 128, 128>}, {transform_indices = @transform_5, window_bounds = array<i64: 1280, 128>}]} {
    %get3A = arith.constant 0 : index
    %get3A_0 = arith.constant 0 : index
    %get3A_1 = vector.load %arg3[%get3A, %get3A_0] : memref<1280x1xf32, #tpu.memory_space<vmem>>, vector<1280x1xf32>
    %get3A_2 = arith.constant 0 : index
    %get3A_3 = arith.constant 0 : index
    %get3A_4 = arith.constant 0 : index
    %get3A_5 = vector.load %arg1[%get3A_2, %get3A_3, %get3A_4] : memref<2x1280x128xf32, #tpu.memory_space<vmem>>, vector<1x1280x128xf32>
    %get3A_6 = vector.shape_cast %get3A_5 : vector<1x1280x128xf32> to vector<1280x128xf32>
    %get3A_7 = arith.constant 1 : index
    %get3A_8 = arith.constant 0 : index
    %get3A_9 = arith.constant 0 : index
    %get3A_10 = vector.load %arg1[%get3A_7, %get3A_8, %get3A_9] : memref<2x1280x128xf32, #tpu.memory_space<vmem>>, vector<1x1280x128xf32>
    %get3A_11 = vector.shape_cast %get3A_10 : vector<1x1280x128xf32> to vector<1280x128xf32>
    %add3A = arith.addf %get3A_6, %get3A_11 : vector<1280x128xf32>
    %get3A_12 = arith.constant 0 : index
    %get3A_13 = arith.constant 0 : index
    %get3A_14 = vector.load %arg2[%get3A_12, %get3A_13] : memref<1280x128xf32, #tpu.memory_space<vmem>>, vector<1280x128xf32>
    %add3A_15 = arith.addf %add3A, %get3A_14 : vector<1280x128xf32>
    %mul3A = vector.broadcast %get3A_1 : vector<1280x1xf32> to vector<1280x128xf32>
    %mul3A_16 = arith.mulf %add3A_15, %mul3A : vector<1280x128xf32>
    %get3A_17 = arith.constant 0 : index
    %get3A_18 = arith.constant 0 : index
    %get3A_19 = vector.load %arg4[%get3A_17, %get3A_18] : memref<1x128xf32, #tpu.memory_space<vmem>>, vector<1x128xf32>
    %add3A_20 = vector.broadcast %get3A_19 : vector<1x128xf32> to vector<1280x128xf32>
    %add3A_21 = arith.addf %mul3A_16, %add3A_20 : vector<1280x128xf32>
    %max3A = arith.constant 0.000000e+00 : f32
    %max3A_22 = vector.broadcast %max3A : f32 to vector<1280x128xf32>
    %max3A_23 = arith.maximumf %add3A_21, %max3A_22 : vector<1280x128xf32>
    %get3A_24 = arith.constant 0 : index
    %get3A_25 = arith.constant 0 : index
    %get3A_26 = vector.load %arg5[%get3A_24, %get3A_25] : memref<128x128xf32, #tpu.memory_space<vmem>>, vector<128x128xf32>
    %dot_general3A = arith.constant dense<0.000000e+00> : vector<1280x128xf32>
    %dot_general3A_27 = tpu.matmul %max3A_23, %get3A_26, %dot_general3A {dimension_numbers = #tpu.dot_dimension_numbers<[1], [0], [0], [1], [0, 0, 1, 1], [], []>, transpose_lhs_hint = false} : vector<1280x128xf32>, vector<128x128xf32>, vector<1280x128xf32> -> vector<1280x128xf32>
    %mul3A_28 = vector.broadcast %get3A_1 : vector<1280x1xf32> to vector<1280x128xf32>
    %mul3A_29 = arith.mulf %dot_general3A_27, %mul3A_28 : vector<1280x128xf32>
    %swap3A = arith.constant 0 : index
    %swap3A_30 = arith.constant 0 : index
    %swap3A_31 = vector.load %arg6[%swap3A, %swap3A_30] : memref<1280x128xf32, #tpu.memory_space<vmem>>, vector<1280x128xf32>
    tpu.vector_store %arg6[%swap3A, %swap3A_30], %mul3A_29 {strides = array<i32>} : memref<1280x128xf32, #tpu.memory_space<vmem>>, vector<1280x128xf32>,
    return
  }
  func.func @transform_0(%arg0: i32) -> (i32, i32, i32) {
    %c0_i32 = arith.constant 0 : i32
    %c0_i32_0 = arith.constant 0 : i32
    %c0_i32_1 = arith.constant 0 : i32
    return %c0_i32, %arg0, %c0_i32_0 : i32, i32, i32
  }
  func.func @transform_1(%arg0: i32) -> (i32, i32) {
    %c0_i32 = arith.constant 0 : i32
    %c0_i32_0 = arith.constant 0 : i32
    return %arg0, %c0_i32 : i32, i32
  }
  func.func @transform_2(%arg0: i32) -> (i32, i32) {
    %c0_i32 = arith.constant 0 : i32
    %c0_i32_0 = arith.constant 0 : i32
    return %arg0, %c0_i32 : i32, i32
  }
  func.func @transform_3(%arg0: i32) -> (i32, i32) {
    %c0_i32 = arith.constant 0 : i32
    %c0_i32_0 = arith.constant 0 : i32
    %c0_i32_1 = arith.constant 0 : i32
    return %c0_i32, %c0_i32_0 : i32, i32
  }
  func.func @transform_4(%arg0: i32) -> (i32, i32) {
    %c0_i32 = arith.constant 0 : i32
    %c0_i32_0 = arith.constant 0 : i32
    %c0_i32_1 = arith.constant 0 : i32
    return %c0_i32, %c0_i32_0 : i32, i32
  }
  func.func @transform_5(%arg0: i32) -> (i32, i32) {
    %c0_i32 = arith.constant 0 : i32
    %c0_i32_0 = arith.constant 0 : i32
    return %arg0, %c0_i32 : i32, i32
  }
}

module attributes {stable_mosaic.version = 14 : i64} {
  func.func @_klast_body(%arg0: i32, %arg1: memref<2x1280x128xf32, #tpu.memory_space<vmem>>, %arg2: memref<1280x128xf32, #tpu.memory_space<vmem>>, %arg3: memref<1280x1xf32, #tpu.memory_space<vmem>>, %arg4: memref<1x128xf32, #tpu.memory_space<vmem>>, %arg5: memref<1280x1xi32, #tpu.memory_space<vmem>>, %arg6: memref<128x128xf32, #tpu.memory_space<vmem>>, %arg7: memref<1x128xf32, #tpu.memory_space<vmem>>, %arg8: memref<128x10xf32, #tpu.memory_space<vmem>>, %arg9: memref<1x10xf32, #tpu.memory_space<vmem>>, %arg10: memref<64x10xf32, #tpu.memory_space<vmem>>, %arg11: memref<64x128xf32, #tpu.memory_space<vmem>>, %arg12: memref<64x1xf32, #tpu.memory_space<vmem>>) attributes {dimension_semantics = [#tpu.dimension_semantics<arbitrary>], iteration_bounds = array<i64: 8>, scalar_prefetch = 0 : i64, scratch_operands = 2 : i64, tpu.core_type = #tpu.core_type<tc>, window_params = [{transform_indices = @transform_0, window_bounds = array<i64: 2, 1280, 128>}, {transform_indices = @transform_1, window_bounds = array<i64: 1280, 128>}, {transform_indices = @transform_2, window_bounds = array<i64: 1280, 1>}, {pipeline_mode = #tpu.pipeline_mode<synchronous>, transform_indices = @transform_3, window_bounds = array<i64: 1, 128>}, {transform_indices = @transform_4, window_bounds = array<i64: 1280, 1>}, {pipeline_mode = #tpu.pipeline_mode<synchronous>, transform_indices = @transform_5, window_bounds = array<i64: 128, 128>}, {pipeline_mode = #tpu.pipeline_mode<synchronous>, transform_indices = @transform_6, window_bounds = array<i64: 1, 128>}, {pipeline_mode = #tpu.pipeline_mode<synchronous>, transform_indices = @transform_7, window_bounds = array<i64: 128, 10>}, {pipeline_mode = #tpu.pipeline_mode<synchronous>, transform_indices = @transform_8, window_bounds = array<i64: 1, 10>}, {pipeline_mode = #tpu.pipeline_mode<synchronous>, transform_indices = @transform_9, window_bounds = array<i64: 64, 10>}]} {
    %get3A = arith.constant 0 : index
    %get3A_0 = arith.constant 0 : index
    %get3A_1 = arith.constant 0 : index
    %get3A_2 = vector.load %arg1[%get3A, %get3A_0, %get3A_1] : memref<2x1280x128xf32, #tpu.memory_space<vmem>>, vector<1x1280x128xf32>
    %get3A_3 = vector.shape_cast %get3A_2 : vector<1x1280x128xf32> to vector<1280x128xf32>
    %get3A_4 = arith.constant 1 : index
    %get3A_5 = arith.constant 0 : index
    %get3A_6 = arith.constant 0 : index
    %get3A_7 = vector.load %arg1[%get3A_4, %get3A_5, %get3A_6] : memref<2x1280x128xf32, #tpu.memory_space<vmem>>, vector<1x1280x128xf32>
    %get3A_8 = vector.shape_cast %get3A_7 : vector<1x1280x128xf32> to vector<1280x128xf32>
    %add3A = arith.addf %get3A_3, %get3A_8 : vector<1280x128xf32>
    %get3A_9 = arith.constant 0 : index
    %get3A_10 = arith.constant 0 : index
    %get3A_11 = vector.load %arg2[%get3A_9, %get3A_10] : memref<1280x128xf32, #tpu.memory_space<vmem>>, vector<1280x128xf32>
    %add3A_12 = arith.addf %add3A, %get3A_11 : vector<1280x128xf32>
    %get3A_13 = arith.constant 0 : index
    %get3A_14 = arith.constant 0 : index
    %get3A_15 = vector.load %arg3[%get3A_13, %get3A_14] : memref<1280x1xf32, #tpu.memory_space<vmem>>, vector<1280x1xf32>
    %mul3A = vector.broadcast %get3A_15 : vector<1280x1xf32> to vector<1280x128xf32>
    %mul3A_16 = arith.mulf %add3A_12, %mul3A : vector<1280x128xf32>
    %get3A_17 = arith.constant 0 : index
    %get3A_18 = arith.constant 0 : index
    %get3A_19 = vector.load %arg4[%get3A_17, %get3A_18] : memref<1x128xf32, #tpu.memory_space<vmem>>, vector<1x128xf32>
    %add3A_20 = vector.broadcast %get3A_19 : vector<1x128xf32> to vector<1280x128xf32>
    %add3A_21 = arith.addf %mul3A_16, %add3A_20 : vector<1280x128xf32>
    %max3A = arith.constant 0.000000e+00 : f32
    %max3A_22 = vector.broadcast %max3A : f32 to vector<1280x128xf32>
    %max3A_23 = arith.maximumf %add3A_21, %max3A_22 : vector<1280x128xf32>
    %iota3A = tpu.iota {dimensions = array<i32: 1>} : vector<1280x64xi32>
    %get3A_24 = arith.constant 0 : index
    %get3A_25 = arith.constant 0 : index
    %get3A_26 = vector.load %arg5[%get3A_24, %get3A_25] : memref<1280x1xi32, #tpu.memory_space<vmem>>, vector<1280x1xi32>
    %eq3A = vector.broadcast %get3A_26 : vector<1280x1xi32> to vector<1280x64xi32>
    %eq3A_27 = arith.cmpi eq, %eq3A, %iota3A : vector<1280x64xi32>
    %convert_element_type3A = arith.extui %eq3A_27 : vector<1280x64xi1> to vector<1280x64xi32>
    %convert_element_type3A_28 = arith.sitofp %convert_element_type3A : vector<1280x64xi32> to vector<1280x64xf32>
    %dot_general3A = arith.constant dense<0.000000e+00> : vector<64x128xf32>
    %dot_general3A_29 = tpu.matmul %convert_element_type3A_28, %max3A_23, %dot_general3A {dimension_numbers = #tpu.dot_dimension_numbers<[0], [0], [1], [1], [0, 1, 1, 1], [], []>, transpose_lhs_hint = false} : vector<1280x64xf32>, vector<1280x128xf32>, vector<64x128xf32> -> vector<64x128xf32>
    %broadcast_in_dim3A = arith.constant 1.000000e+00 : f32
    %broadcast_in_dim3A_30 = vector.broadcast %broadcast_in_dim3A : f32 to vector<1280x1xf32>
    %dot_general3A_31 = arith.constant dense<0.000000e+00> : vector<64x1xf32>
    %dot_general3A_32 = tpu.matmul %convert_element_type3A_28, %broadcast_in_dim3A_30, %dot_general3A_31 {dimension_numbers = #tpu.dot_dimension_numbers<[0], [0], [1], [1], [0, 1, 1, 1], [], []>, transpose_lhs_hint = false} : vector<1280x64xf32>, vector<1280x1xf32>, vector<64x1xf32> -> vector<64x1xf32>
    %eq3A_33 = arith.constant 0 : i32
    %eq3A_34 = arith.cmpi eq, %arg0, %eq3A_33 : i32
    %convert_element_type3A_35 = arith.extui %eq3A_34 : i1 to i32
    %cond3A = arith.constant 0 : i32
    %cond3A_36 = arith.cmpi ne, %convert_element_type3A_35, %cond3A : i32
    scf.if %cond3A_36 {
      %swap3A = arith.constant 0 : index
      %swap3A_46 = arith.constant 0 : index
      %swap3A_47 = vector.load %arg11[%swap3A, %swap3A_46] : memref<64x128xf32, #tpu.memory_space<vmem>>, vector<64x128xf32>
      tpu.vector_store %arg11[%swap3A, %swap3A_46], %dot_general3A_29 {strides = array<i32>} : memref<64x128xf32, #tpu.memory_space<vmem>>, vector<64x128xf32>,
      %swap3A_48 = arith.constant 0 : index
      %swap3A_49 = arith.constant 0 : index
      %swap3A_50 = vector.load %arg12[%swap3A_48, %swap3A_49] : memref<64x1xf32, #tpu.memory_space<vmem>>, vector<64x1xf32>
      tpu.vector_store %arg12[%swap3A_48, %swap3A_49], %dot_general3A_32 {strides = array<i32>} : memref<64x1xf32, #tpu.memory_space<vmem>>, vector<64x1xf32>,
    } else {
    }
    %gt3A = arith.constant 0 : i32
    %gt3A_37 = arith.cmpi sgt, %arg0, %gt3A : i32
    %convert_element_type3A_38 = arith.extui %gt3A_37 : i1 to i32
    %cond3A_39 = arith.constant 0 : i32
    %cond3A_40 = arith.cmpi ne, %convert_element_type3A_38, %cond3A_39 : i32
    scf.if %cond3A_40 {
      %get3A_46 = arith.constant 0 : index
      %get3A_47 = arith.constant 0 : index
      %get3A_48 = vector.load %arg11[%get3A_46, %get3A_47] : memref<64x128xf32, #tpu.memory_space<vmem>>, vector<64x128xf32>
      %add3A_49 = arith.addf %get3A_48, %dot_general3A_29 : vector<64x128xf32>
      %swap3A = arith.constant 0 : index
      %swap3A_50 = arith.constant 0 : index
      %swap3A_51 = vector.load %arg11[%swap3A, %swap3A_50] : memref<64x128xf32, #tpu.memory_space<vmem>>, vector<64x128xf32>
      tpu.vector_store %arg11[%swap3A, %swap3A_50], %add3A_49 {strides = array<i32>} : memref<64x128xf32, #tpu.memory_space<vmem>>, vector<64x128xf32>,
      %get3A_52 = arith.constant 0 : index
      %get3A_53 = arith.constant 0 : index
      %get3A_54 = vector.load %arg12[%get3A_52, %get3A_53] : memref<64x1xf32, #tpu.memory_space<vmem>>, vector<64x1xf32>
      %add3A_55 = arith.addf %get3A_54, %dot_general3A_32 : vector<64x1xf32>
      %swap3A_56 = arith.constant 0 : index
      %swap3A_57 = arith.constant 0 : index
      %swap3A_58 = vector.load %arg12[%swap3A_56, %swap3A_57] : memref<64x1xf32, #tpu.memory_space<vmem>>, vector<64x1xf32>
      tpu.vector_store %arg12[%swap3A_56, %swap3A_57], %add3A_55 {strides = array<i32>} : memref<64x1xf32, #tpu.memory_space<vmem>>, vector<64x1xf32>,
    } else {
    }
    %eq3A_41 = arith.constant 7 : i32
    %eq3A_42 = arith.cmpi eq, %arg0, %eq3A_41 : i32
    %convert_element_type3A_43 = arith.extui %eq3A_42 : i1 to i32
    %cond3A_44 = arith.constant 0 : i32
    %cond3A_45 = arith.cmpi ne, %convert_element_type3A_43, %cond3A_44 : i32
    scf.if %cond3A_45 {
      %get3A_46 = arith.constant 0 : index
      %get3A_47 = arith.constant 0 : index
      %get3A_48 = vector.load %arg11[%get3A_46, %get3A_47] : memref<64x128xf32, #tpu.memory_space<vmem>>, vector<64x128xf32>
      %get3A_49 = arith.constant 0 : index
      %get3A_50 = arith.constant 0 : index
      %get3A_51 = vector.load %arg12[%get3A_49, %get3A_50] : memref<64x1xf32, #tpu.memory_space<vmem>>, vector<64x1xf32>
      %max3A_52 = arith.constant 1.000000e+00 : f32
      %max3A_53 = vector.broadcast %max3A_52 : f32 to vector<64x1xf32>
      %max3A_54 = arith.maximumf %get3A_51, %max3A_53 : vector<64x1xf32>
      %div3A = vector.broadcast %max3A_54 : vector<64x1xf32> to vector<64x128xf32>
      %div3A_55 = arith.divf %get3A_48, %div3A : vector<64x128xf32>
      %get3A_56 = arith.constant 0 : index
      %get3A_57 = arith.constant 0 : index
      %get3A_58 = vector.load %arg6[%get3A_56, %get3A_57] : memref<128x128xf32, #tpu.memory_space<vmem>>, vector<128x128xf32>
      %dot_general3A_59 = arith.constant dense<0.000000e+00> : vector<64x128xf32>
      %dot_general3A_60 = tpu.matmul %div3A_55, %get3A_58, %dot_general3A_59 {dimension_numbers = #tpu.dot_dimension_numbers<[1], [0], [0], [1], [0, 0, 1, 1], [], []>, transpose_lhs_hint = false} : vector<64x128xf32>, vector<128x128xf32>, vector<64x128xf32> -> vector<64x128xf32>
      %get3A_61 = arith.constant 0 : index
      %get3A_62 = arith.constant 0 : index
      %get3A_63 = vector.load %arg7[%get3A_61, %get3A_62] : memref<1x128xf32, #tpu.memory_space<vmem>>, vector<1x128xf32>
      %add3A_64 = vector.broadcast %get3A_63 : vector<1x128xf32> to vector<64x128xf32>
      %add3A_65 = arith.addf %dot_general3A_60, %add3A_64 : vector<64x128xf32>
      %max3A_66 = arith.constant 0.000000e+00 : f32
      %max3A_67 = vector.broadcast %max3A_66 : f32 to vector<64x128xf32>
      %max3A_68 = arith.maximumf %add3A_65, %max3A_67 : vector<64x128xf32>
      %get3A_69 = arith.constant 0 : index
      %get3A_70 = arith.constant 0 : index
      %get3A_71 = vector.load %arg8[%get3A_69, %get3A_70] : memref<128x10xf32, #tpu.memory_space<vmem>>, vector<128x10xf32>
      %dot_general3A_72 = arith.constant dense<0.000000e+00> : vector<64x10xf32>
      %dot_general3A_73 = tpu.matmul %max3A_68, %get3A_71, %dot_general3A_72 {dimension_numbers = #tpu.dot_dimension_numbers<[1], [0], [0], [1], [0, 0, 1, 1], [], []>, transpose_lhs_hint = false} : vector<64x128xf32>, vector<128x10xf32>, vector<64x10xf32> -> vector<64x10xf32>
      %get3A_74 = arith.constant 0 : index
      %get3A_75 = arith.constant 0 : index
      %get3A_76 = vector.load %arg9[%get3A_74, %get3A_75] : memref<1x10xf32, #tpu.memory_space<vmem>>, vector<1x10xf32>
      %add3A_77 = vector.broadcast %get3A_76 : vector<1x10xf32> to vector<64x10xf32>
      %add3A_78 = arith.addf %dot_general3A_73, %add3A_77 : vector<64x10xf32>
      %reduce_max3A = arith.constant dense<0xFF800000> : vector<64xf32>
      %reduce_max3A_79 = vector.multi_reduction <maximumf>, %add3A_78, %reduce_max3A [1] : vector<64x10xf32> to vector<64xf32>
      %broadcast_in_dim3A_80 = vector.shape_cast %reduce_max3A_79 : vector<64xf32> to vector<64x1xf32>
      %sub3A = vector.broadcast %broadcast_in_dim3A_80 : vector<64x1xf32> to vector<64x10xf32>
      %sub3A_81 = arith.subf %add3A_78, %sub3A : vector<64x10xf32>
      %exp3A = math.exp %sub3A_81 : vector<64x10xf32>
      %reduce_sum3A = arith.constant dense<0.000000e+00> : vector<64xf32>
      %reduce_sum3A_82 = vector.multi_reduction <add>, %exp3A, %reduce_sum3A [1] : vector<64x10xf32> to vector<64xf32>
      %broadcast_in_dim3A_83 = vector.shape_cast %reduce_sum3A_82 : vector<64xf32> to vector<64x1xf32>
      %log3A = math.log %broadcast_in_dim3A_83 : vector<64x1xf32>
      %sub3A_84 = vector.broadcast %log3A : vector<64x1xf32> to vector<64x10xf32>
      %sub3A_85 = arith.subf %sub3A_81, %sub3A_84 : vector<64x10xf32>
      %swap3A = arith.constant 0 : index
      %swap3A_86 = arith.constant 0 : index
      %swap3A_87 = vector.load %arg10[%swap3A, %swap3A_86] : memref<64x10xf32, #tpu.memory_space<vmem>>, vector<64x10xf32>
      tpu.vector_store %arg10[%swap3A, %swap3A_86], %sub3A_85 {strides = array<i32>} : memref<64x10xf32, #tpu.memory_space<vmem>>, vector<64x10xf32>,
    } else {
    }
    return
  }
  func.func @transform_0(%arg0: i32) -> (i32, i32, i32) {
    %c0_i32 = arith.constant 0 : i32
    %c0_i32_0 = arith.constant 0 : i32
    %c0_i32_1 = arith.constant 0 : i32
    return %c0_i32, %arg0, %c0_i32_0 : i32, i32, i32
  }
  func.func @transform_1(%arg0: i32) -> (i32, i32) {
    %c0_i32 = arith.constant 0 : i32
    %c0_i32_0 = arith.constant 0 : i32
    return %arg0, %c0_i32 : i32, i32
  }
  func.func @transform_2(%arg0: i32) -> (i32, i32) {
    %c0_i32 = arith.constant 0 : i32
    %c0_i32_0 = arith.constant 0 : i32
    return %arg0, %c0_i32 : i32, i32
  }
  func.func @transform_3(%arg0: i32) -> (i32, i32) {
    %c0_i32 = arith.constant 0 : i32
    %c0_i32_0 = arith.constant 0 : i32
    %c0_i32_1 = arith.constant 0 : i32
    return %c0_i32, %c0_i32_0 : i32, i32
  }
  func.func @transform_4(%arg0: i32) -> (i32, i32) {
    %c0_i32 = arith.constant 0 : i32
    %c0_i32_0 = arith.constant 0 : i32
    return %arg0, %c0_i32 : i32, i32
  }
  func.func @transform_5(%arg0: i32) -> (i32, i32) {
    %c0_i32 = arith.constant 0 : i32
    %c0_i32_0 = arith.constant 0 : i32
    %c0_i32_1 = arith.constant 0 : i32
    return %c0_i32, %c0_i32_0 : i32, i32
  }
  func.func @transform_6(%arg0: i32) -> (i32, i32) {
    %c0_i32 = arith.constant 0 : i32
    %c0_i32_0 = arith.constant 0 : i32
    %c0_i32_1 = arith.constant 0 : i32
    return %c0_i32, %c0_i32_0 : i32, i32
  }
  func.func @transform_7(%arg0: i32) -> (i32, i32) {
    %c0_i32 = arith.constant 0 : i32
    %c0_i32_0 = arith.constant 0 : i32
    %c0_i32_1 = arith.constant 0 : i32
    return %c0_i32, %c0_i32_0 : i32, i32
  }
  func.func @transform_8(%arg0: i32) -> (i32, i32) {
    %c0_i32 = arith.constant 0 : i32
    %c0_i32_0 = arith.constant 0 : i32
    %c0_i32_1 = arith.constant 0 : i32
    return %c0_i32, %c0_i32_0 : i32, i32
  }
  func.func @transform_9(%arg0: i32) -> (i32, i32) {
    %c0_i32 = arith.constant 0 : i32
    %c0_i32_0 = arith.constant 0 : i32
    %c0_i32_1 = arith.constant 0 : i32
    return %c0_i32, %c0_i32_0 : i32, i32
  }
}

</mosaic_0001>

<sc_bundles>
// kernel: kernel.10.cloned.1.call-start
scs
__scs_entry_jumppad:
0x0: {  	(pc) =	sbr.rel $0x88, $3  }
0x1: {  	(tag) =	ssettag $0x0;
	lr =	simm.s32 $0x1  }
0x2: {  	[smem:$0x3F94] =	sst lr;
	_ =	strace $0xD0000000  }
0x3: {  	_ = 	snop  }
0x4: {  	_ = 	snop  }
0x5: {  	_ = 	snop  }
0x6: {  	_ = 	snop  }
0x7: {  	_ = 	snop  }
__scs_overlays_trampoline_lowered:
0x8: {  	[smem:$0x3FA3] =	sst s0  }
0x9: {  	[smem:$0x3FA4] =	sst s1  }
0xa: {  	[smem:$0x3FA5] =	sst s2  }
0xb: {  	[smem:$0x3FA6] =	sst s3  }
0xc: {  	[smem:$0x3FA7] =	sst s4  }
0xd: {  	[smem:$0x3FA8] =	sst s5  }
0xe: {  	[smem:$0x3FA9] =	sst s6  }
0xf: {  	[smem:$0x3FAA] =	sst s7  }
0x10: {  	[smem:$0x3FAB] =	sst s8  }
0x11: {  	[smem:$0x3FAC] =	sst s9;
	s0 =	simm.s32 @!p0 $0x0  }
0x12: {  	s1 =	sld [smem:$0x3F92];
	s0 =	simm.s32 @p0 $0x1  }
0x13: {  	[smem:$0x3FAD] =	sst s0;
	s0 =	simm.s32 @!p1 $0x0  }
0x14: {  	s2 =	sld [smem:$0x3F91];
	s0 =	simm.s32 @p1 $0x1  }
0x15: {  	[smem:$0x3FAE] =	sst s0;
	s0 =	simm.s32 @!p2 $0x0  }
0x16: {  	s3 =	sld [smem:$0x3FDB];
	s0 =	simm.s32 @p2 $0x1  }
0x17: {  	s4 =	simm.s32 $0x1BF5;
	[smem:$0x3FB0] =	sst s0  }
0x18: {  	s0 =	sld [smem:$0x3F93];
	_ =	swait.ge [sflag:s4], $0x0  }
0x19: {  	s7 =	sld [smem:$0x3F94]  }
0x1a: {  	s8 =	sadd.s32 $0xFFFFE003, lr  }
0x1b: {  	s9 =	sadd.s32 $0xFFFFFEF7, lr;
	s5 =	simm.s32 $0xFFFFFFFF;
	p2 =	slt.u32 s8, $0xFFFFF086  }
0x1c: {  	p1 =	slt.u32 s9, $0xF7A;
	s5 =	simm.s32 @!p2 $0x0  }
0x1d: {  	s5 =	simm.s32 @p1 $0x1;
	p0 =	seq.s32 s7, s2  }
0x1e: {  	s7 =	smul.u32 @!p0 $0xF7A, s2;
	p2 =	seq.s32 @!p0 s5, $0x0  }
0x1f: {  	s9 =	smul.u32 $0xF7A, s1;
	s8 =	simm.s32 @!p0 $0x1BF5;
	p2 =	por !p2, p0  }
0x20: {  	[sflag:s8] =	ssyncset.s32 @!p0 $0xFFFFF086;
	s6 =	sadd.s32 @!p0 s3, s7;
	s7 =	simm.s32 @!p0 $0x108  }
0x21: {  	s3 =	sadd.s32 s3, s9;
	s6 =	sadd.s32 @!p0 $0x88, s6;
	s7 =	simm.s32 @p2 $0x1082  }
0x22: {  	[simem:s7], [sflag:s8] =	dma.local @!p0 [hbm:s6], $0xF7A  }
0x23: {  	s9 =	sor.u32 $0xD0000000, s2;
	s6 =	simm.s32 $0x108;
	_ =	swait.ge @!p0 [sflag:s8], $0x0  }
0x24: {  	s3 =	sadd.s32 $0x88, s3;
	s6 =	simm.s32 @!p1 $0x1082;
	[sflag:s4] =	ssyncset.s32 $0xFFFFF086  }
0x25: {  	[simem:s6], [sflag:s4] =	dma.local [hbm:s3], $0xF7A  }
0x26: {  	[smem:$0x3F94] =	sst s1;
	(tag) =	ssettag s2;
	_ =	strace s9  }
0x27: {  	s1 =	sld [smem:$0x3FA4]  }
0x28: {  	s2 =	sld [smem:$0x3FA5]  }
0x29: {  	s4 =	sld [smem:$0x3FA7]  }
0x2a: {  	p0 =	seq.s32 s5, $0x0;
	s5 =	sld [smem:$0x3FA8]  }
0x2b: {  	s6 =	sld [smem:$0x3FA9]  }
0x2c: {  	s7 =	sld [smem:$0x3FAA]  }
0x2d: {  	s3 =	simm.s32 $0x108;
	s8 =	sld [smem:$0x3FAB]  }
0x2e: {  	s3 =	simm.s32 @!p0 $0x1082;
	s9 =	sld [smem:$0x3FAC]  }
0x2f: {  	lr =	sadd.s32 s0, s3;
	s0 =	sld [smem:$0x3FA3]  }
0x30: {  	s3 =	sld [smem:$0x3FA6]  }
0x31: {  	[smem:$0x3FAF] =	sst s10  }
0x32: {  	s10 =	sld [smem:$0x3FAD];
	_ =	sdelay $0x3  }
0x33: {  	p0 =	seq.s32 s10, $0x1;
	s10 =	sld [smem:$0x3FAF];
	_ =	sdelay $0x3  }
0x34: {  	[smem:$0x3FAF] =	sst s10  }
0x35: {  	s10 =	sld [smem:$0x3FAE];
	_ =	sdelay $0x3  }
0x36: {  	p1 =	seq.s32 s10, $0x1;
	s10 =	sld [smem:$0x3FAF];
	_ =	sdelay $0x3  }
0x37: {  	[smem:$0x3FAF] =	sst s10  }
0x38: {  	s10 =	sld [smem:$0x3FB0]  }
0x39: {  	_ = 	snop;
	(pc) =	sbr.ind lr, $3  }
0x3a: {  	_ = 	snop  }
0x3b: {  	_ = 	snop  }
0x3c: {  	p2 =	seq.s32 s10, $0x1;
	s10 =	sld [smem:$0x3FAF]  }
0x3d: {  	_ =	shalt  }
0x3e: {  	_ =	shalt  }
0x3f: {  	_ =	shalt  }
0x40: {  	_ =	shalt  }
0x41: {  	_ =	shalt  }
0x42: {  	_ =	shalt  }
0x43: {  	_ =	shalt  }
0x44: {  	_ =	shalt  }
0x45: {  	_ =	shalt  }
0x46: {  	_ =	shalt  }
0x47: {  	_ =	shalt  }
0x48: {  	_ =	shalt  }
0x49: {  	_ =	shalt  }
0x4a: {  	_ =	shalt  }
0x4b: {  	_ =	shalt  }
0x4c: {  	_ =	shalt  }
0x4d: {  	_ =	shalt  }
0x4e: {  	_ =	shalt  }
0x4f: {  	_ =	shalt  }
0x50: {  	_ =	shalt  }
0x51: {  	_ =	shalt  }
0x52: {  	_ =	shalt  }
0x53: {  	_ =	shalt  }
0x54: {  	_ =	shalt  }
0x55: {  	_ =	shalt  }
0x56: {  	_ =	shalt  }
0x57: {  	_ =	shalt  }
0x58: {  	_ =	shalt  }
0x59: {  	_ =	shalt  }
0x5a: {  	_ =	shalt  }
0x5b: {  	_ =	shalt  }
0x5c: {  	_ =	shalt  }
0x5d: {  	_ =	shalt  }
0x5e: {  	_ =	shalt  }
0x5f: {  	_ =	shalt  }
0x60: {  	_ =	shalt  }
0x61: {  	_ =	shalt  }
0x62: {  	_ =	shalt  }
0x63: {  	_ =	shalt  }
0x64: {  	_ =	shalt  }
0x65: {  	_ =	shalt  }
0x66: {  	_ =	shalt  }
0x67: {  	_ =	shalt  }
0x68: {  	_ =	shalt  }
0x69: {  	_ =	shalt  }
0x6a: {  	_ =	shalt  }
0x6b: {  	_ =	shalt  }
0x6c: {  	_ =	shalt  }
0x6d: {  	_ =	shalt  }
0x6e: {  	_ =	shalt  }
0x6f: {  	_ =	shalt  }
0x70: {  	_ =	shalt  }
0x71: {  	_ =	shalt  }
0x72: {  	_ =	shalt  }
0x73: {  	_ =	shalt  }
0x74: {  	_ =	shalt  }
0x75: {  	_ =	shalt  }
0x76: {  	_ =	shalt  }
0x77: {  	_ =	shalt  }
0x78: {  	_ =	shalt  }
0x79: {  	_ =	shalt  }
0x7a: {  	_ =	shalt  }
0x7b: {  	_ =	shalt  }
0x7c: {  	_ =	shalt  }
0x7d: {  	_ =	shalt  }
0x7e: {  	_ =	shalt  }
0x7f: {  	_ =	shalt  }
0x80: {  	_ =	shalt  }
0x81: {  	_ =	shalt  }
0x82: {  	_ =	shalt  }
0x83: {  	_ =	shalt  }
0x84: {  	_ =	shalt  }
0x85: {  	_ =	shalt  }
0x86: {  	_ =	shalt  }
0x87: {  	_ =	shalt  }
.Lfunc_end0:
.L_simem_size_0:
called_computation_lowered:
.L_overlay_start_0:
0x88: {  	s2 =	sld [smem:$0x3FD9]  }
0x89: {  	s3 =	sld [smem:$0x3FFE];
	_ =	sdelay $0x1  }
0x8a: {  	s1 =	srdreg.scid  }
0x8b: {  	s0 =	sand.u32 $0x1, s1  }
0x8c: {  	s16 =	sshll.u32 s0, $0xA;
	s2 =	sadd.s32 s3, s2  }
0x8d: {  	s2 =	sadd.s32 s2, s16  }
0x8e: {  	[smem:$0x3FBB] =	sst s2  }
0x8f: {  	_ = 	snop  }
0x90: {  	(tm) =	ssettm $0x1  }
0x91: {  	s17 =	sld [smem:$0x3FFB];
	_ =	sdelay $0x3  }
0x92: {  	_ =	strace s17  }
0x93: {  	s2 =	sld [smem:$0x3FFC];
	_ =	sdelay $0x3  }
0x94: {  	_ =	strace s2  }
0x95: {  	s2 =	sld [smem:$0x3FFD];
	_ =	sdelay $0x3  }
0x96: {  	_ =	strace s2  }
0x97: {  	_ =	strace $0x8FFFFFFF  }
0x98: {  	s18 =	sld [smem:$0x3FDB];
	_ =	sdelay $0x1  }
0x99: {  	s19 =	simm.s32 $_scs_section_size  }
0x9a: {  	s4 =	simm.s32 $_size__tile_overlayer_lowered;
	s5 =	simm.s32 $_tile_overlayer_lowered  }
0x9b: {  	s22 =	simm.s32 $0x1BFF;
	s21 =	sshll.u32 s5, $0x1;
	s2 =	sadd.s32 s19, s18  }
0x9c: {  	s6 =	simm.s32 $0x0;
	s20 =	sshll.u32 s4, $0x1;
	s4 =	sadd.s32 s21, s2  }
0x9d: {  	[timem:s6], [sflag:s22] =	dma.local [hbm:s4], s20  }
0x9e: {  	_ =	swait.ge [sflag:s22], s20  }
0x9f: {  	s3 =	ssub.s32 $0x0, s20;
	[sflag:s22] =	ssyncset.done $0x0  }
0xa0: {  	[sflag:s22] =	ssyncadd.s32 s3;
	_ =	sdelay $0x1  }
0xa1: {  	s23 =	simm.s32 $0x1B8B  }
0xa2: {  	_ =	swait.ge [sflag:s23], $0x1  }
0xa3: {  	[sflag:s23] =	ssyncset.done $0x0  }
0xa4: {  	s25 =	simm.s32 $0x1B8E;
	s24 =	sld [smem:$0x3FFE];
	[sflag:s23] =	ssyncadd.s32 $0xFFFFFFFF  }
0xa5: {  	s26 =	simm.s32 $execute0_lowered;
	[smem:$0x3FD2] =	sst s25  }
0xa6: {  	s4 =	sshll.u32 s26, $0x1;
	_ =	strace $0x80000046;
	[dreg:$0x1] =	wrdreg $0xFFFFFFFF  }
0xa7: {  	s28 =	simm.s32 $_size_execute0_lowered;
	s2 =	sadd.s32 s2, s4;
	[dreg:$0x0] =	wrdreg $0x0  }
0xa8: {  	s4 =	sshll.u32 s28, $0x1;
	[dreg:$0x2] =	wrdreg s2  }
0xa9: {  	[dreg:$0x3] =	wrdreg s4  }
0xaa: {  	[dreg:$0x4] =	wrdreg $0xC0  }
0xab: {  	_ =	task [dreg:s6], $0x5FFFF  }
0xac: {  	[dreg:$0x1] =	wrdreg $0xFFFFFFFF  }
0xad: {  	[dreg:$0x0] =	wrdreg $0x60  }
0xae: {  	[dreg:$0x2] =	wrdreg s24  }
0xaf: {  	[dreg:$0x3] =	wrdreg $0x2B000  }
0xb0: {  	[dreg:$0x4] =	wrdreg $0x9  }
0xb1: {  	_ =	task.clear_ibuf [dreg:s6], $0x5FFFF;
	_ =	strace $0x90000046  }
0xb2: {  	s29 =	simm.s32 $0x9;
	_ =	strace $0x80000048  }
0xb3: {  	_ =	swait.ge [sflag:s29], $0x1  }
0xb4: {  	[sflag:s29] =	ssyncadd.s32 $0xFFFFFFFF  }
0xb5: {  	_ =	strace $0x90000048  }
0xb6: {  	_ =	sfence  }
0xb7: {  	s30 =	sld [smem:$0x0];
	_ =	sdelay $0x2  }
0xb8: {  	s31 =	sshll.u32 s1, $0xD;
	s1 =	sshrl.u32 s1, $0x2  }
0xb9: {  	s3 =	sand.u32 $0x4000, s31;
	s1 =	sadd.s32 s1, s30  }
0xba: {  	s0 =	sor.u32 s3, s0;
	s1 =	sshll.u32 s1, $0x11  }
0xbb: {  	s0 =	sor.u32 s1, s0  }
0xbc: {  	s0 =	sadd.s32 $0x8F2B, s0  }
0xbd: {  	[sflag:s0] =	ssyncadd.remote.s32 $0x1  }
0xbe: {  	_ =	sfence.sel $0xFFFF  }
0xbf: {  	[dreg:$0x0] =	wrdreg $0xFFFFFFFF;
	(pc) =	sbr.abs _section_cstart, $3  }
0xc0: {  	[dreg:$0x1] =	wrdreg $0xFFFFFFFF  }
0xc1: {  	_ =	task.clear_ibuf [dreg:s6], $0x2FFFF;
	_ =	strace $0x9FFFFFFF  }
0xc2: {  	(tm) =	ssettm $0x7FFFFFFF  }
0xc3: {  	_ =	shalt  }
tec
execute0_lowered:
.L_overlay_start_1:
0x0: {  	(tag) =	ssettag $0x1  }
0x1: {  	s4 =	rddreg [dreg:$0x0];
	s0 =	srdreg.scid  }
0x2: {  	s2 =	rddreg [dreg:$0x1];
	s1 =	stileid.u32  }
0x3: {  	s3 =	simm.s32 $0x0;
	s10 =	simm.s32 $0x80;
	s11 =	simm.s32 $0x2800  }
0x4: {  	s14 =	simm.s32 $0x20;
	s15 =	simm.s32 $0x10;
	s16 =	simm.s32 $0x0  }
0x5: {  	s5 =	sand.u32 $0x1, s0;
	s0 =	rddreg [dreg:$0x2];
	s7 =	smul.u32 $0x500, s1  }
0x6: {  	[smem:$0x7FF] =	sst s3;
	s30 =	smul.u32 $0xA00, s1;
	s12 =	sshll.u32 s1, $0x6  }
0x7: {  	s6 =	sshll.u32 s5, $0x4;
	s8 =	sshll.u32 s5, $0x7;
	_ =	strace $0x80000047  }
0x8: {  	s5 =	ssub.s32 $0x2, s5;
	s12 =	sor.u32 $0x1C01, s12;
	s6 =	sor.u32 s1, s6  }
0x9: {  	s7 =	sor.u32 s8, s7;
	s31 =	sshrl.u32 s5, $0x1;
	s6 =	smul.u32 $0x500, s6  }
0xa: {  	s8 =	sshrl.u32 s30, $0x2;
	s7 =	sshrl.u32 s7, $0x3;
	s9 =	ssub.s32 s5, s31  }
0xb: {  	s5 =	sadd.s32 s8, s2;
	s8 =	simm.s32 $0x1;
	s6 =	sadd.s32 s6, s4  }
0xc: {  	s7 =	sadd.s32 s7, s4;
	s13 =	sshrl.u32 s5, $0x3;
	s4 =	sadd.s32 $0x3E00, s6  }
0xd: {  	v0 =	vimm.f32 $0.0e+00;
	v1 =	vimm.f32 $1.000000000e+00;
	s6 =	sadd.s32 $0x17E00, s7;
	s7 =	smax.u32 s9, $0x1;
	s9 =	simm.s32 $0x2880  }
.LBB2_1:
0xe: {  	[tilespmem:s3], [sflag:$0x1] =	stream.linear.gather [hbm4b:s4+s3], $0x2800, $0x38;
	[tilespmem:$0x2D80] =	vst v63  }
0xf: {  	_ =	swait.ge [sflag:s8], $0x2800  }
0x10: {  	[sflag:s8] =	ssyncset.done $0x0  }
0x11: {  	[sflag:s8] =	ssyncadd.s32 $0xFFFFD800  }
0x12: {  	[tilespmem:$0x2880] =	vst v0  }
0x13: {  	[tilespmem:$0x2890] =	vst v0  }
0x14: {  	[tilespmem:$0x28A0] =	vst v0  }
0x15: {  	[tilespmem:$0x28B0] =	vst v0  }
0x16: {  	[tilespmem:$0x28C0] =	vst v0  }
0x17: {  	[tilespmem:$0x28D0] =	vst v0  }
0x18: {  	[tilespmem:$0x28E0] =	vst v0  }
0x19: {  	[tilespmem:$0x28F0] =	vst v0  }
0x1a: {  	[tilespmem:$0x2900] =	vst v0  }
0x1b: {  	[tilespmem:$0x2910] =	vst v0  }
0x1c: {  	[tilespmem:$0x2920] =	vst v0  }
0x1d: {  	[tilespmem:$0x2930] =	vst v0  }
0x1e: {  	[tilespmem:$0x2940] =	vst v0  }
0x1f: {  	[tilespmem:$0x2950] =	vst v0  }
0x20: {  	[tilespmem:$0x2960] =	vst v0  }
0x21: {  	[tilespmem:$0x2970] =	vst v0  }
0x22: {  	[tilespmem:$0x2980] =	vst v0  }
0x23: {  	[tilespmem:$0x2990] =	vst v0  }
0x24: {  	[tilespmem:$0x29A0] =	vst v0  }
0x25: {  	[tilespmem:$0x29B0] =	vst v0  }
0x26: {  	[tilespmem:$0x29C0] =	vst v0  }
0x27: {  	[tilespmem:$0x29D0] =	vst v0  }
0x28: {  	[tilespmem:$0x29E0] =	vst v0  }
0x29: {  	[tilespmem:$0x29F0] =	vst v0  }
0x2a: {  	[tilespmem:$0x2A00] =	vst v0  }
0x2b: {  	[tilespmem:$0x2A10] =	vst v0  }
0x2c: {  	[tilespmem:$0x2A20] =	vst v0  }
0x2d: {  	[tilespmem:$0x2A30] =	vst v0  }
0x2e: {  	[tilespmem:$0x2A40] =	vst v0  }
0x2f: {  	[tilespmem:$0x2A50] =	vst v0  }
0x30: {  	[tilespmem:$0x2A60] =	vst v0  }
0x31: {  	[tilespmem:$0x2A70] =	vst v0  }
0x32: {  	[tilespmem:$0x2A80] =	vst v0  }
0x33: {  	[tilespmem:$0x2A90] =	vst v0  }
0x34: {  	[tilespmem:$0x2AA0] =	vst v0  }
0x35: {  	[tilespmem:$0x2AB0] =	vst v0  }
0x36: {  	[tilespmem:$0x2AC0] =	vst v0  }
0x37: {  	[tilespmem:$0x2AD0] =	vst v0  }
0x38: {  	[tilespmem:$0x2AE0] =	vst v0  }
0x39: {  	[tilespmem:$0x2AF0] =	vst v0  }
0x3a: {  	[tilespmem:$0x2800] =	vst v1  }
0x3b: {  	[tilespmem:$0x2810] =	vst v1  }
0x3c: {  	[tilespmem:$0x2820] =	vst v1  }
0x3d: {  	[tilespmem:$0x2830] =	vst v1  }
0x3e: {  	[tilespmem:$0x2840] =	vst v1  }
0x3f: {  	[tilespmem:$0x2850] =	vst v1  }
0x40: {  	[tilespmem:$0x2860] =	vst v1  }
0x41: {  	[tilespmem:$0x2870] =	vst v1  }
0x42: {  	[spmem:s5] =	stream.linear.scatter [tilespmem:s9], [sflag:$0x1], $0x280, $0x38;
	[tilespmem:$0x2D80] =	vst v63  }
0x43: {  	_ =	swait.ge [sflag:s8], $0x280  }
0x44: {  	[sflag:s8] =	ssyncset.done $0x0  }
0x45: {  	[sflag:s8] =	ssyncadd.s32 $0xFFFFFD80  }
0x46: {  	s17 =	simm.s32 $0x0;
	[bflag:$0x0] =	sbarrier.arrive $0xFFFF  }
0x47: {  	[spmem:s2] =	stream.indirect.scatter.add.f32 [tilespmem:s11], [sflag:$0x1], $0x1, s17, s10, $0xb8;
	[tilespmem:$0x2D80] =	vst v63  }
0x48: {  	_ =	swait.ge [sflag:s8], $0x80  }
0x49: {  	s17 =	simm.s32 $0x200;
	[sflag:s8] =	ssyncset.done $0x0  }
.LBB2_2:
0x4a: {  	s18 =	sshra.s32 s17, $0x2;
	[sflag:s8] =	ssyncadd.s32 $0xFFFFFF80;
	p0 =	sne.s32 s17, $0x9E00  }
0x4b: {  	[spmem:s2] =	stream.indirect.scatter.add.f32 [tilespmem:s11], [sflag:$0x1], $0x1, s18, s10, $0xb8;
	[tilespmem:$0x2D80] =	vst v63  }
.Ltmp0:
0x4c: {  	_ = 	snop;
	(pc) =	sbr.rel @p0 .LBB2_2-.Ltmp0, $4  }
0x4d: {  	_ = 	snop  }
0x4e: {  	s17 =	sadd.s32 $0x200, s17  }
0x4f: {  	_ =	swait.ge [sflag:s8], $0x80  }
0x50: {  	[sflag:s8] =	ssyncset.done $0x0  }
0x51: {  	s16 =	sadd.s32 $0x1, s16  }
0x52: {  	[sflag:s8] =	ssyncadd.s32 $0xFFFFFF80;
	p0 =	sne.s32 s16, s7  }
.Ltmp1:
0x53: {  	[bflag:$0x0] =	sbarrier.arrive $0xFFFF;
	(pc) =	sbr.rel @p0 .LBB2_1-.Ltmp1, $4  }
0x54: {  	[hbm:s6@s14], [sflag:s12] =	dma.strided [spmem:s13@s15], $0x50, s8, $0x10   }
0x55: {  	_ =	swait.ge [sflag:s8], $0x50  }
0x56: {  	[sflag:s8] =	ssyncset.done $0x0  }
0x57: {  	[sflag:s8] =	ssyncadd.s32 $0xFFFFFFB0  }
0x58: {  	_ =	sfence.sel $0x180000  }
0x59: {  	[bflag:$0x0] =	sbarrier.arrive $0xFFFF  }
0x5a: {  	p0 =	sne.s32 s1, $0x0;
	_ =	strace $0x90000047  }
0x5b: {  	s0 =	sadd.s32 @!p0 $0x100000, s0;
	[bflag:$0x2] =	sbarrier.arrive $0xFFFF  }
0x5c: {  	[sflag:s0] =	ssyncadd.tile.s32 @!p0 $0x1;
	_ =	shalt  }
.Lfunc_end2:
_tile_overlayer_lowered:
.L_overlay_start_2:
0x5d: {  	(tag) =	ssettag $0x2  }
0x5e: {  	s0 =	rddreg [dreg:$0x0];
	s2 =	stileid.u32  }
0x5f: {  	s1 =	rddreg [dreg:$0x1];
	p0 =	sne.s32 s2, $0x0  }
0x60: {  	s3 =	rddreg [dreg:$0x2];
	[bflag:$0x3] =	sbarrier.arrive $0xFFFF;
	s2 =	simm.s32 @!p0 $0x1C01  }
0x61: {  	[timem:s3], [sflag:s2] =	dma.local @!p0 [hbm:s0], s1  }
0x62: {  	s0 =	simm.s32 @!p0 $0x1  }
0x63: {  	_ =	swait.ge @!p0 [sflag:s0], s1  }
0x64: {  	s1 =	ssub.s32 @!p0 $0x0, s1;
	[sflag:s0] =	ssyncset.done @!p0 $0x0  }
0x65: {  	[sflag:s0] =	ssyncadd.s32 @!p0 s1  }
0x66: {  	[bflag:$0x3] =	sbarrier.arrive $0xFFFF  }
0x67: {  	_ =	shalt  }

// kernel: kernel.13.cloned.1.call-start
scs
__scs_entry_jumppad:
0x0: {  	(pc) =	sbr.rel $0x88, $3  }
0x1: {  	(tag) =	ssettag $0x0;
	lr =	simm.s32 $0x1  }
0x2: {  	[smem:$0x3F94] =	sst lr;
	_ =	strace $0xD0000000  }
0x3: {  	_ = 	snop  }
0x4: {  	_ = 	snop  }
0x5: {  	_ = 	snop  }
0x6: {  	_ = 	snop  }
0x7: {  	_ = 	snop  }
__scs_overlays_trampoline_lowered:
0x8: {  	[smem:$0x3FA3] =	sst s0  }
0x9: {  	[smem:$0x3FA4] =	sst s1  }
0xa: {  	[smem:$0x3FA5] =	sst s2  }
0xb: {  	[smem:$0x3FA6] =	sst s3  }
0xc: {  	[smem:$0x3FA7] =	sst s4  }
0xd: {  	[smem:$0x3FA8] =	sst s5  }
0xe: {  	[smem:$0x3FA9] =	sst s6  }
0xf: {  	[smem:$0x3FAA] =	sst s7  }
0x10: {  	[smem:$0x3FAB] =	sst s8  }
0x11: {  	[smem:$0x3FAC] =	sst s9;
	s0 =	simm.s32 @!p0 $0x0  }
0x12: {  	s1 =	sld [smem:$0x3F92];
	s0 =	simm.s32 @p0 $0x1  }
0x13: {  	[smem:$0x3FAD] =	sst s0;
	s0 =	simm.s32 @!p1 $0x0  }
0x14: {  	s2 =	sld [smem:$0x3F91];
	s0 =	simm.s32 @p1 $0x1  }
0x15: {  	[smem:$0x3FAE] =	sst s0;
	s0 =	simm.s32 @!p2 $0x0  }
0x16: {  	s3 =	sld [smem:$0x3FDB];
	s0 =	simm.s32 @p2 $0x1  }
0x17: {  	s4 =	simm.s32 $0x1BF5;
	[smem:$0x3FB0] =	sst s0  }
0x18: {  	s0 =	sld [smem:$0x3F93];
	_ =	swait.ge [sflag:s4], $0x0  }
0x19: {  	s7 =	sld [smem:$0x3F94]  }
0x1a: {  	s8 =	sadd.s32 $0xFFFFE003, lr  }
0x1b: {  	s9 =	sadd.s32 $0xFFFFFEF7, lr;
	s5 =	simm.s32 $0xFFFFFFFF;
	p2 =	slt.u32 s8, $0xFFFFF086  }
0x1c: {  	p1 =	slt.u32 s9, $0xF7A;
	s5 =	simm.s32 @!p2 $0x0  }
0x1d: {  	s5 =	simm.s32 @p1 $0x1;
	p0 =	seq.s32 s7, s2  }
0x1e: {  	s7 =	smul.u32 @!p0 $0xF7A, s2;
	p2 =	seq.s32 @!p0 s5, $0x0  }
0x1f: {  	s9 =	smul.u32 $0xF7A, s1;
	s8 =	simm.s32 @!p0 $0x1BF5;
	p2 =	por !p2, p0  }
0x20: {  	[sflag:s8] =	ssyncset.s32 @!p0 $0xFFFFF086;
	s6 =	sadd.s32 @!p0 s3, s7;
	s7 =	simm.s32 @!p0 $0x108  }
0x21: {  	s3 =	sadd.s32 s3, s9;
	s6 =	sadd.s32 @!p0 $0x88, s6;
	s7 =	simm.s32 @p2 $0x1082  }
0x22: {  	[simem:s7], [sflag:s8] =	dma.local @!p0 [hbm:s6], $0xF7A  }
0x23: {  	s9 =	sor.u32 $0xD0000000, s2;
	s6 =	simm.s32 $0x108;
	_ =	swait.ge @!p0 [sflag:s8], $0x0  }
0x24: {  	s3 =	sadd.s32 $0x88, s3;
	s6 =	simm.s32 @!p1 $0x1082;
	[sflag:s4] =	ssyncset.s32 $0xFFFFF086  }
0x25: {  	[simem:s6], [sflag:s4] =	dma.local [hbm:s3], $0xF7A  }
0x26: {  	[smem:$0x3F94] =	sst s1;
	(tag) =	ssettag s2;
	_ =	strace s9  }
0x27: {  	s1 =	sld [smem:$0x3FA4]  }
0x28: {  	s2 =	sld [smem:$0x3FA5]  }
0x29: {  	s4 =	sld [smem:$0x3FA7]  }
0x2a: {  	p0 =	seq.s32 s5, $0x0;
	s5 =	sld [smem:$0x3FA8]  }
0x2b: {  	s6 =	sld [smem:$0x3FA9]  }
0x2c: {  	s7 =	sld [smem:$0x3FAA]  }
0x2d: {  	s3 =	simm.s32 $0x108;
	s8 =	sld [smem:$0x3FAB]  }
0x2e: {  	s3 =	simm.s32 @!p0 $0x1082;
	s9 =	sld [smem:$0x3FAC]  }
0x2f: {  	lr =	sadd.s32 s0, s3;
	s0 =	sld [smem:$0x3FA3]  }
0x30: {  	s3 =	sld [smem:$0x3FA6]  }
0x31: {  	[smem:$0x3FAF] =	sst s10  }
0x32: {  	s10 =	sld [smem:$0x3FAD];
	_ =	sdelay $0x3  }
0x33: {  	p0 =	seq.s32 s10, $0x1;
	s10 =	sld [smem:$0x3FAF];
	_ =	sdelay $0x3  }
0x34: {  	[smem:$0x3FAF] =	sst s10  }
0x35: {  	s10 =	sld [smem:$0x3FAE];
	_ =	sdelay $0x3  }
0x36: {  	p1 =	seq.s32 s10, $0x1;
	s10 =	sld [smem:$0x3FAF];
	_ =	sdelay $0x3  }
0x37: {  	[smem:$0x3FAF] =	sst s10  }
0x38: {  	s10 =	sld [smem:$0x3FB0]  }
0x39: {  	_ = 	snop;
	(pc) =	sbr.ind lr, $3  }
0x3a: {  	_ = 	snop  }
0x3b: {  	_ = 	snop  }
0x3c: {  	p2 =	seq.s32 s10, $0x1;
	s10 =	sld [smem:$0x3FAF]  }
0x3d: {  	_ =	shalt  }
0x3e: {  	_ =	shalt  }
0x3f: {  	_ =	shalt  }
0x40: {  	_ =	shalt  }
0x41: {  	_ =	shalt  }
0x42: {  	_ =	shalt  }
0x43: {  	_ =	shalt  }
0x44: {  	_ =	shalt  }
0x45: {  	_ =	shalt  }
0x46: {  	_ =	shalt  }
0x47: {  	_ =	shalt  }
0x48: {  	_ =	shalt  }
0x49: {  	_ =	shalt  }
0x4a: {  	_ =	shalt  }
0x4b: {  	_ =	shalt  }
0x4c: {  	_ =	shalt  }
0x4d: {  	_ =	shalt  }
0x4e: {  	_ =	shalt  }
0x4f: {  	_ =	shalt  }
0x50: {  	_ =	shalt  }
0x51: {  	_ =	shalt  }
0x52: {  	_ =	shalt  }
0x53: {  	_ =	shalt  }
0x54: {  	_ =	shalt  }
0x55: {  	_ =	shalt  }
0x56: {  	_ =	shalt  }
0x57: {  	_ =	shalt  }
0x58: {  	_ =	shalt  }
0x59: {  	_ =	shalt  }
0x5a: {  	_ =	shalt  }
0x5b: {  	_ =	shalt  }
0x5c: {  	_ =	shalt  }
0x5d: {  	_ =	shalt  }
0x5e: {  	_ =	shalt  }
0x5f: {  	_ =	shalt  }
0x60: {  	_ =	shalt  }
0x61: {  	_ =	shalt  }
0x62: {  	_ =	shalt  }
0x63: {  	_ =	shalt  }
0x64: {  	_ =	shalt  }
0x65: {  	_ =	shalt  }
0x66: {  	_ =	shalt  }
0x67: {  	_ =	shalt  }
0x68: {  	_ =	shalt  }
0x69: {  	_ =	shalt  }
0x6a: {  	_ =	shalt  }
0x6b: {  	_ =	shalt  }
0x6c: {  	_ =	shalt  }
0x6d: {  	_ =	shalt  }
0x6e: {  	_ =	shalt  }
0x6f: {  	_ =	shalt  }
0x70: {  	_ =	shalt  }
0x71: {  	_ =	shalt  }
0x72: {  	_ =	shalt  }
0x73: {  	_ =	shalt  }
0x74: {  	_ =	shalt  }
0x75: {  	_ =	shalt  }
0x76: {  	_ =	shalt  }
0x77: {  	_ =	shalt  }
0x78: {  	_ =	shalt  }
0x79: {  	_ =	shalt  }
0x7a: {  	_ =	shalt  }
0x7b: {  	_ =	shalt  }
0x7c: {  	_ =	shalt  }
0x7d: {  	_ =	shalt  }
0x7e: {  	_ =	shalt  }
0x7f: {  	_ =	shalt  }
0x80: {  	_ =	shalt  }
0x81: {  	_ =	shalt  }
0x82: {  	_ =	shalt  }
0x83: {  	_ =	shalt  }
0x84: {  	_ =	shalt  }
0x85: {  	_ =	shalt  }
0x86: {  	_ =	shalt  }
0x87: {  	_ =	shalt  }
.Lfunc_end0:
.L_simem_size_0:
called_computation.1_lowered:
.L_overlay_start_0:
0x88: {  	s2 =	sld [smem:$0x3FD9]  }
0x89: {  	s3 =	sld [smem:$0x3FFE];
	_ =	sdelay $0x1  }
0x8a: {  	s1 =	srdreg.scid  }
0x8b: {  	s0 =	sand.u32 $0x1, s1  }
0x8c: {  	s16 =	sshll.u32 s0, $0xA;
	s2 =	sadd.s32 s3, s2  }
0x8d: {  	s2 =	sadd.s32 s2, s16  }
0x8e: {  	[smem:$0x3FBB] =	sst s2  }
0x8f: {  	_ = 	snop  }
0x90: {  	(tm) =	ssettm $0x1  }
0x91: {  	s17 =	sld [smem:$0x3FFB];
	_ =	sdelay $0x3  }
0x92: {  	_ =	strace s17  }
0x93: {  	s2 =	sld [smem:$0x3FFC];
	_ =	sdelay $0x3  }
0x94: {  	_ =	strace s2  }
0x95: {  	s2 =	sld [smem:$0x3FFD];
	_ =	sdelay $0x3  }
0x96: {  	_ =	strace s2  }
0x97: {  	_ =	strace $0x8FFFFFFF  }
0x98: {  	s18 =	sld [smem:$0x3FDB];
	_ =	sdelay $0x1  }
0x99: {  	s19 =	simm.s32 $_scs_section_size  }
0x9a: {  	s4 =	simm.s32 $_size__tile_overlayer_lowered;
	s5 =	simm.s32 $_tile_overlayer_lowered  }
0x9b: {  	s22 =	simm.s32 $0x1BFF;
	s21 =	sshll.u32 s5, $0x1;
	s2 =	sadd.s32 s19, s18  }
0x9c: {  	s6 =	simm.s32 $0x0;
	s20 =	sshll.u32 s4, $0x1;
	s4 =	sadd.s32 s21, s2  }
0x9d: {  	[timem:s6], [sflag:s22] =	dma.local [hbm:s4], s20  }
0x9e: {  	_ =	swait.ge [sflag:s22], s20  }
0x9f: {  	s3 =	ssub.s32 $0x0, s20;
	[sflag:s22] =	ssyncset.done $0x0  }
0xa0: {  	[sflag:s22] =	ssyncadd.s32 s3;
	_ =	sdelay $0x1  }
0xa1: {  	s23 =	simm.s32 $0x1B8B  }
0xa2: {  	_ =	swait.ge [sflag:s23], $0x1  }
0xa3: {  	[sflag:s23] =	ssyncset.done $0x0  }
0xa4: {  	s25 =	simm.s32 $0x1B8E;
	s24 =	sld [smem:$0x3FFE];
	[sflag:s23] =	ssyncadd.s32 $0xFFFFFFFF  }
0xa5: {  	s26 =	simm.s32 $execute0_lowered;
	[smem:$0x3FD2] =	sst s25  }
0xa6: {  	s4 =	sshll.u32 s26, $0x1;
	_ =	strace $0x80000049;
	[dreg:$0x1] =	wrdreg $0xFFFFFFFF  }
0xa7: {  	s28 =	simm.s32 $_size_execute0_lowered;
	s2 =	sadd.s32 s2, s4;
	[dreg:$0x0] =	wrdreg $0x0  }
0xa8: {  	s4 =	sshll.u32 s28, $0x1;
	[dreg:$0x2] =	wrdreg s2  }
0xa9: {  	[dreg:$0x3] =	wrdreg s4  }
0xaa: {  	[dreg:$0x4] =	wrdreg $0xC0  }
0xab: {  	_ =	task [dreg:s6], $0x5FFFF  }
0xac: {  	[dreg:$0x1] =	wrdreg $0xFFFFFFFF  }
0xad: {  	[dreg:$0x0] =	wrdreg $0x60  }
0xae: {  	[dreg:$0x2] =	wrdreg s24  }
0xaf: {  	[dreg:$0x3] =	wrdreg $0xA8000  }
0xb0: {  	[dreg:$0x4] =	wrdreg $0x9  }
0xb1: {  	_ =	task.clear_ibuf [dreg:s6], $0x5FFFF;
	_ =	strace $0x90000049  }
0xb2: {  	s29 =	simm.s32 $0x9;
	_ =	strace $0x8000004B  }
0xb3: {  	_ =	swait.ge [sflag:s29], $0x1  }
0xb4: {  	[sflag:s29] =	ssyncadd.s32 $0xFFFFFFFF  }
0xb5: {  	_ =	strace $0x9000004B  }
0xb6: {  	_ =	sfence  }
0xb7: {  	s30 =	sld [smem:$0x0];
	_ =	sdelay $0x2  }
0xb8: {  	s31 =	sshll.u32 s1, $0xD;
	s1 =	sshrl.u32 s1, $0x2  }
0xb9: {  	s3 =	sand.u32 $0x4000, s31;
	s1 =	sadd.s32 s1, s30  }
0xba: {  	s0 =	sor.u32 s3, s0;
	s1 =	sshll.u32 s1, $0x11  }
0xbb: {  	s0 =	sor.u32 s1, s0  }
0xbc: {  	s0 =	sadd.s32 $0x8F2B, s0  }
0xbd: {  	[sflag:s0] =	ssyncadd.remote.s32 $0x1  }
0xbe: {  	_ =	sfence.sel $0xFFFF  }
0xbf: {  	[dreg:$0x0] =	wrdreg $0xFFFFFFFF;
	(pc) =	sbr.abs _section_cstart, $3  }
0xc0: {  	[dreg:$0x1] =	wrdreg $0xFFFFFFFF  }
0xc1: {  	_ =	task.clear_ibuf [dreg:s6], $0x2FFFF;
	_ =	strace $0x9FFFFFFF  }
0xc2: {  	(tm) =	ssettm $0x7FFFFFFF  }
0xc3: {  	_ =	shalt  }
tec
execute0_lowered:
.L_overlay_start_1:
0x0: {  	(tag) =	ssettag $0x1  }
0x1: {  	s5 =	rddreg [dreg:$0x0]  }
0x2: {  	s0 =	srdreg.scid;
	s2 =	rddreg [dreg:$0x1]  }
0x3: {  	s1 =	stileid.u32;
	s3 =	simm.s32 $0x0;
	s17 =	simm.s32 $0x3  }
0x4: {  	s18 =	simm.s32 $0x1400;
	s19 =	simm.s32 $0x80;
	s20 =	simm.s32 $0x1  }
0x5: {  	s21 =	simm.s32 $0x6800;
	s22 =	simm.s32 $0x2;
	s23 =	simm.s32 $0x1380  }
0x6: {  	s24 =	simm.s32 $0x2700;
	s6 =	sand.u32 $0x1, s0;
	s0 =	rddreg [dreg:$0x2]  }
0x7: {  	s25 =	simm.s32 $0x2780;
	s7 =	smul.u32 $0x14000, s1;
	[smem:$0x7FF] =	sst s3  }
0x8: {  	s8 =	smul.u32 $0x50000, s1;
	s14 =	sadd.s32 $0xDE00, s5;
	s15 =	sadd.s32 $0x3E00, s5  }
0x9: {  	s4 =	smul.u32 $0x140000, s6;
	_ =	strace $0x8000004A;
	s28 =	ssub.s32 $0x2, s6  }
0xa: {  	s29 =	sshll.u32 s6, $0x4;
	s30 =	sshrl.u32 s8, $0x2;
	s31 =	sshrl.u32 s28, $0x1  }
0xb: {  	s9 =	sor.u32 s1, s29;
	s7 =	sadd.s32 s7, s4;
	s4 =	sadd.s32 $0x17E00, s5  }
0xc: {  	s11 =	ssub.s32 s28, s31;
	s12 =	smul.u32 $0x2800, s9;
	s7 =	sshrl.u32 s7, $0x3  }
0xd: {  	s11 =	smax.u32 s11, $0x1;
	s10 =	sadd.s32 s7, s5;
	s5 =	sadd.s32 s30, s2  }
0xe: {  	s16 =	sshrl.u32 s12, $0x3;
	s6 =	sadd.s32 $0x4000, s5;
	s7 =	sadd.s32 $0x8000, s5  }
0xf: {  	s8 =	sadd.s32 $0xC000, s5;
	s9 =	sadd.s32 $0x10000, s5;
	s10 =	sadd.s32 $0x3FE00, s10  }
0x10: {  	s12 =	sadd.s32 s14, s16;
	s13 =	sadd.s32 s15, s16;
	s16 =	sadd.s32 $0x280, s16  }
0x11: {  	v0 =	vimm.f32 $0.0e+00;
	s14 =	sadd.s32 s14, s16;
	s15 =	sadd.s32 s15, s16;
	s16 =	simm.s32 $0x2800  }
.LBB2_1:
0x12: {  	s26 =	simm.s32 $0x0;
	s28 =	simm.s32 $0x200  }
.LBB2_2:
0x13: {  	p0 =	sne.s32 s28, $0xFE00;
	[tilespmem:s26+$0x2870] =	vst v0  }
0x14: {  	[tilespmem:s26+$0x2800] =	vst v0  }
0x15: {  	[tilespmem:s26+$0x2810] =	vst v0  }
.Ltmp0:
0x16: {  	[tilespmem:s26+$0x2820] =	vst v0;
	(pc) =	sbr.rel @p0 .LBB2_2-.Ltmp0, $4  }
0x17: {  	[tilespmem:s26+$0x2830] =	vst v0  }
0x18: {  	[tilespmem:s26+$0x2840] =	vst v0  }
0x19: {  	[tilespmem:s26+$0x2850] =	vst v0  }
0x1a: {  	[tilespmem:s26+$0x2860] =	vst v0;
	s26 =	sshra.s32 s28, $0x2;
	s28 =	sadd.s32 $0x200, s28  }
0x1b: {  	[tilespmem:s26+$0x2870] =	vst v0  }
0x1c: {  	[tilespmem:s26+$0x2800] =	vst v0  }
0x1d: {  	[tilespmem:s26+$0x2810] =	vst v0  }
0x1e: {  	[tilespmem:s26+$0x2820] =	vst v0  }
0x1f: {  	[tilespmem:s26+$0x2830] =	vst v0  }
0x20: {  	[tilespmem:s26+$0x2840] =	vst v0  }
0x21: {  	[tilespmem:s26+$0x2850] =	vst v0  }
0x22: {  	[tilespmem:s26+$0x2860] =	vst v0  }
0x23: {  	[spmem:s5] =	stream.linear.scatter [tilespmem:s16], [sflag:$0x3], $0x4000, $0x38;
	[tilespmem:$0x1E800] =	vst v63  }
0x24: {  	_ =	swait.ge [sflag:s17], $0x4000  }
0x25: {  	[sflag:s17] =	ssyncset.done $0x0  }
0x26: {  	[sflag:s17] =	ssyncadd.s32 $0xFFFFC000  }
0x27: {  	[spmem:s6] =	stream.linear.scatter [tilespmem:s16], [sflag:$0x3], $0x4000, $0x38;
	[tilespmem:$0x1E800] =	vst v63  }
0x28: {  	_ =	swait.ge [sflag:s17], $0x4000  }
0x29: {  	[sflag:s17] =	ssyncset.done $0x0  }
0x2a: {  	[sflag:s17] =	ssyncadd.s32 $0xFFFFC000  }
0x2b: {  	[spmem:s7] =	stream.linear.scatter [tilespmem:s16], [sflag:$0x3], $0x4000, $0x38;
	[tilespmem:$0x1E800] =	vst v63  }
0x2c: {  	_ =	swait.ge [sflag:s17], $0x4000  }
0x2d: {  	[sflag:s17] =	ssyncset.done $0x0  }
0x2e: {  	[sflag:s17] =	ssyncadd.s32 $0xFFFFC000  }
0x2f: {  	[spmem:s8] =	stream.linear.scatter [tilespmem:s16], [sflag:$0x3], $0x4000, $0x38;
	[tilespmem:$0x1E800] =	vst v63  }
0x30: {  	_ =	swait.ge [sflag:s17], $0x4000  }
0x31: {  	[sflag:s17] =	ssyncset.done $0x0  }
0x32: {  	[sflag:s17] =	ssyncadd.s32 $0xFFFFC000  }
0x33: {  	[spmem:s9] =	stream.linear.scatter [tilespmem:s16], [sflag:$0x3], $0x4000, $0x38;
	[tilespmem:$0x1E800] =	vst v63  }
0x34: {  	_ =	swait.ge [sflag:s17], $0x4000  }
0x35: {  	[sflag:s17] =	ssyncset.done $0x0  }
0x36: {  	[sflag:s17] =	ssyncadd.s32 $0xFFFFC000  }
0x37: {  	s31 =	simm.s32 $0x0;
	[bflag:$0x0] =	sbarrier.arrive $0xFFFF  }
0x38: {  	[tilespmem:s31], [sflag:$0x3] =	stream.linear.gather [hbm4b:s12+s31], $0x1400, $0x38;
	[tilespmem:$0x1E800] =	vst v63  }
0x39: {  	_ =	swait.ge [sflag:s17], $0x1400  }
0x3a: {  	[sflag:s17] =	ssyncset.done $0x0  }
0x3b: {  	[sflag:s17] =	ssyncadd.s32 $0xFFFFEC00  }
0x3c: {  	[tilespmem:s18], [sflag:$0x3] =	stream.linear.gather [hbm4b:s13+s31], $0x1400, $0x38;
	[tilespmem:$0x1E800] =	vst v63  }
0x3d: {  	_ =	swait.ge [sflag:s17], $0x1400  }
0x3e: {  	[sflag:s17] =	ssyncset.done $0x0  }
0x3f: {  	[sflag:s17] =	ssyncadd.s32 $0xFFFFEC00  }
0x40: {  	[tilespmem:s16], [sflag:$0x1] =	stream.indirect.gather [hbm4b:s4+s19], $0x80, s31, s19, $0xb8;
	[tilespmem:$0x1E800] =	vst v63  }
0x41: {  	_ =	swait.ge [sflag:s20], $0x4000  }
0x42: {  	[sflag:s20] =	ssyncset.done $0x0  }
0x43: {  	s28 =	simm.s32 $0x80;
	[sflag:s20] =	ssyncadd.s32 $0xFFFFC000  }
0x44: {  	[tilespmem:s21], [sflag:$0x2] =	stream.indirect.gather [hbm4b:s4+s19], $0x80, s28, s19, $0xb8;
	[tilespmem:$0x1E800] =	vst v63  }
0x45: {  	s29 =	simm.s32 $0x1400  }
0x46: {  	[spmem:s2] =	stream.indirect.scatter.add.f32 [tilespmem:s16], [sflag:$0x3], $0x80, s29, s19, $0xb8;
	[tilespmem:$0x1E800] =	vst v63  }
0x47: {  	_ =	swait.ge [sflag:s17], $0x4000  }
0x48: {  	[sflag:s17] =	ssyncset.done $0x0  }
0x49: {  	s30 =	simm.s32 $0x100;
	[sflag:s17] =	ssyncadd.s32 $0xFFFFC000  }
0x4a: {  	[tilespmem:s16], [sflag:$0x1] =	stream.indirect.gather [hbm4b:s4+s19], $0x80, s30, s19, $0xb8;
	[tilespmem:$0x1E800] =	vst v63  }
0x4b: {  	_ =	swait.ge [sflag:s22], $0x4000  }
0x4c: {  	[sflag:s22] =	ssyncset.done $0x0  }
0x4d: {  	s31 =	simm.s32 $0x1480;
	[sflag:s22] =	ssyncadd.s32 $0xFFFFC000  }
0x4e: {  	[spmem:s2] =	stream.indirect.scatter.add.f32 [tilespmem:s21], [sflag:$0x3], $0x80, s31, s19, $0xb8;
	[tilespmem:$0x1E800] =	vst v63  }
0x4f: {  	_ =	swait.ge [sflag:s17], $0x4000  }
0x50: {  	s26 =	simm.s32 $0x400;
	[sflag:s17] =	ssyncset.done $0x0  }
.LBB2_4:
0x51: {  	p0 =	sne.s32 s26, $0x4800  }
0x52: {  	[sflag:s17] =	ssyncadd.s32 $0xFFFFC000;
	s28 =	smov.u32 s26;
	s26 =	sadd.s32 $0x400, s26  }
0x53: {  	_ =	swait.ge [sflag:s20], $0x4000  }
0x54: {  	s28 =	sshra.s32 s28, $0x2;
	[sflag:s20] =	ssyncset.done $0x0  }
0x55: {  	s29 =	sadd.s32 $0x80, s28;
	[sflag:s20] =	ssyncadd.s32 $0xFFFFC000  }
0x56: {  	[tilespmem:s21], [sflag:$0x2] =	stream.indirect.gather [hbm4b:s4+s19], $0x80, s29, s19, $0xb8;
	[tilespmem:$0x1E800] =	vst v63  }
0x57: {  	s29 =	sadd.s32 $0x1400, s28  }
0x58: {  	[spmem:s2] =	stream.indirect.scatter.add.f32 [tilespmem:s16], [sflag:$0x3], $0x80, s29, s19, $0xb8;
	[tilespmem:$0x1E800] =	vst v63  }
0x59: {  	_ =	swait.ge [sflag:s17], $0x4000  }
0x5a: {  	[sflag:s17] =	ssyncset.done $0x0  }
0x5b: {  	s29 =	sadd.s32 $0x100, s28;
	[sflag:s17] =	ssyncadd.s32 $0xFFFFC000  }
0x5c: {  	[tilespmem:s16], [sflag:$0x1] =	stream.indirect.gather [hbm4b:s4+s19], $0x80, s29, s19, $0xb8;
	[tilespmem:$0x1E800] =	vst v63  }
0x5d: {  	_ =	swait.ge [sflag:s22], $0x4000  }
.Ltmp1:
0x5e: {  	[sflag:s22] =	ssyncset.done $0x0;
	(pc) =	sbr.rel @p0 .LBB2_4-.Ltmp1, $4  }
0x5f: {  	s28 =	sadd.s32 $0x1480, s28;
	[sflag:s22] =	ssyncadd.s32 $0xFFFFC000  }
0x60: {  	[spmem:s2] =	stream.indirect.scatter.add.f32 [tilespmem:s21], [sflag:$0x3], $0x80, s28, s19, $0xb8;
	[tilespmem:$0x1E800] =	vst v63  }
0x61: {  	_ =	swait.ge [sflag:s17], $0x4000  }
0x62: {  	[sflag:s17] =	ssyncset.done $0x0  }
0x63: {  	[sflag:s17] =	ssyncadd.s32 $0xFFFFC000  }
0x64: {  	_ =	swait.ge [sflag:s20], $0x4000  }
0x65: {  	[sflag:s20] =	ssyncset.done $0x0  }
0x66: {  	[sflag:s20] =	ssyncadd.s32 $0xFFFFC000  }
0x67: {  	[tilespmem:s21], [sflag:$0x2] =	stream.indirect.gather [hbm4b:s4+s19], $0x80, s23, s19, $0xb8;
	[tilespmem:$0x1E800] =	vst v63  }
0x68: {  	_ = 	snop  }
0x69: {  	[spmem:s2] =	stream.indirect.scatter.add.f32 [tilespmem:s16], [sflag:$0x3], $0x80, s24, s19, $0xb8;
	[tilespmem:$0x1E800] =	vst v63  }
0x6a: {  	_ =	swait.ge [sflag:s17], $0x4000  }
0x6b: {  	[sflag:s17] =	ssyncset.done $0x0  }
0x6c: {  	[sflag:s17] =	ssyncadd.s32 $0xFFFFC000  }
0x6d: {  	_ =	swait.ge [sflag:s22], $0x4000  }
0x6e: {  	[sflag:s22] =	ssyncset.done $0x0  }
0x6f: {  	[sflag:s22] =	ssyncadd.s32 $0xFFFFC000  }
0x70: {  	[spmem:s2] =	stream.indirect.scatter.add.f32 [tilespmem:s21], [sflag:$0x3], $0x80, s25, s19, $0xb8;
	[tilespmem:$0x1E800] =	vst v63  }
0x71: {  	_ =	swait.ge [sflag:s17], $0x4000  }
0x72: {  	[sflag:s17] =	ssyncset.done $0x0  }
0x73: {  	s26 =	simm.s32 $0x0;
	[sflag:s17] =	ssyncadd.s32 $0xFFFFC000  }
0x74: {  	[tilespmem:s26], [sflag:$0x3] =	stream.linear.gather [hbm4b:s14+s26], $0x1400, $0x38;
	[tilespmem:$0x1E800] =	vst v63  }
0x75: {  	_ =	swait.ge [sflag:s17], $0x1400  }
0x76: {  	[sflag:s17] =	ssyncset.done $0x0  }
0x77: {  	[sflag:s17] =	ssyncadd.s32 $0xFFFFEC00  }
0x78: {  	[tilespmem:s18], [sflag:$0x3] =	stream.linear.gather [hbm4b:s15+s26], $0x1400, $0x38;
	[tilespmem:$0x1E800] =	vst v63  }
0x79: {  	_ =	swait.ge [sflag:s17], $0x1400  }
0x7a: {  	[sflag:s17] =	ssyncset.done $0x0  }
0x7b: {  	[sflag:s17] =	ssyncadd.s32 $0xFFFFEC00  }
0x7c: {  	[tilespmem:s16], [sflag:$0x1] =	stream.indirect.gather [hbm4b:s4+s19], $0x80, s26, s19, $0xb8;
	[tilespmem:$0x1E800] =	vst v63  }
0x7d: {  	_ =	swait.ge [sflag:s20], $0x4000  }
0x7e: {  	[sflag:s20] =	ssyncset.done $0x0  }
0x7f: {  	s28 =	simm.s32 $0x80;
	[sflag:s20] =	ssyncadd.s32 $0xFFFFC000  }
0x80: {  	[tilespmem:s21], [sflag:$0x2] =	stream.indirect.gather [hbm4b:s4+s19], $0x80, s28, s19, $0xb8;
	[tilespmem:$0x1E800] =	vst v63  }
0x81: {  	s29 =	simm.s32 $0x1400  }
0x82: {  	[spmem:s2] =	stream.indirect.scatter.add.f32 [tilespmem:s16], [sflag:$0x3], $0x80, s29, s19, $0xb8;
	[tilespmem:$0x1E800] =	vst v63  }
0x83: {  	_ =	swait.ge [sflag:s17], $0x4000  }
0x84: {  	[sflag:s17] =	ssyncset.done $0x0  }
0x85: {  	s30 =	simm.s32 $0x100;
	[sflag:s17] =	ssyncadd.s32 $0xFFFFC000  }
0x86: {  	[tilespmem:s16], [sflag:$0x1] =	stream.indirect.gather [hbm4b:s4+s19], $0x80, s30, s19, $0xb8;
	[tilespmem:$0x1E800] =	vst v63  }
0x87: {  	_ =	swait.ge [sflag:s22], $0x4000  }
0x88: {  	[sflag:s22] =	ssyncset.done $0x0  }
0x89: {  	s31 =	simm.s32 $0x1480;
	[sflag:s22] =	ssyncadd.s32 $0xFFFFC000  }
0x8a: {  	[spmem:s2] =	stream.indirect.scatter.add.f32 [tilespmem:s21], [sflag:$0x3], $0x80, s31, s19, $0xb8;
	[tilespmem:$0x1E800] =	vst v63  }
0x8b: {  	_ =	swait.ge [sflag:s17], $0x4000  }
0x8c: {  	s26 =	simm.s32 $0x400;
	[sflag:s17] =	ssyncset.done $0x0  }
.LBB2_6:
0x8d: {  	p0 =	sne.s32 s26, $0x4800  }
0x8e: {  	[sflag:s17] =	ssyncadd.s32 $0xFFFFC000;
	s28 =	smov.u32 s26;
	s26 =	sadd.s32 $0x400, s26  }
0x8f: {  	_ =	swait.ge [sflag:s20], $0x4000  }
0x90: {  	s28 =	sshra.s32 s28, $0x2;
	[sflag:s20] =	ssyncset.done $0x0  }
0x91: {  	s29 =	sadd.s32 $0x80, s28;
	[sflag:s20] =	ssyncadd.s32 $0xFFFFC000  }
0x92: {  	[tilespmem:s21], [sflag:$0x2] =	stream.indirect.gather [hbm4b:s4+s19], $0x80, s29, s19, $0xb8;
	[tilespmem:$0x1E800] =	vst v63  }
0x93: {  	s29 =	sadd.s32 $0x1400, s28  }
0x94: {  	[spmem:s2] =	stream.indirect.scatter.add.f32 [tilespmem:s16], [sflag:$0x3], $0x80, s29, s19, $0xb8;
	[tilespmem:$0x1E800] =	vst v63  }
0x95: {  	_ =	swait.ge [sflag:s17], $0x4000  }
0x96: {  	[sflag:s17] =	ssyncset.done $0x0  }
0x97: {  	s29 =	sadd.s32 $0x100, s28;
	[sflag:s17] =	ssyncadd.s32 $0xFFFFC000  }
0x98: {  	[tilespmem:s16], [sflag:$0x1] =	stream.indirect.gather [hbm4b:s4+s19], $0x80, s29, s19, $0xb8;
	[tilespmem:$0x1E800] =	vst v63  }
0x99: {  	_ =	swait.ge [sflag:s22], $0x4000  }
.Ltmp2:
0x9a: {  	[sflag:s22] =	ssyncset.done $0x0;
	(pc) =	sbr.rel @p0 .LBB2_6-.Ltmp2, $4  }
0x9b: {  	s28 =	sadd.s32 $0x1480, s28;
	[sflag:s22] =	ssyncadd.s32 $0xFFFFC000  }
0x9c: {  	[spmem:s2] =	stream.indirect.scatter.add.f32 [tilespmem:s21], [sflag:$0x3], $0x80, s28, s19, $0xb8;
	[tilespmem:$0x1E800] =	vst v63  }
0x9d: {  	_ =	swait.ge [sflag:s17], $0x4000  }
0x9e: {  	[sflag:s17] =	ssyncset.done $0x0  }
0x9f: {  	[sflag:s17] =	ssyncadd.s32 $0xFFFFC000  }
0xa0: {  	_ =	swait.ge [sflag:s20], $0x4000  }
0xa1: {  	[sflag:s20] =	ssyncset.done $0x0  }
0xa2: {  	[sflag:s20] =	ssyncadd.s32 $0xFFFFC000  }
0xa3: {  	[tilespmem:s21], [sflag:$0x2] =	stream.indirect.gather [hbm4b:s4+s19], $0x80, s23, s19, $0xb8;
	[tilespmem:$0x1E800] =	vst v63  }
0xa4: {  	_ = 	snop  }
0xa5: {  	[spmem:s2] =	stream.indirect.scatter.add.f32 [tilespmem:s16], [sflag:$0x3], $0x80, s24, s19, $0xb8;
	[tilespmem:$0x1E800] =	vst v63  }
0xa6: {  	_ =	swait.ge [sflag:s17], $0x4000  }
0xa7: {  	[sflag:s17] =	ssyncset.done $0x0  }
0xa8: {  	[sflag:s17] =	ssyncadd.s32 $0xFFFFC000  }
0xa9: {  	_ =	swait.ge [sflag:s22], $0x4000  }
0xaa: {  	[sflag:s22] =	ssyncset.done $0x0  }
0xab: {  	[sflag:s22] =	ssyncadd.s32 $0xFFFFC000  }
0xac: {  	[spmem:s2] =	stream.indirect.scatter.add.f32 [tilespmem:s21], [sflag:$0x3], $0x80, s25, s19, $0xb8;
	[tilespmem:$0x1E800] =	vst v63  }
0xad: {  	_ =	swait.ge [sflag:s17], $0x4000  }
0xae: {  	s26 =	sshll.u32 s1, $0x6;
	s3 =	sadd.s32 $0x1, s3;
	[sflag:s17] =	ssyncset.done $0x0  }
0xaf: {  	s28 =	sshrl.u32 s5, $0x3;
	p0 =	sne.s32 s3, s11;
	[sflag:s17] =	ssyncadd.s32 $0xFFFFC000  }
.Ltmp3:
0xb0: {  	s26 =	sor.u32 $0x1C03, s26;
	[bflag:$0x0] =	sbarrier.arrive $0xFFFF;
	(pc) =	sbr.rel @p0 .LBB2_1-.Ltmp3, $4  }
0xb1: {  	[hbm:s10], [sflag:s26] =	dma.local [spmem:s28], $0x2800  }
0xb2: {  	_ =	swait.ge [sflag:s17], $0x2800  }
0xb3: {  	[sflag:s17] =	ssyncset.done $0x0  }
0xb4: {  	[sflag:s17] =	ssyncadd.s32 $0xFFFFD800  }
0xb5: {  	_ =	sfence.sel $0x180000  }
0xb6: {  	[bflag:$0x0] =	sbarrier.arrive $0xFFFF  }
0xb7: {  	p0 =	sne.s32 s1, $0x0;
	_ =	strace $0x9000004A  }
0xb8: {  	s0 =	sadd.s32 @!p0 $0x100000, s0;
	[bflag:$0x2] =	sbarrier.arrive $0xFFFF  }
0xb9: {  	[sflag:s0] =	ssyncadd.tile.s32 @!p0 $0x1;
	_ =	shalt  }
.Lfunc_end2:
_tile_overlayer_lowered:
.L_overlay_start_2:
0xba: {  	(tag) =	ssettag $0x2  }
0xbb: {  	s0 =	rddreg [dreg:$0x0];
	s2 =	stileid.u32  }
0xbc: {  	s1 =	rddreg [dreg:$0x1];
	p0 =	sne.s32 s2, $0x0  }
0xbd: {  	s3 =	rddreg [dreg:$0x2];
	[bflag:$0x3] =	sbarrier.arrive $0xFFFF;
	s2 =	simm.s32 @!p0 $0x1C03  }
0xbe: {  	[timem:s3], [sflag:s2] =	dma.local @!p0 [hbm:s0], s1  }
0xbf: {  	s0 =	simm.s32 @!p0 $0x3  }
0xc0: {  	_ =	swait.ge @!p0 [sflag:s0], s1  }
0xc1: {  	s1 =	ssub.s32 @!p0 $0x0, s1;
	[sflag:s0] =	ssyncset.done @!p0 $0x0  }
0xc2: {  	[sflag:s0] =	ssyncadd.s32 @!p0 s1  }
0xc3: {  	[bflag:$0x3] =	sbarrier.arrive $0xFFFF  }
0xc4: {  	_ =	shalt  }

// kernel: kernel.16.cloned.1.call-start
scs
__scs_entry_jumppad:
0x0: {  	(pc) =	sbr.rel $0x88, $3  }
0x1: {  	(tag) =	ssettag $0x0;
	lr =	simm.s32 $0x1  }
0x2: {  	[smem:$0x3F94] =	sst lr;
	_ =	strace $0xD0000000  }
0x3: {  	_ = 	snop  }
0x4: {  	_ = 	snop  }
0x5: {  	_ = 	snop  }
0x6: {  	_ = 	snop  }
0x7: {  	_ = 	snop  }
__scs_overlays_trampoline_lowered:
0x8: {  	[smem:$0x3FA3] =	sst s0  }
0x9: {  	[smem:$0x3FA4] =	sst s1  }
0xa: {  	[smem:$0x3FA5] =	sst s2  }
0xb: {  	[smem:$0x3FA6] =	sst s3  }
0xc: {  	[smem:$0x3FA7] =	sst s4  }
0xd: {  	[smem:$0x3FA8] =	sst s5  }
0xe: {  	[smem:$0x3FA9] =	sst s6  }
0xf: {  	[smem:$0x3FAA] =	sst s7  }
0x10: {  	[smem:$0x3FAB] =	sst s8  }
0x11: {  	[smem:$0x3FAC] =	sst s9;
	s0 =	simm.s32 @!p0 $0x0  }
0x12: {  	s1 =	sld [smem:$0x3F92];
	s0 =	simm.s32 @p0 $0x1  }
0x13: {  	[smem:$0x3FAD] =	sst s0;
	s0 =	simm.s32 @!p1 $0x0  }
0x14: {  	s2 =	sld [smem:$0x3F91];
	s0 =	simm.s32 @p1 $0x1  }
0x15: {  	[smem:$0x3FAE] =	sst s0;
	s0 =	simm.s32 @!p2 $0x0  }
0x16: {  	s3 =	sld [smem:$0x3FDB];
	s0 =	simm.s32 @p2 $0x1  }
0x17: {  	s4 =	simm.s32 $0x1BF5;
	[smem:$0x3FB0] =	sst s0  }
0x18: {  	s0 =	sld [smem:$0x3F93];
	_ =	swait.ge [sflag:s4], $0x0  }
0x19: {  	s7 =	sld [smem:$0x3F94]  }
0x1a: {  	s8 =	sadd.s32 $0xFFFFE003, lr  }
0x1b: {  	s9 =	sadd.s32 $0xFFFFFEF7, lr;
	s5 =	simm.s32 $0xFFFFFFFF;
	p2 =	slt.u32 s8, $0xFFFFF086  }
0x1c: {  	p1 =	slt.u32 s9, $0xF7A;
	s5 =	simm.s32 @!p2 $0x0  }
0x1d: {  	s5 =	simm.s32 @p1 $0x1;
	p0 =	seq.s32 s7, s2  }
0x1e: {  	s7 =	smul.u32 @!p0 $0xF7A, s2;
	p2 =	seq.s32 @!p0 s5, $0x0  }
0x1f: {  	s9 =	smul.u32 $0xF7A, s1;
	s8 =	simm.s32 @!p0 $0x1BF5;
	p2 =	por !p2, p0  }
0x20: {  	[sflag:s8] =	ssyncset.s32 @!p0 $0xFFFFF086;
	s6 =	sadd.s32 @!p0 s3, s7;
	s7 =	simm.s32 @!p0 $0x108  }
0x21: {  	s3 =	sadd.s32 s3, s9;
	s6 =	sadd.s32 @!p0 $0x88, s6;
	s7 =	simm.s32 @p2 $0x1082  }
0x22: {  	[simem:s7], [sflag:s8] =	dma.local @!p0 [hbm:s6], $0xF7A  }
0x23: {  	s9 =	sor.u32 $0xD0000000, s2;
	s6 =	simm.s32 $0x108;
	_ =	swait.ge @!p0 [sflag:s8], $0x0  }
0x24: {  	s3 =	sadd.s32 $0x88, s3;
	s6 =	simm.s32 @!p1 $0x1082;
	[sflag:s4] =	ssyncset.s32 $0xFFFFF086  }
0x25: {  	[simem:s6], [sflag:s4] =	dma.local [hbm:s3], $0xF7A  }
0x26: {  	[smem:$0x3F94] =	sst s1;
	(tag) =	ssettag s2;
	_ =	strace s9  }
0x27: {  	s1 =	sld [smem:$0x3FA4]  }
0x28: {  	s2 =	sld [smem:$0x3FA5]  }
0x29: {  	s4 =	sld [smem:$0x3FA7]  }
0x2a: {  	p0 =	seq.s32 s5, $0x0;
	s5 =	sld [smem:$0x3FA8]  }
0x2b: {  	s6 =	sld [smem:$0x3FA9]  }
0x2c: {  	s7 =	sld [smem:$0x3FAA]  }
0x2d: {  	s3 =	simm.s32 $0x108;
	s8 =	sld [smem:$0x3FAB]  }
0x2e: {  	s3 =	simm.s32 @!p0 $0x1082;
	s9 =	sld [smem:$0x3FAC]  }
0x2f: {  	lr =	sadd.s32 s0, s3;
	s0 =	sld [smem:$0x3FA3]  }
0x30: {  	s3 =	sld [smem:$0x3FA6]  }
0x31: {  	[smem:$0x3FAF] =	sst s10  }
0x32: {  	s10 =	sld [smem:$0x3FAD];
	_ =	sdelay $0x3  }
0x33: {  	p0 =	seq.s32 s10, $0x1;
	s10 =	sld [smem:$0x3FAF];
	_ =	sdelay $0x3  }
0x34: {  	[smem:$0x3FAF] =	sst s10  }
0x35: {  	s10 =	sld [smem:$0x3FAE];
	_ =	sdelay $0x3  }
0x36: {  	p1 =	seq.s32 s10, $0x1;
	s10 =	sld [smem:$0x3FAF];
	_ =	sdelay $0x3  }
0x37: {  	[smem:$0x3FAF] =	sst s10  }
0x38: {  	s10 =	sld [smem:$0x3FB0]  }
0x39: {  	_ = 	snop;
	(pc) =	sbr.ind lr, $3  }
0x3a: {  	_ = 	snop  }
0x3b: {  	_ = 	snop  }
0x3c: {  	p2 =	seq.s32 s10, $0x1;
	s10 =	sld [smem:$0x3FAF]  }
0x3d: {  	_ =	shalt  }
0x3e: {  	_ =	shalt  }
0x3f: {  	_ =	shalt  }
0x40: {  	_ =	shalt  }
0x41: {  	_ =	shalt  }
0x42: {  	_ =	shalt  }
0x43: {  	_ =	shalt  }
0x44: {  	_ =	shalt  }
0x45: {  	_ =	shalt  }
0x46: {  	_ =	shalt  }
0x47: {  	_ =	shalt  }
0x48: {  	_ =	shalt  }
0x49: {  	_ =	shalt  }
0x4a: {  	_ =	shalt  }
0x4b: {  	_ =	shalt  }
0x4c: {  	_ =	shalt  }
0x4d: {  	_ =	shalt  }
0x4e: {  	_ =	shalt  }
0x4f: {  	_ =	shalt  }
0x50: {  	_ =	shalt  }
0x51: {  	_ =	shalt  }
0x52: {  	_ =	shalt  }
0x53: {  	_ =	shalt  }
0x54: {  	_ =	shalt  }
0x55: {  	_ =	shalt  }
0x56: {  	_ =	shalt  }
0x57: {  	_ =	shalt  }
0x58: {  	_ =	shalt  }
0x59: {  	_ =	shalt  }
0x5a: {  	_ =	shalt  }
0x5b: {  	_ =	shalt  }
0x5c: {  	_ =	shalt  }
0x5d: {  	_ =	shalt  }
0x5e: {  	_ =	shalt  }
0x5f: {  	_ =	shalt  }
0x60: {  	_ =	shalt  }
0x61: {  	_ =	shalt  }
0x62: {  	_ =	shalt  }
0x63: {  	_ =	shalt  }
0x64: {  	_ =	shalt  }
0x65: {  	_ =	shalt  }
0x66: {  	_ =	shalt  }
0x67: {  	_ =	shalt  }
0x68: {  	_ =	shalt  }
0x69: {  	_ =	shalt  }
0x6a: {  	_ =	shalt  }
0x6b: {  	_ =	shalt  }
0x6c: {  	_ =	shalt  }
0x6d: {  	_ =	shalt  }
0x6e: {  	_ =	shalt  }
0x6f: {  	_ =	shalt  }
0x70: {  	_ =	shalt  }
0x71: {  	_ =	shalt  }
0x72: {  	_ =	shalt  }
0x73: {  	_ =	shalt  }
0x74: {  	_ =	shalt  }
0x75: {  	_ =	shalt  }
0x76: {  	_ =	shalt  }
0x77: {  	_ =	shalt  }
0x78: {  	_ =	shalt  }
0x79: {  	_ =	shalt  }
0x7a: {  	_ =	shalt  }
0x7b: {  	_ =	shalt  }
0x7c: {  	_ =	shalt  }
0x7d: {  	_ =	shalt  }
0x7e: {  	_ =	shalt  }
0x7f: {  	_ =	shalt  }
0x80: {  	_ =	shalt  }
0x81: {  	_ =	shalt  }
0x82: {  	_ =	shalt  }
0x83: {  	_ =	shalt  }
0x84: {  	_ =	shalt  }
0x85: {  	_ =	shalt  }
0x86: {  	_ =	shalt  }
0x87: {  	_ =	shalt  }
.Lfunc_end0:
.L_simem_size_0:
called_computation.2_lowered:
.L_overlay_start_0:
0x88: {  	s2 =	sld [smem:$0x3FD9]  }
0x89: {  	s3 =	sld [smem:$0x3FFE];
	_ =	sdelay $0x1  }
0x8a: {  	s1 =	srdreg.scid  }
0x8b: {  	s0 =	sand.u32 $0x1, s1  }
0x8c: {  	s16 =	sshll.u32 s0, $0xA;
	s2 =	sadd.s32 s3, s2  }
0x8d: {  	s2 =	sadd.s32 s2, s16  }
0x8e: {  	[smem:$0x3FBB] =	sst s2  }
0x8f: {  	_ = 	snop  }
0x90: {  	(tm) =	ssettm $0x1  }
0x91: {  	s17 =	sld [smem:$0x3FFB];
	_ =	sdelay $0x3  }
0x92: {  	_ =	strace s17  }
0x93: {  	s2 =	sld [smem:$0x3FFC];
	_ =	sdelay $0x3  }
0x94: {  	_ =	strace s2  }
0x95: {  	s2 =	sld [smem:$0x3FFD];
	_ =	sdelay $0x3  }
0x96: {  	_ =	strace s2  }
0x97: {  	_ =	strace $0x8FFFFFFF  }
0x98: {  	s18 =	sld [smem:$0x3FDB];
	_ =	sdelay $0x1  }
0x99: {  	s19 =	simm.s32 $_scs_section_size  }
0x9a: {  	s4 =	simm.s32 $_size__tile_overlayer_lowered;
	s5 =	simm.s32 $_tile_overlayer_lowered  }
0x9b: {  	s22 =	simm.s32 $0x1BFF;
	s21 =	sshll.u32 s5, $0x1;
	s2 =	sadd.s32 s19, s18  }
0x9c: {  	s6 =	simm.s32 $0x0;
	s20 =	sshll.u32 s4, $0x1;
	s4 =	sadd.s32 s21, s2  }
0x9d: {  	[timem:s6], [sflag:s22] =	dma.local [hbm:s4], s20  }
0x9e: {  	_ =	swait.ge [sflag:s22], s20  }
0x9f: {  	s3 =	ssub.s32 $0x0, s20;
	[sflag:s22] =	ssyncset.done $0x0  }
0xa0: {  	[sflag:s22] =	ssyncadd.s32 s3;
	_ =	sdelay $0x1  }
0xa1: {  	s23 =	simm.s32 $0x1B8B  }
0xa2: {  	_ =	swait.ge [sflag:s23], $0x1  }
0xa3: {  	[sflag:s23] =	ssyncset.done $0x0  }
0xa4: {  	s25 =	simm.s32 $0x1B8E;
	s24 =	sld [smem:$0x3FFE];
	[sflag:s23] =	ssyncadd.s32 $0xFFFFFFFF  }
0xa5: {  	s26 =	simm.s32 $execute0_lowered;
	[smem:$0x3FD2] =	sst s25  }
0xa6: {  	s4 =	sshll.u32 s26, $0x1;
	_ =	strace $0x8000004C;
	[dreg:$0x1] =	wrdreg $0xFFFFFFFF  }
0xa7: {  	s28 =	simm.s32 $_size_execute0_lowered;
	s2 =	sadd.s32 s2, s4;
	[dreg:$0x0] =	wrdreg $0x0  }
0xa8: {  	s4 =	sshll.u32 s28, $0x1;
	[dreg:$0x2] =	wrdreg s2  }
0xa9: {  	[dreg:$0x3] =	wrdreg s4  }
0xaa: {  	[dreg:$0x4] =	wrdreg $0xC0  }
0xab: {  	_ =	task [dreg:s6], $0x5FFFF  }
0xac: {  	[dreg:$0x1] =	wrdreg $0xFFFFFFFF  }
0xad: {  	[dreg:$0x0] =	wrdreg $0x60  }
0xae: {  	[dreg:$0x2] =	wrdreg s24  }
0xaf: {  	[dreg:$0x3] =	wrdreg $0xA8000  }
0xb0: {  	[dreg:$0x4] =	wrdreg $0x9  }
0xb1: {  	_ =	task.clear_ibuf [dreg:s6], $0x5FFFF;
	_ =	strace $0x9000004C  }
0xb2: {  	s29 =	simm.s32 $0x9;
	_ =	strace $0x8000004E  }
0xb3: {  	_ =	swait.ge [sflag:s29], $0x1  }
0xb4: {  	[sflag:s29] =	ssyncadd.s32 $0xFFFFFFFF  }
0xb5: {  	_ =	strace $0x9000004E  }
0xb6: {  	_ =	sfence  }
0xb7: {  	s30 =	sld [smem:$0x0];
	_ =	sdelay $0x2  }
0xb8: {  	s31 =	sshll.u32 s1, $0xD;
	s1 =	sshrl.u32 s1, $0x2  }
0xb9: {  	s3 =	sand.u32 $0x4000, s31;
	s1 =	sadd.s32 s1, s30  }
0xba: {  	s0 =	sor.u32 s3, s0;
	s1 =	sshll.u32 s1, $0x11  }
0xbb: {  	s0 =	sor.u32 s1, s0  }
0xbc: {  	s0 =	sadd.s32 $0x8F2B, s0  }
0xbd: {  	[sflag:s0] =	ssyncadd.remote.s32 $0x1  }
0xbe: {  	_ =	sfence.sel $0xFFFF  }
0xbf: {  	[dreg:$0x0] =	wrdreg $0xFFFFFFFF;
	(pc) =	sbr.abs _section_cstart, $3  }
0xc0: {  	[dreg:$0x1] =	wrdreg $0xFFFFFFFF  }
0xc1: {  	_ =	task.clear_ibuf [dreg:s6], $0x2FFFF;
	_ =	strace $0x9FFFFFFF  }
0xc2: {  	(tm) =	ssettm $0x7FFFFFFF  }
0xc3: {  	_ =	shalt  }
tec
execute0_lowered:
.L_overlay_start_1:
0x0: {  	(tag) =	ssettag $0x1  }
0x1: {  	s5 =	rddreg [dreg:$0x0]  }
0x2: {  	s0 =	srdreg.scid;
	s2 =	rddreg [dreg:$0x1]  }
0x3: {  	s1 =	stileid.u32;
	s3 =	simm.s32 $0x0;
	s17 =	simm.s32 $0x3  }
0x4: {  	s18 =	simm.s32 $0x1400;
	s19 =	simm.s32 $0x80;
	s20 =	simm.s32 $0x1  }
0x5: {  	s21 =	simm.s32 $0x6800;
	s22 =	simm.s32 $0x2;
	s23 =	simm.s32 $0x1380  }
0x6: {  	s24 =	simm.s32 $0x2700;
	s6 =	sand.u32 $0x1, s0;
	s0 =	rddreg [dreg:$0x2]  }
0x7: {  	s25 =	simm.s32 $0x2780;
	s7 =	smul.u32 $0x14000, s1;
	[smem:$0x7FF] =	sst s3  }
0x8: {  	s8 =	smul.u32 $0x50000, s1;
	s14 =	sadd.s32 $0xDE00, s5;
	s15 =	sadd.s32 $0x3E00, s5  }
0x9: {  	s4 =	smul.u32 $0x140000, s6;
	_ =	strace $0x8000004D;
	s28 =	ssub.s32 $0x2, s6  }
0xa: {  	s29 =	sshll.u32 s6, $0x4;
	s30 =	sshrl.u32 s8, $0x2;
	s31 =	sshrl.u32 s28, $0x1  }
0xb: {  	s9 =	sor.u32 s1, s29;
	s7 =	sadd.s32 s7, s4;
	s4 =	sadd.s32 $0x17E00, s5  }
0xc: {  	s11 =	ssub.s32 s28, s31;
	s12 =	smul.u32 $0x2800, s9;
	s7 =	sshrl.u32 s7, $0x3  }
0xd: {  	s11 =	smax.u32 s11, $0x1;
	s10 =	sadd.s32 s7, s5;
	s5 =	sadd.s32 s30, s2  }
0xe: {  	s16 =	sshrl.u32 s12, $0x3;
	s6 =	sadd.s32 $0x4000, s5;
	s7 =	sadd.s32 $0x8000, s5  }
0xf: {  	s8 =	sadd.s32 $0xC000, s5;
	s9 =	sadd.s32 $0x10000, s5;
	s10 =	sadd.s32 $0x3FE00, s10  }
0x10: {  	s12 =	sadd.s32 s14, s16;
	s13 =	sadd.s32 s15, s16;
	s16 =	sadd.s32 $0x280, s16  }
0x11: {  	v0 =	vimm.f32 $0.0e+00;
	s14 =	sadd.s32 s14, s16;
	s15 =	sadd.s32 s15, s16;
	s16 =	simm.s32 $0x2800  }
.LBB2_1:
0x12: {  	s26 =	simm.s32 $0x0;
	s28 =	simm.s32 $0x200  }
.LBB2_2:
0x13: {  	p0 =	sne.s32 s28, $0xFE00;
	[tilespmem:s26+$0x2870] =	vst v0  }
0x14: {  	[tilespmem:s26+$0x2800] =	vst v0  }
0x15: {  	[tilespmem:s26+$0x2810] =	vst v0  }
.Ltmp0:
0x16: {  	[tilespmem:s26+$0x2820] =	vst v0;
	(pc) =	sbr.rel @p0 .LBB2_2-.Ltmp0, $4  }
0x17: {  	[tilespmem:s26+$0x2830] =	vst v0  }
0x18: {  	[tilespmem:s26+$0x2840] =	vst v0  }
0x19: {  	[tilespmem:s26+$0x2850] =	vst v0  }
0x1a: {  	[tilespmem:s26+$0x2860] =	vst v0;
	s26 =	sshra.s32 s28, $0x2;
	s28 =	sadd.s32 $0x200, s28  }
0x1b: {  	[tilespmem:s26+$0x2870] =	vst v0  }
0x1c: {  	[tilespmem:s26+$0x2800] =	vst v0  }
0x1d: {  	[tilespmem:s26+$0x2810] =	vst v0  }
0x1e: {  	[tilespmem:s26+$0x2820] =	vst v0  }
0x1f: {  	[tilespmem:s26+$0x2830] =	vst v0  }
0x20: {  	[tilespmem:s26+$0x2840] =	vst v0  }
0x21: {  	[tilespmem:s26+$0x2850] =	vst v0  }
0x22: {  	[tilespmem:s26+$0x2860] =	vst v0  }
0x23: {  	[spmem:s5] =	stream.linear.scatter [tilespmem:s16], [sflag:$0x3], $0x4000, $0x38;
	[tilespmem:$0x1E800] =	vst v63  }
0x24: {  	_ =	swait.ge [sflag:s17], $0x4000  }
0x25: {  	[sflag:s17] =	ssyncset.done $0x0  }
0x26: {  	[sflag:s17] =	ssyncadd.s32 $0xFFFFC000  }
0x27: {  	[spmem:s6] =	stream.linear.scatter [tilespmem:s16], [sflag:$0x3], $0x4000, $0x38;
	[tilespmem:$0x1E800] =	vst v63  }
0x28: {  	_ =	swait.ge [sflag:s17], $0x4000  }
0x29: {  	[sflag:s17] =	ssyncset.done $0x0  }
0x2a: {  	[sflag:s17] =	ssyncadd.s32 $0xFFFFC000  }
0x2b: {  	[spmem:s7] =	stream.linear.scatter [tilespmem:s16], [sflag:$0x3], $0x4000, $0x38;
	[tilespmem:$0x1E800] =	vst v63  }
0x2c: {  	_ =	swait.ge [sflag:s17], $0x4000  }
0x2d: {  	[sflag:s17] =	ssyncset.done $0x0  }
0x2e: {  	[sflag:s17] =	ssyncadd.s32 $0xFFFFC000  }
0x2f: {  	[spmem:s8] =	stream.linear.scatter [tilespmem:s16], [sflag:$0x3], $0x4000, $0x38;
	[tilespmem:$0x1E800] =	vst v63  }
0x30: {  	_ =	swait.ge [sflag:s17], $0x4000  }
0x31: {  	[sflag:s17] =	ssyncset.done $0x0  }
0x32: {  	[sflag:s17] =	ssyncadd.s32 $0xFFFFC000  }
0x33: {  	[spmem:s9] =	stream.linear.scatter [tilespmem:s16], [sflag:$0x3], $0x4000, $0x38;
	[tilespmem:$0x1E800] =	vst v63  }
0x34: {  	_ =	swait.ge [sflag:s17], $0x4000  }
0x35: {  	[sflag:s17] =	ssyncset.done $0x0  }
0x36: {  	[sflag:s17] =	ssyncadd.s32 $0xFFFFC000  }
0x37: {  	s31 =	simm.s32 $0x0;
	[bflag:$0x0] =	sbarrier.arrive $0xFFFF  }
0x38: {  	[tilespmem:s31], [sflag:$0x3] =	stream.linear.gather [hbm4b:s12+s31], $0x1400, $0x38;
	[tilespmem:$0x1E800] =	vst v63  }
0x39: {  	_ =	swait.ge [sflag:s17], $0x1400  }
0x3a: {  	[sflag:s17] =	ssyncset.done $0x0  }
0x3b: {  	[sflag:s17] =	ssyncadd.s32 $0xFFFFEC00  }
0x3c: {  	[tilespmem:s18], [sflag:$0x3] =	stream.linear.gather [hbm4b:s13+s31], $0x1400, $0x38;
	[tilespmem:$0x1E800] =	vst v63  }
0x3d: {  	_ =	swait.ge [sflag:s17], $0x1400  }
0x3e: {  	[sflag:s17] =	ssyncset.done $0x0  }
0x3f: {  	[sflag:s17] =	ssyncadd.s32 $0xFFFFEC00  }
0x40: {  	[tilespmem:s16], [sflag:$0x1] =	stream.indirect.gather [hbm4b:s4+s19], $0x80, s31, s19, $0xb8;
	[tilespmem:$0x1E800] =	vst v63  }
0x41: {  	_ =	swait.ge [sflag:s20], $0x4000  }
0x42: {  	[sflag:s20] =	ssyncset.done $0x0  }
0x43: {  	s28 =	simm.s32 $0x80;
	[sflag:s20] =	ssyncadd.s32 $0xFFFFC000  }
0x44: {  	[tilespmem:s21], [sflag:$0x2] =	stream.indirect.gather [hbm4b:s4+s19], $0x80, s28, s19, $0xb8;
	[tilespmem:$0x1E800] =	vst v63  }
0x45: {  	s29 =	simm.s32 $0x1400  }
0x46: {  	[spmem:s2] =	stream.indirect.scatter.add.f32 [tilespmem:s16], [sflag:$0x3], $0x80, s29, s19, $0xb8;
	[tilespmem:$0x1E800] =	vst v63  }
0x47: {  	_ =	swait.ge [sflag:s17], $0x4000  }
0x48: {  	[sflag:s17] =	ssyncset.done $0x0  }
0x49: {  	s30 =	simm.s32 $0x100;
	[sflag:s17] =	ssyncadd.s32 $0xFFFFC000  }
0x4a: {  	[tilespmem:s16], [sflag:$0x1] =	stream.indirect.gather [hbm4b:s4+s19], $0x80, s30, s19, $0xb8;
	[tilespmem:$0x1E800] =	vst v63  }
0x4b: {  	_ =	swait.ge [sflag:s22], $0x4000  }
0x4c: {  	[sflag:s22] =	ssyncset.done $0x0  }
0x4d: {  	s31 =	simm.s32 $0x1480;
	[sflag:s22] =	ssyncadd.s32 $0xFFFFC000  }
0x4e: {  	[spmem:s2] =	stream.indirect.scatter.add.f32 [tilespmem:s21], [sflag:$0x3], $0x80, s31, s19, $0xb8;
	[tilespmem:$0x1E800] =	vst v63  }
0x4f: {  	_ =	swait.ge [sflag:s17], $0x4000  }
0x50: {  	s26 =	simm.s32 $0x400;
	[sflag:s17] =	ssyncset.done $0x0  }
.LBB2_4:
0x51: {  	p0 =	sne.s32 s26, $0x4800  }
0x52: {  	[sflag:s17] =	ssyncadd.s32 $0xFFFFC000;
	s28 =	smov.u32 s26;
	s26 =	sadd.s32 $0x400, s26  }
0x53: {  	_ =	swait.ge [sflag:s20], $0x4000  }
0x54: {  	s28 =	sshra.s32 s28, $0x2;
	[sflag:s20] =	ssyncset.done $0x0  }
0x55: {  	s29 =	sadd.s32 $0x80, s28;
	[sflag:s20] =	ssyncadd.s32 $0xFFFFC000  }
0x56: {  	[tilespmem:s21], [sflag:$0x2] =	stream.indirect.gather [hbm4b:s4+s19], $0x80, s29, s19, $0xb8;
	[tilespmem:$0x1E800] =	vst v63  }
0x57: {  	s29 =	sadd.s32 $0x1400, s28  }
0x58: {  	[spmem:s2] =	stream.indirect.scatter.add.f32 [tilespmem:s16], [sflag:$0x3], $0x80, s29, s19, $0xb8;
	[tilespmem:$0x1E800] =	vst v63  }
0x59: {  	_ =	swait.ge [sflag:s17], $0x4000  }
0x5a: {  	[sflag:s17] =	ssyncset.done $0x0  }
0x5b: {  	s29 =	sadd.s32 $0x100, s28;
	[sflag:s17] =	ssyncadd.s32 $0xFFFFC000  }
0x5c: {  	[tilespmem:s16], [sflag:$0x1] =	stream.indirect.gather [hbm4b:s4+s19], $0x80, s29, s19, $0xb8;
	[tilespmem:$0x1E800] =	vst v63  }
0x5d: {  	_ =	swait.ge [sflag:s22], $0x4000  }
.Ltmp1:
0x5e: {  	[sflag:s22] =	ssyncset.done $0x0;
	(pc) =	sbr.rel @p0 .LBB2_4-.Ltmp1, $4  }
0x5f: {  	s28 =	sadd.s32 $0x1480, s28;
	[sflag:s22] =	ssyncadd.s32 $0xFFFFC000  }
0x60: {  	[spmem:s2] =	stream.indirect.scatter.add.f32 [tilespmem:s21], [sflag:$0x3], $0x80, s28, s19, $0xb8;
	[tilespmem:$0x1E800] =	vst v63  }
0x61: {  	_ =	swait.ge [sflag:s17], $0x4000  }
0x62: {  	[sflag:s17] =	ssyncset.done $0x0  }
0x63: {  	[sflag:s17] =	ssyncadd.s32 $0xFFFFC000  }
0x64: {  	_ =	swait.ge [sflag:s20], $0x4000  }
0x65: {  	[sflag:s20] =	ssyncset.done $0x0  }
0x66: {  	[sflag:s20] =	ssyncadd.s32 $0xFFFFC000  }
0x67: {  	[tilespmem:s21], [sflag:$0x2] =	stream.indirect.gather [hbm4b:s4+s19], $0x80, s23, s19, $0xb8;
	[tilespmem:$0x1E800] =	vst v63  }
0x68: {  	_ = 	snop  }
0x69: {  	[spmem:s2] =	stream.indirect.scatter.add.f32 [tilespmem:s16], [sflag:$0x3], $0x80, s24, s19, $0xb8;
	[tilespmem:$0x1E800] =	vst v63  }
0x6a: {  	_ =	swait.ge [sflag:s17], $0x4000  }
0x6b: {  	[sflag:s17] =	ssyncset.done $0x0  }
0x6c: {  	[sflag:s17] =	ssyncadd.s32 $0xFFFFC000  }
0x6d: {  	_ =	swait.ge [sflag:s22], $0x4000  }
0x6e: {  	[sflag:s22] =	ssyncset.done $0x0  }
0x6f: {  	[sflag:s22] =	ssyncadd.s32 $0xFFFFC000  }
0x70: {  	[spmem:s2] =	stream.indirect.scatter.add.f32 [tilespmem:s21], [sflag:$0x3], $0x80, s25, s19, $0xb8;
	[tilespmem:$0x1E800] =	vst v63  }
0x71: {  	_ =	swait.ge [sflag:s17], $0x4000  }
0x72: {  	[sflag:s17] =	ssyncset.done $0x0  }
0x73: {  	s26 =	simm.s32 $0x0;
	[sflag:s17] =	ssyncadd.s32 $0xFFFFC000  }
0x74: {  	[tilespmem:s26], [sflag:$0x3] =	stream.linear.gather [hbm4b:s14+s26], $0x1400, $0x38;
	[tilespmem:$0x1E800] =	vst v63  }
0x75: {  	_ =	swait.ge [sflag:s17], $0x1400  }
0x76: {  	[sflag:s17] =	ssyncset.done $0x0  }
0x77: {  	[sflag:s17] =	ssyncadd.s32 $0xFFFFEC00  }
0x78: {  	[tilespmem:s18], [sflag:$0x3] =	stream.linear.gather [hbm4b:s15+s26], $0x1400, $0x38;
	[tilespmem:$0x1E800] =	vst v63  }
0x79: {  	_ =	swait.ge [sflag:s17], $0x1400  }
0x7a: {  	[sflag:s17] =	ssyncset.done $0x0  }
0x7b: {  	[sflag:s17] =	ssyncadd.s32 $0xFFFFEC00  }
0x7c: {  	[tilespmem:s16], [sflag:$0x1] =	stream.indirect.gather [hbm4b:s4+s19], $0x80, s26, s19, $0xb8;
	[tilespmem:$0x1E800] =	vst v63  }
0x7d: {  	_ =	swait.ge [sflag:s20], $0x4000  }
0x7e: {  	[sflag:s20] =	ssyncset.done $0x0  }
0x7f: {  	s28 =	simm.s32 $0x80;
	[sflag:s20] =	ssyncadd.s32 $0xFFFFC000  }
0x80: {  	[tilespmem:s21], [sflag:$0x2] =	stream.indirect.gather [hbm4b:s4+s19], $0x80, s28, s19, $0xb8;
	[tilespmem:$0x1E800] =	vst v63  }
0x81: {  	s29 =	simm.s32 $0x1400  }
0x82: {  	[spmem:s2] =	stream.indirect.scatter.add.f32 [tilespmem:s16], [sflag:$0x3], $0x80, s29, s19, $0xb8;
	[tilespmem:$0x1E800] =	vst v63  }
0x83: {  	_ =	swait.ge [sflag:s17], $0x4000  }
0x84: {  	[sflag:s17] =	ssyncset.done $0x0  }
0x85: {  	s30 =	simm.s32 $0x100;
	[sflag:s17] =	ssyncadd.s32 $0xFFFFC000  }
0x86: {  	[tilespmem:s16], [sflag:$0x1] =	stream.indirect.gather [hbm4b:s4+s19], $0x80, s30, s19, $0xb8;
	[tilespmem:$0x1E800] =	vst v63  }
0x87: {  	_ =	swait.ge [sflag:s22], $0x4000  }
0x88: {  	[sflag:s22] =	ssyncset.done $0x0  }
0x89: {  	s31 =	simm.s32 $0x1480;
	[sflag:s22] =	ssyncadd.s32 $0xFFFFC000  }
0x8a: {  	[spmem:s2] =	stream.indirect.scatter.add.f32 [tilespmem:s21], [sflag:$0x3], $0x80, s31, s19, $0xb8;
	[tilespmem:$0x1E800] =	vst v63  }
0x8b: {  	_ =	swait.ge [sflag:s17], $0x4000  }
0x8c: {  	s26 =	simm.s32 $0x400;
	[sflag:s17] =	ssyncset.done $0x0  }
.LBB2_6:
0x8d: {  	p0 =	sne.s32 s26, $0x4800  }
0x8e: {  	[sflag:s17] =	ssyncadd.s32 $0xFFFFC000;
	s28 =	smov.u32 s26;
	s26 =	sadd.s32 $0x400, s26  }
0x8f: {  	_ =	swait.ge [sflag:s20], $0x4000  }
0x90: {  	s28 =	sshra.s32 s28, $0x2;
	[sflag:s20] =	ssyncset.done $0x0  }
0x91: {  	s29 =	sadd.s32 $0x80, s28;
	[sflag:s20] =	ssyncadd.s32 $0xFFFFC000  }
0x92: {  	[tilespmem:s21], [sflag:$0x2] =	stream.indirect.gather [hbm4b:s4+s19], $0x80, s29, s19, $0xb8;
	[tilespmem:$0x1E800] =	vst v63  }
0x93: {  	s29 =	sadd.s32 $0x1400, s28  }
0x94: {  	[spmem:s2] =	stream.indirect.scatter.add.f32 [tilespmem:s16], [sflag:$0x3], $0x80, s29, s19, $0xb8;
	[tilespmem:$0x1E800] =	vst v63  }
0x95: {  	_ =	swait.ge [sflag:s17], $0x4000  }
0x96: {  	[sflag:s17] =	ssyncset.done $0x0  }
0x97: {  	s29 =	sadd.s32 $0x100, s28;
	[sflag:s17] =	ssyncadd.s32 $0xFFFFC000  }
0x98: {  	[tilespmem:s16], [sflag:$0x1] =	stream.indirect.gather [hbm4b:s4+s19], $0x80, s29, s19, $0xb8;
	[tilespmem:$0x1E800] =	vst v63  }
0x99: {  	_ =	swait.ge [sflag:s22], $0x4000  }
.Ltmp2:
0x9a: {  	[sflag:s22] =	ssyncset.done $0x0;
	(pc) =	sbr.rel @p0 .LBB2_6-.Ltmp2, $4  }
0x9b: {  	s28 =	sadd.s32 $0x1480, s28;
	[sflag:s22] =	ssyncadd.s32 $0xFFFFC000  }
0x9c: {  	[spmem:s2] =	stream.indirect.scatter.add.f32 [tilespmem:s21], [sflag:$0x3], $0x80, s28, s19, $0xb8;
	[tilespmem:$0x1E800] =	vst v63  }
0x9d: {  	_ =	swait.ge [sflag:s17], $0x4000  }
0x9e: {  	[sflag:s17] =	ssyncset.done $0x0  }
0x9f: {  	[sflag:s17] =	ssyncadd.s32 $0xFFFFC000  }
0xa0: {  	_ =	swait.ge [sflag:s20], $0x4000  }
0xa1: {  	[sflag:s20] =	ssyncset.done $0x0  }
0xa2: {  	[sflag:s20] =	ssyncadd.s32 $0xFFFFC000  }
0xa3: {  	[tilespmem:s21], [sflag:$0x2] =	stream.indirect.gather [hbm4b:s4+s19], $0x80, s23, s19, $0xb8;
	[tilespmem:$0x1E800] =	vst v63  }
0xa4: {  	_ = 	snop  }
0xa5: {  	[spmem:s2] =	stream.indirect.scatter.add.f32 [tilespmem:s16], [sflag:$0x3], $0x80, s24, s19, $0xb8;
	[tilespmem:$0x1E800] =	vst v63  }
0xa6: {  	_ =	swait.ge [sflag:s17], $0x4000  }
0xa7: {  	[sflag:s17] =	ssyncset.done $0x0  }
0xa8: {  	[sflag:s17] =	ssyncadd.s32 $0xFFFFC000  }
0xa9: {  	_ =	swait.ge [sflag:s22], $0x4000  }
0xaa: {  	[sflag:s22] =	ssyncset.done $0x0  }
0xab: {  	[sflag:s22] =	ssyncadd.s32 $0xFFFFC000  }
0xac: {  	[spmem:s2] =	stream.indirect.scatter.add.f32 [tilespmem:s21], [sflag:$0x3], $0x80, s25, s19, $0xb8;
	[tilespmem:$0x1E800] =	vst v63  }
0xad: {  	_ =	swait.ge [sflag:s17], $0x4000  }
0xae: {  	s26 =	sshll.u32 s1, $0x6;
	s3 =	sadd.s32 $0x1, s3;
	[sflag:s17] =	ssyncset.done $0x0  }
0xaf: {  	s28 =	sshrl.u32 s5, $0x3;
	p0 =	sne.s32 s3, s11;
	[sflag:s17] =	ssyncadd.s32 $0xFFFFC000  }
.Ltmp3:
0xb0: {  	s26 =	sor.u32 $0x1C03, s26;
	[bflag:$0x0] =	sbarrier.arrive $0xFFFF;
	(pc) =	sbr.rel @p0 .LBB2_1-.Ltmp3, $4  }
0xb1: {  	[hbm:s10], [sflag:s26] =	dma.local [spmem:s28], $0x2800  }
0xb2: {  	_ =	swait.ge [sflag:s17], $0x2800  }
0xb3: {  	[sflag:s17] =	ssyncset.done $0x0  }
0xb4: {  	[sflag:s17] =	ssyncadd.s32 $0xFFFFD800  }
0xb5: {  	_ =	sfence.sel $0x180000  }
0xb6: {  	[bflag:$0x0] =	sbarrier.arrive $0xFFFF  }
0xb7: {  	p0 =	sne.s32 s1, $0x0;
	_ =	strace $0x9000004D  }
0xb8: {  	s0 =	sadd.s32 @!p0 $0x100000, s0;
	[bflag:$0x2] =	sbarrier.arrive $0xFFFF  }
0xb9: {  	[sflag:s0] =	ssyncadd.tile.s32 @!p0 $0x1;
	_ =	shalt  }
.Lfunc_end2:
_tile_overlayer_lowered:
.L_overlay_start_2:
0xba: {  	(tag) =	ssettag $0x2  }
0xbb: {  	s0 =	rddreg [dreg:$0x0];
	s2 =	stileid.u32  }
0xbc: {  	s1 =	rddreg [dreg:$0x1];
	p0 =	sne.s32 s2, $0x0  }
0xbd: {  	s3 =	rddreg [dreg:$0x2];
	[bflag:$0x3] =	sbarrier.arrive $0xFFFF;
	s2 =	simm.s32 @!p0 $0x1C03  }
0xbe: {  	[timem:s3], [sflag:s2] =	dma.local @!p0 [hbm:s0], s1  }
0xbf: {  	s0 =	simm.s32 @!p0 $0x3  }
0xc0: {  	_ =	swait.ge @!p0 [sflag:s0], s1  }
0xc1: {  	s1 =	ssub.s32 @!p0 $0x0, s1;
	[sflag:s0] =	ssyncset.done @!p0 $0x0  }
0xc2: {  	[sflag:s0] =	ssyncadd.s32 @!p0 s1  }
0xc3: {  	[bflag:$0x3] =	sbarrier.arrive $0xFFFF  }
0xc4: {  	_ =	shalt  }

// kernel: kernel.19.cloned.1.call-start
scs
__scs_entry_jumppad:
0x0: {  	(pc) =	sbr.rel $0x88, $3  }
0x1: {  	(tag) =	ssettag $0x0;
	lr =	simm.s32 $0x1  }
0x2: {  	[smem:$0x3F94] =	sst lr;
	_ =	strace $0xD0000000  }
0x3: {  	_ = 	snop  }
0x4: {  	_ = 	snop  }
0x5: {  	_ = 	snop  }
0x6: {  	_ = 	snop  }
0x7: {  	_ = 	snop  }
__scs_overlays_trampoline_lowered:
0x8: {  	[smem:$0x3FA3] =	sst s0  }
0x9: {  	[smem:$0x3FA4] =	sst s1  }
0xa: {  	[smem:$0x3FA5] =	sst s2  }
0xb: {  	[smem:$0x3FA6] =	sst s3  }
0xc: {  	[smem:$0x3FA7] =	sst s4  }
0xd: {  	[smem:$0x3FA8] =	sst s5  }
0xe: {  	[smem:$0x3FA9] =	sst s6  }
0xf: {  	[smem:$0x3FAA] =	sst s7  }
0x10: {  	[smem:$0x3FAB] =	sst s8  }
0x11: {  	[smem:$0x3FAC] =	sst s9;
	s0 =	simm.s32 @!p0 $0x0  }
0x12: {  	s1 =	sld [smem:$0x3F92];
	s0 =	simm.s32 @p0 $0x1  }
0x13: {  	[smem:$0x3FAD] =	sst s0;
	s0 =	simm.s32 @!p1 $0x0  }
0x14: {  	s2 =	sld [smem:$0x3F91];
	s0 =	simm.s32 @p1 $0x1  }
0x15: {  	[smem:$0x3FAE] =	sst s0;
	s0 =	simm.s32 @!p2 $0x0  }
0x16: {  	s3 =	sld [smem:$0x3FDB];
	s0 =	simm.s32 @p2 $0x1  }
0x17: {  	s4 =	simm.s32 $0x1BF5;
	[smem:$0x3FB0] =	sst s0  }
0x18: {  	s0 =	sld [smem:$0x3F93];
	_ =	swait.ge [sflag:s4], $0x0  }
0x19: {  	s7 =	sld [smem:$0x3F94]  }
0x1a: {  	s8 =	sadd.s32 $0xFFFFE003, lr  }
0x1b: {  	s9 =	sadd.s32 $0xFFFFFEF7, lr;
	s5 =	simm.s32 $0xFFFFFFFF;
	p2 =	slt.u32 s8, $0xFFFFF086  }
0x1c: {  	p1 =	slt.u32 s9, $0xF7A;
	s5 =	simm.s32 @!p2 $0x0  }
0x1d: {  	s5 =	simm.s32 @p1 $0x1;
	p0 =	seq.s32 s7, s2  }
0x1e: {  	s7 =	smul.u32 @!p0 $0xF7A, s2;
	p2 =	seq.s32 @!p0 s5, $0x0  }
0x1f: {  	s9 =	smul.u32 $0xF7A, s1;
	s8 =	simm.s32 @!p0 $0x1BF5;
	p2 =	por !p2, p0  }
0x20: {  	[sflag:s8] =	ssyncset.s32 @!p0 $0xFFFFF086;
	s6 =	sadd.s32 @!p0 s3, s7;
	s7 =	simm.s32 @!p0 $0x108  }
0x21: {  	s3 =	sadd.s32 s3, s9;
	s6 =	sadd.s32 @!p0 $0x88, s6;
	s7 =	simm.s32 @p2 $0x1082  }
0x22: {  	[simem:s7], [sflag:s8] =	dma.local @!p0 [hbm:s6], $0xF7A  }
0x23: {  	s9 =	sor.u32 $0xD0000000, s2;
	s6 =	simm.s32 $0x108;
	_ =	swait.ge @!p0 [sflag:s8], $0x0  }
0x24: {  	s3 =	sadd.s32 $0x88, s3;
	s6 =	simm.s32 @!p1 $0x1082;
	[sflag:s4] =	ssyncset.s32 $0xFFFFF086  }
0x25: {  	[simem:s6], [sflag:s4] =	dma.local [hbm:s3], $0xF7A  }
0x26: {  	[smem:$0x3F94] =	sst s1;
	(tag) =	ssettag s2;
	_ =	strace s9  }
0x27: {  	s1 =	sld [smem:$0x3FA4]  }
0x28: {  	s2 =	sld [smem:$0x3FA5]  }
0x29: {  	s4 =	sld [smem:$0x3FA7]  }
0x2a: {  	p0 =	seq.s32 s5, $0x0;
	s5 =	sld [smem:$0x3FA8]  }
0x2b: {  	s6 =	sld [smem:$0x3FA9]  }
0x2c: {  	s7 =	sld [smem:$0x3FAA]  }
0x2d: {  	s3 =	simm.s32 $0x108;
	s8 =	sld [smem:$0x3FAB]  }
0x2e: {  	s3 =	simm.s32 @!p0 $0x1082;
	s9 =	sld [smem:$0x3FAC]  }
0x2f: {  	lr =	sadd.s32 s0, s3;
	s0 =	sld [smem:$0x3FA3]  }
0x30: {  	s3 =	sld [smem:$0x3FA6]  }
0x31: {  	[smem:$0x3FAF] =	sst s10  }
0x32: {  	s10 =	sld [smem:$0x3FAD];
	_ =	sdelay $0x3  }
0x33: {  	p0 =	seq.s32 s10, $0x1;
	s10 =	sld [smem:$0x3FAF];
	_ =	sdelay $0x3  }
0x34: {  	[smem:$0x3FAF] =	sst s10  }
0x35: {  	s10 =	sld [smem:$0x3FAE];
	_ =	sdelay $0x3  }
0x36: {  	p1 =	seq.s32 s10, $0x1;
	s10 =	sld [smem:$0x3FAF];
	_ =	sdelay $0x3  }
0x37: {  	[smem:$0x3FAF] =	sst s10  }
0x38: {  	s10 =	sld [smem:$0x3FB0]  }
0x39: {  	_ = 	snop;
	(pc) =	sbr.ind lr, $3  }
0x3a: {  	_ = 	snop  }
0x3b: {  	_ = 	snop  }
0x3c: {  	p2 =	seq.s32 s10, $0x1;
	s10 =	sld [smem:$0x3FAF]  }
0x3d: {  	_ =	shalt  }
0x3e: {  	_ =	shalt  }
0x3f: {  	_ =	shalt  }
0x40: {  	_ =	shalt  }
0x41: {  	_ =	shalt  }
0x42: {  	_ =	shalt  }
0x43: {  	_ =	shalt  }
0x44: {  	_ =	shalt  }
0x45: {  	_ =	shalt  }
0x46: {  	_ =	shalt  }
0x47: {  	_ =	shalt  }
0x48: {  	_ =	shalt  }
0x49: {  	_ =	shalt  }
0x4a: {  	_ =	shalt  }
0x4b: {  	_ =	shalt  }
0x4c: {  	_ =	shalt  }
0x4d: {  	_ =	shalt  }
0x4e: {  	_ =	shalt  }
0x4f: {  	_ =	shalt  }
0x50: {  	_ =	shalt  }
0x51: {  	_ =	shalt  }
0x52: {  	_ =	shalt  }
0x53: {  	_ =	shalt  }
0x54: {  	_ =	shalt  }
0x55: {  	_ =	shalt  }
0x56: {  	_ =	shalt  }
0x57: {  	_ =	shalt  }
0x58: {  	_ =	shalt  }
0x59: {  	_ =	shalt  }
0x5a: {  	_ =	shalt  }
0x5b: {  	_ =	shalt  }
0x5c: {  	_ =	shalt  }
0x5d: {  	_ =	shalt  }
0x5e: {  	_ =	shalt  }
0x5f: {  	_ =	shalt  }
0x60: {  	_ =	shalt  }
0x61: {  	_ =	shalt  }
0x62: {  	_ =	shalt  }
0x63: {  	_ =	shalt  }
0x64: {  	_ =	shalt  }
0x65: {  	_ =	shalt  }
0x66: {  	_ =	shalt  }
0x67: {  	_ =	shalt  }
0x68: {  	_ =	shalt  }
0x69: {  	_ =	shalt  }
0x6a: {  	_ =	shalt  }
0x6b: {  	_ =	shalt  }
0x6c: {  	_ =	shalt  }
0x6d: {  	_ =	shalt  }
0x6e: {  	_ =	shalt  }
0x6f: {  	_ =	shalt  }
0x70: {  	_ =	shalt  }
0x71: {  	_ =	shalt  }
0x72: {  	_ =	shalt  }
0x73: {  	_ =	shalt  }
0x74: {  	_ =	shalt  }
0x75: {  	_ =	shalt  }
0x76: {  	_ =	shalt  }
0x77: {  	_ =	shalt  }
0x78: {  	_ =	shalt  }
0x79: {  	_ =	shalt  }
0x7a: {  	_ =	shalt  }
0x7b: {  	_ =	shalt  }
0x7c: {  	_ =	shalt  }
0x7d: {  	_ =	shalt  }
0x7e: {  	_ =	shalt  }
0x7f: {  	_ =	shalt  }
0x80: {  	_ =	shalt  }
0x81: {  	_ =	shalt  }
0x82: {  	_ =	shalt  }
0x83: {  	_ =	shalt  }
0x84: {  	_ =	shalt  }
0x85: {  	_ =	shalt  }
0x86: {  	_ =	shalt  }
0x87: {  	_ =	shalt  }
.Lfunc_end0:
.L_simem_size_0:
called_computation.3_lowered:
.L_overlay_start_0:
0x88: {  	s2 =	sld [smem:$0x3FD9]  }
0x89: {  	s3 =	sld [smem:$0x3FFE];
	_ =	sdelay $0x1  }
0x8a: {  	s1 =	srdreg.scid  }
0x8b: {  	s0 =	sand.u32 $0x1, s1  }
0x8c: {  	s16 =	sshll.u32 s0, $0xA;
	s2 =	sadd.s32 s3, s2  }
0x8d: {  	s2 =	sadd.s32 s2, s16  }
0x8e: {  	[smem:$0x3FBB] =	sst s2  }
0x8f: {  	_ = 	snop  }
0x90: {  	(tm) =	ssettm $0x1  }
0x91: {  	s17 =	sld [smem:$0x3FFB];
	_ =	sdelay $0x3  }
0x92: {  	_ =	strace s17  }
0x93: {  	s2 =	sld [smem:$0x3FFC];
	_ =	sdelay $0x3  }
0x94: {  	_ =	strace s2  }
0x95: {  	s2 =	sld [smem:$0x3FFD];
	_ =	sdelay $0x3  }
0x96: {  	_ =	strace s2  }
0x97: {  	_ =	strace $0x8FFFFFFF  }
0x98: {  	s18 =	sld [smem:$0x3FDB];
	_ =	sdelay $0x1  }
0x99: {  	s19 =	simm.s32 $_scs_section_size  }
0x9a: {  	s4 =	simm.s32 $_size__tile_overlayer_lowered;
	s5 =	simm.s32 $_tile_overlayer_lowered  }
0x9b: {  	s22 =	simm.s32 $0x1BFF;
	s21 =	sshll.u32 s5, $0x1;
	s2 =	sadd.s32 s19, s18  }
0x9c: {  	s6 =	simm.s32 $0x0;
	s20 =	sshll.u32 s4, $0x1;
	s4 =	sadd.s32 s21, s2  }
0x9d: {  	[timem:s6], [sflag:s22] =	dma.local [hbm:s4], s20  }
0x9e: {  	_ =	swait.ge [sflag:s22], s20  }
0x9f: {  	s3 =	ssub.s32 $0x0, s20;
	[sflag:s22] =	ssyncset.done $0x0  }
0xa0: {  	[sflag:s22] =	ssyncadd.s32 s3;
	_ =	sdelay $0x1  }
0xa1: {  	s23 =	simm.s32 $0x1B8B  }
0xa2: {  	_ =	swait.ge [sflag:s23], $0x1  }
0xa3: {  	[sflag:s23] =	ssyncset.done $0x0  }
0xa4: {  	s25 =	simm.s32 $0x1B8E;
	s24 =	sld [smem:$0x3FFE];
	[sflag:s23] =	ssyncadd.s32 $0xFFFFFFFF  }
0xa5: {  	s26 =	simm.s32 $execute0_lowered;
	[smem:$0x3FD2] =	sst s25  }
0xa6: {  	s4 =	sshll.u32 s26, $0x1;
	_ =	strace $0x8000004F;
	[dreg:$0x1] =	wrdreg $0xFFFFFFFF  }
0xa7: {  	s28 =	simm.s32 $_size_execute0_lowered;
	s2 =	sadd.s32 s2, s4;
	[dreg:$0x0] =	wrdreg $0x0  }
0xa8: {  	s4 =	sshll.u32 s28, $0x1;
	[dreg:$0x2] =	wrdreg s2  }
0xa9: {  	[dreg:$0x3] =	wrdreg s4  }
0xaa: {  	[dreg:$0x4] =	wrdreg $0xC0  }
0xab: {  	_ =	task [dreg:s6], $0x5FFFF  }
0xac: {  	[dreg:$0x1] =	wrdreg $0xFFFFFFFF  }
0xad: {  	[dreg:$0x0] =	wrdreg $0x60  }
0xae: {  	[dreg:$0x2] =	wrdreg s24  }
0xaf: {  	[dreg:$0x3] =	wrdreg $0xA8000  }
0xb0: {  	[dreg:$0x4] =	wrdreg $0x9  }
0xb1: {  	_ =	task.clear_ibuf [dreg:s6], $0x5FFFF;
	_ =	strace $0x9000004F  }
0xb2: {  	s29 =	simm.s32 $0x9;
	_ =	strace $0x80000051  }
0xb3: {  	_ =	swait.ge [sflag:s29], $0x1  }
0xb4: {  	[sflag:s29] =	ssyncadd.s32 $0xFFFFFFFF  }
0xb5: {  	_ =	strace $0x90000051  }
0xb6: {  	_ =	sfence  }
0xb7: {  	s30 =	sld [smem:$0x0];
	_ =	sdelay $0x2  }
0xb8: {  	s31 =	sshll.u32 s1, $0xD;
	s1 =	sshrl.u32 s1, $0x2  }
0xb9: {  	s3 =	sand.u32 $0x4000, s31;
	s1 =	sadd.s32 s1, s30  }
0xba: {  	s0 =	sor.u32 s3, s0;
	s1 =	sshll.u32 s1, $0x11  }
0xbb: {  	s0 =	sor.u32 s1, s0  }
0xbc: {  	s0 =	sadd.s32 $0x8F2B, s0  }
0xbd: {  	[sflag:s0] =	ssyncadd.remote.s32 $0x1  }
0xbe: {  	_ =	sfence.sel $0xFFFF  }
0xbf: {  	[dreg:$0x0] =	wrdreg $0xFFFFFFFF;
	(pc) =	sbr.abs _section_cstart, $3  }
0xc0: {  	[dreg:$0x1] =	wrdreg $0xFFFFFFFF  }
0xc1: {  	_ =	task.clear_ibuf [dreg:s6], $0x2FFFF;
	_ =	strace $0x9FFFFFFF  }
0xc2: {  	(tm) =	ssettm $0x7FFFFFFF  }
0xc3: {  	_ =	shalt  }
tec
execute0_lowered:
.L_overlay_start_1:
0x0: {  	(tag) =	ssettag $0x1  }
0x1: {  	s5 =	rddreg [dreg:$0x0]  }
0x2: {  	s0 =	srdreg.scid;
	s2 =	rddreg [dreg:$0x1]  }
0x3: {  	s1 =	stileid.u32;
	s3 =	simm.s32 $0x0;
	s17 =	simm.s32 $0x3  }
0x4: {  	s18 =	simm.s32 $0x1400;
	s19 =	simm.s32 $0x80;
	s20 =	simm.s32 $0x1  }
0x5: {  	s21 =	simm.s32 $0x6800;
	s22 =	simm.s32 $0x2;
	s23 =	simm.s32 $0x1380  }
0x6: {  	s24 =	simm.s32 $0x2700;
	s6 =	sand.u32 $0x1, s0;
	s0 =	rddreg [dreg:$0x2]  }
0x7: {  	s25 =	simm.s32 $0x2780;
	s7 =	smul.u32 $0x14000, s1;
	[smem:$0x7FF] =	sst s3  }
0x8: {  	s8 =	smul.u32 $0x50000, s1;
	s14 =	sadd.s32 $0xDE00, s5;
	s15 =	sadd.s32 $0x3E00, s5  }
0x9: {  	s4 =	smul.u32 $0x140000, s6;
	_ =	strace $0x80000050;
	s28 =	ssub.s32 $0x2, s6  }
0xa: {  	s29 =	sshll.u32 s6, $0x4;
	s30 =	sshrl.u32 s8, $0x2;
	s31 =	sshrl.u32 s28, $0x1  }
0xb: {  	s9 =	sor.u32 s1, s29;
	s7 =	sadd.s32 s7, s4;
	s4 =	sadd.s32 $0x17E00, s5  }
0xc: {  	s11 =	ssub.s32 s28, s31;
	s12 =	smul.u32 $0x2800, s9;
	s7 =	sshrl.u32 s7, $0x3  }
0xd: {  	s11 =	smax.u32 s11, $0x1;
	s10 =	sadd.s32 s7, s5;
	s5 =	sadd.s32 s30, s2  }
0xe: {  	s16 =	sshrl.u32 s12, $0x3;
	s6 =	sadd.s32 $0x4000, s5;
	s7 =	sadd.s32 $0x8000, s5  }
0xf: {  	s8 =	sadd.s32 $0xC000, s5;
	s9 =	sadd.s32 $0x10000, s5;
	s10 =	sadd.s32 $0x3FE00, s10  }
0x10: {  	s12 =	sadd.s32 s14, s16;
	s13 =	sadd.s32 s15, s16;
	s16 =	sadd.s32 $0x280, s16  }
0x11: {  	v0 =	vimm.f32 $0.0e+00;
	s14 =	sadd.s32 s14, s16;
	s15 =	sadd.s32 s15, s16;
	s16 =	simm.s32 $0x2800  }
.LBB2_1:
0x12: {  	s26 =	simm.s32 $0x0;
	s28 =	simm.s32 $0x200  }
.LBB2_2:
0x13: {  	p0 =	sne.s32 s28, $0xFE00;
	[tilespmem:s26+$0x2870] =	vst v0  }
0x14: {  	[tilespmem:s26+$0x2800] =	vst v0  }
0x15: {  	[tilespmem:s26+$0x2810] =	vst v0  }
.Ltmp0:
0x16: {  	[tilespmem:s26+$0x2820] =	vst v0;
	(pc) =	sbr.rel @p0 .LBB2_2-.Ltmp0, $4  }
0x17: {  	[tilespmem:s26+$0x2830] =	vst v0  }
0x18: {  	[tilespmem:s26+$0x2840] =	vst v0  }
0x19: {  	[tilespmem:s26+$0x2850] =	vst v0  }
0x1a: {  	[tilespmem:s26+$0x2860] =	vst v0;
	s26 =	sshra.s32 s28, $0x2;
	s28 =	sadd.s32 $0x200, s28  }
0x1b: {  	[tilespmem:s26+$0x2870] =	vst v0  }
0x1c: {  	[tilespmem:s26+$0x2800] =	vst v0  }
0x1d: {  	[tilespmem:s26+$0x2810] =	vst v0  }
0x1e: {  	[tilespmem:s26+$0x2820] =	vst v0  }
0x1f: {  	[tilespmem:s26+$0x2830] =	vst v0  }
0x20: {  	[tilespmem:s26+$0x2840] =	vst v0  }
0x21: {  	[tilespmem:s26+$0x2850] =	vst v0  }
0x22: {  	[tilespmem:s26+$0x2860] =	vst v0  }
0x23: {  	[spmem:s5] =	stream.linear.scatter [tilespmem:s16], [sflag:$0x3], $0x4000, $0x38;
	[tilespmem:$0x1E800] =	vst v63  }
0x24: {  	_ =	swait.ge [sflag:s17], $0x4000  }
0x25: {  	[sflag:s17] =	ssyncset.done $0x0  }
0x26: {  	[sflag:s17] =	ssyncadd.s32 $0xFFFFC000  }
0x27: {  	[spmem:s6] =	stream.linear.scatter [tilespmem:s16], [sflag:$0x3], $0x4000, $0x38;
	[tilespmem:$0x1E800] =	vst v63  }
0x28: {  	_ =	swait.ge [sflag:s17], $0x4000  }
0x29: {  	[sflag:s17] =	ssyncset.done $0x0  }
0x2a: {  	[sflag:s17] =	ssyncadd.s32 $0xFFFFC000  }
0x2b: {  	[spmem:s7] =	stream.linear.scatter [tilespmem:s16], [sflag:$0x3], $0x4000, $0x38;
	[tilespmem:$0x1E800] =	vst v63  }
0x2c: {  	_ =	swait.ge [sflag:s17], $0x4000  }
0x2d: {  	[sflag:s17] =	ssyncset.done $0x0  }
0x2e: {  	[sflag:s17] =	ssyncadd.s32 $0xFFFFC000  }
0x2f: {  	[spmem:s8] =	stream.linear.scatter [tilespmem:s16], [sflag:$0x3], $0x4000, $0x38;
	[tilespmem:$0x1E800] =	vst v63  }
0x30: {  	_ =	swait.ge [sflag:s17], $0x4000  }
0x31: {  	[sflag:s17] =	ssyncset.done $0x0  }
0x32: {  	[sflag:s17] =	ssyncadd.s32 $0xFFFFC000  }
0x33: {  	[spmem:s9] =	stream.linear.scatter [tilespmem:s16], [sflag:$0x3], $0x4000, $0x38;
	[tilespmem:$0x1E800] =	vst v63  }
0x34: {  	_ =	swait.ge [sflag:s17], $0x4000  }
0x35: {  	[sflag:s17] =	ssyncset.done $0x0  }
0x36: {  	[sflag:s17] =	ssyncadd.s32 $0xFFFFC000  }
0x37: {  	s31 =	simm.s32 $0x0;
	[bflag:$0x0] =	sbarrier.arrive $0xFFFF  }
0x38: {  	[tilespmem:s31], [sflag:$0x3] =	stream.linear.gather [hbm4b:s12+s31], $0x1400, $0x38;
	[tilespmem:$0x1E800] =	vst v63  }
0x39: {  	_ =	swait.ge [sflag:s17], $0x1400  }
0x3a: {  	[sflag:s17] =	ssyncset.done $0x0  }
0x3b: {  	[sflag:s17] =	ssyncadd.s32 $0xFFFFEC00  }
0x3c: {  	[tilespmem:s18], [sflag:$0x3] =	stream.linear.gather [hbm4b:s13+s31], $0x1400, $0x38;
	[tilespmem:$0x1E800] =	vst v63  }
0x3d: {  	_ =	swait.ge [sflag:s17], $0x1400  }
0x3e: {  	[sflag:s17] =	ssyncset.done $0x0  }
0x3f: {  	[sflag:s17] =	ssyncadd.s32 $0xFFFFEC00  }
0x40: {  	[tilespmem:s16], [sflag:$0x1] =	stream.indirect.gather [hbm4b:s4+s19], $0x80, s31, s19, $0xb8;
	[tilespmem:$0x1E800] =	vst v63  }
0x41: {  	_ =	swait.ge [sflag:s20], $0x4000  }
0x42: {  	[sflag:s20] =	ssyncset.done $0x0  }
0x43: {  	s28 =	simm.s32 $0x80;
	[sflag:s20] =	ssyncadd.s32 $0xFFFFC000  }
0x44: {  	[tilespmem:s21], [sflag:$0x2] =	stream.indirect.gather [hbm4b:s4+s19], $0x80, s28, s19, $0xb8;
	[tilespmem:$0x1E800] =	vst v63  }
0x45: {  	s29 =	simm.s32 $0x1400  }
0x46: {  	[spmem:s2] =	stream.indirect.scatter.add.f32 [tilespmem:s16], [sflag:$0x3], $0x80, s29, s19, $0xb8;
	[tilespmem:$0x1E800] =	vst v63  }
0x47: {  	_ =	swait.ge [sflag:s17], $0x4000  }
0x48: {  	[sflag:s17] =	ssyncset.done $0x0  }
0x49: {  	s30 =	simm.s32 $0x100;
	[sflag:s17] =	ssyncadd.s32 $0xFFFFC000  }
0x4a: {  	[tilespmem:s16], [sflag:$0x1] =	stream.indirect.gather [hbm4b:s4+s19], $0x80, s30, s19, $0xb8;
	[tilespmem:$0x1E800] =	vst v63  }
0x4b: {  	_ =	swait.ge [sflag:s22], $0x4000  }
0x4c: {  	[sflag:s22] =	ssyncset.done $0x0  }
0x4d: {  	s31 =	simm.s32 $0x1480;
	[sflag:s22] =	ssyncadd.s32 $0xFFFFC000  }
0x4e: {  	[spmem:s2] =	stream.indirect.scatter.add.f32 [tilespmem:s21], [sflag:$0x3], $0x80, s31, s19, $0xb8;
	[tilespmem:$0x1E800] =	vst v63  }
0x4f: {  	_ =	swait.ge [sflag:s17], $0x4000  }
0x50: {  	s26 =	simm.s32 $0x400;
	[sflag:s17] =	ssyncset.done $0x0  }
.LBB2_4:
0x51: {  	p0 =	sne.s32 s26, $0x4800  }
0x52: {  	[sflag:s17] =	ssyncadd.s32 $0xFFFFC000;
	s28 =	smov.u32 s26;
	s26 =	sadd.s32 $0x400, s26  }
0x53: {  	_ =	swait.ge [sflag:s20], $0x4000  }
0x54: {  	s28 =	sshra.s32 s28, $0x2;
	[sflag:s20] =	ssyncset.done $0x0  }
0x55: {  	s29 =	sadd.s32 $0x80, s28;
	[sflag:s20] =	ssyncadd.s32 $0xFFFFC000  }
0x56: {  	[tilespmem:s21], [sflag:$0x2] =	stream.indirect.gather [hbm4b:s4+s19], $0x80, s29, s19, $0xb8;
	[tilespmem:$0x1E800] =	vst v63  }
0x57: {  	s29 =	sadd.s32 $0x1400, s28  }
0x58: {  	[spmem:s2] =	stream.indirect.scatter.add.f32 [tilespmem:s16], [sflag:$0x3], $0x80, s29, s19, $0xb8;
	[tilespmem:$0x1E800] =	vst v63  }
0x59: {  	_ =	swait.ge [sflag:s17], $0x4000  }
0x5a: {  	[sflag:s17] =	ssyncset.done $0x0  }
0x5b: {  	s29 =	sadd.s32 $0x100, s28;
	[sflag:s17] =	ssyncadd.s32 $0xFFFFC000  }
0x5c: {  	[tilespmem:s16], [sflag:$0x1] =	stream.indirect.gather [hbm4b:s4+s19], $0x80, s29, s19, $0xb8;
	[tilespmem:$0x1E800] =	vst v63  }
0x5d: {  	_ =	swait.ge [sflag:s22], $0x4000  }
.Ltmp1:
0x5e: {  	[sflag:s22] =	ssyncset.done $0x0;
	(pc) =	sbr.rel @p0 .LBB2_4-.Ltmp1, $4  }
0x5f: {  	s28 =	sadd.s32 $0x1480, s28;
	[sflag:s22] =	ssyncadd.s32 $0xFFFFC000  }
0x60: {  	[spmem:s2] =	stream.indirect.scatter.add.f32 [tilespmem:s21], [sflag:$0x3], $0x80, s28, s19, $0xb8;
	[tilespmem:$0x1E800] =	vst v63  }
0x61: {  	_ =	swait.ge [sflag:s17], $0x4000  }
0x62: {  	[sflag:s17] =	ssyncset.done $0x0  }
0x63: {  	[sflag:s17] =	ssyncadd.s32 $0xFFFFC000  }
0x64: {  	_ =	swait.ge [sflag:s20], $0x4000  }
0x65: {  	[sflag:s20] =	ssyncset.done $0x0  }
0x66: {  	[sflag:s20] =	ssyncadd.s32 $0xFFFFC000  }
0x67: {  	[tilespmem:s21], [sflag:$0x2] =	stream.indirect.gather [hbm4b:s4+s19], $0x80, s23, s19, $0xb8;
	[tilespmem:$0x1E800] =	vst v63  }
0x68: {  	_ = 	snop  }
0x69: {  	[spmem:s2] =	stream.indirect.scatter.add.f32 [tilespmem:s16], [sflag:$0x3], $0x80, s24, s19, $0xb8;
	[tilespmem:$0x1E800] =	vst v63  }
0x6a: {  	_ =	swait.ge [sflag:s17], $0x4000  }
0x6b: {  	[sflag:s17] =	ssyncset.done $0x0  }
0x6c: {  	[sflag:s17] =	ssyncadd.s32 $0xFFFFC000  }
0x6d: {  	_ =	swait.ge [sflag:s22], $0x4000  }
0x6e: {  	[sflag:s22] =	ssyncset.done $0x0  }
0x6f: {  	[sflag:s22] =	ssyncadd.s32 $0xFFFFC000  }
0x70: {  	[spmem:s2] =	stream.indirect.scatter.add.f32 [tilespmem:s21], [sflag:$0x3], $0x80, s25, s19, $0xb8;
	[tilespmem:$0x1E800] =	vst v63  }
0x71: {  	_ =	swait.ge [sflag:s17], $0x4000  }
0x72: {  	[sflag:s17] =	ssyncset.done $0x0  }
0x73: {  	s26 =	simm.s32 $0x0;
	[sflag:s17] =	ssyncadd.s32 $0xFFFFC000  }
0x74: {  	[tilespmem:s26], [sflag:$0x3] =	stream.linear.gather [hbm4b:s14+s26], $0x1400, $0x38;
	[tilespmem:$0x1E800] =	vst v63  }
0x75: {  	_ =	swait.ge [sflag:s17], $0x1400  }
0x76: {  	[sflag:s17] =	ssyncset.done $0x0  }
0x77: {  	[sflag:s17] =	ssyncadd.s32 $0xFFFFEC00  }
0x78: {  	[tilespmem:s18], [sflag:$0x3] =	stream.linear.gather [hbm4b:s15+s26], $0x1400, $0x38;
	[tilespmem:$0x1E800] =	vst v63  }
0x79: {  	_ =	swait.ge [sflag:s17], $0x1400  }
0x7a: {  	[sflag:s17] =	ssyncset.done $0x0  }
0x7b: {  	[sflag:s17] =	ssyncadd.s32 $0xFFFFEC00  }
0x7c: {  	[tilespmem:s16], [sflag:$0x1] =	stream.indirect.gather [hbm4b:s4+s19], $0x80, s26, s19, $0xb8;
	[tilespmem:$0x1E800] =	vst v63  }
0x7d: {  	_ =	swait.ge [sflag:s20], $0x4000  }
0x7e: {  	[sflag:s20] =	ssyncset.done $0x0  }
0x7f: {  	s28 =	simm.s32 $0x80;
	[sflag:s20] =	ssyncadd.s32 $0xFFFFC000  }
0x80: {  	[tilespmem:s21], [sflag:$0x2] =	stream.indirect.gather [hbm4b:s4+s19], $0x80, s28, s19, $0xb8;
	[tilespmem:$0x1E800] =	vst v63  }
0x81: {  	s29 =	simm.s32 $0x1400  }
0x82: {  	[spmem:s2] =	stream.indirect.scatter.add.f32 [tilespmem:s16], [sflag:$0x3], $0x80, s29, s19, $0xb8;
	[tilespmem:$0x1E800] =	vst v63  }
0x83: {  	_ =	swait.ge [sflag:s17], $0x4000  }
0x84: {  	[sflag:s17] =	ssyncset.done $0x0  }
0x85: {  	s30 =	simm.s32 $0x100;
	[sflag:s17] =	ssyncadd.s32 $0xFFFFC000  }
0x86: {  	[tilespmem:s16], [sflag:$0x1] =	stream.indirect.gather [hbm4b:s4+s19], $0x80, s30, s19, $0xb8;
	[tilespmem:$0x1E800] =	vst v63  }
0x87: {  	_ =	swait.ge [sflag:s22], $0x4000  }
0x88: {  	[sflag:s22] =	ssyncset.done $0x0  }
0x89: {  	s31 =	simm.s32 $0x1480;
	[sflag:s22] =	ssyncadd.s32 $0xFFFFC000  }
0x8a: {  	[spmem:s2] =	stream.indirect.scatter.add.f32 [tilespmem:s21], [sflag:$0x3], $0x80, s31, s19, $0xb8;
	[tilespmem:$0x1E800] =	vst v63  }
0x8b: {  	_ =	swait.ge [sflag:s17], $0x4000  }
0x8c: {  	s26 =	simm.s32 $0x400;
	[sflag:s17] =	ssyncset.done $0x0  }
.LBB2_6:
0x8d: {  	p0 =	sne.s32 s26, $0x4800  }
0x8e: {  	[sflag:s17] =	ssyncadd.s32 $0xFFFFC000;
	s28 =	smov.u32 s26;
	s26 =	sadd.s32 $0x400, s26  }
0x8f: {  	_ =	swait.ge [sflag:s20], $0x4000  }
0x90: {  	s28 =	sshra.s32 s28, $0x2;
	[sflag:s20] =	ssyncset.done $0x0  }
0x91: {  	s29 =	sadd.s32 $0x80, s28;
	[sflag:s20] =	ssyncadd.s32 $0xFFFFC000  }
0x92: {  	[tilespmem:s21], [sflag:$0x2] =	stream.indirect.gather [hbm4b:s4+s19], $0x80, s29, s19, $0xb8;
	[tilespmem:$0x1E800] =	vst v63  }
0x93: {  	s29 =	sadd.s32 $0x1400, s28  }
0x94: {  	[spmem:s2] =	stream.indirect.scatter.add.f32 [tilespmem:s16], [sflag:$0x3], $0x80, s29, s19, $0xb8;
	[tilespmem:$0x1E800] =	vst v63  }
0x95: {  	_ =	swait.ge [sflag:s17], $0x4000  }
0x96: {  	[sflag:s17] =	ssyncset.done $0x0  }
0x97: {  	s29 =	sadd.s32 $0x100, s28;
	[sflag:s17] =	ssyncadd.s32 $0xFFFFC000  }
0x98: {  	[tilespmem:s16], [sflag:$0x1] =	stream.indirect.gather [hbm4b:s4+s19], $0x80, s29, s19, $0xb8;
	[tilespmem:$0x1E800] =	vst v63  }
0x99: {  	_ =	swait.ge [sflag:s22], $0x4000  }
.Ltmp2:
0x9a: {  	[sflag:s22] =	ssyncset.done $0x0;
	(pc) =	sbr.rel @p0 .LBB2_6-.Ltmp2, $4  }
0x9b: {  	s28 =	sadd.s32 $0x1480, s28;
	[sflag:s22] =	ssyncadd.s32 $0xFFFFC000  }
0x9c: {  	[spmem:s2] =	stream.indirect.scatter.add.f32 [tilespmem:s21], [sflag:$0x3], $0x80, s28, s19, $0xb8;
	[tilespmem:$0x1E800] =	vst v63  }
0x9d: {  	_ =	swait.ge [sflag:s17], $0x4000  }
0x9e: {  	[sflag:s17] =	ssyncset.done $0x0  }
0x9f: {  	[sflag:s17] =	ssyncadd.s32 $0xFFFFC000  }
0xa0: {  	_ =	swait.ge [sflag:s20], $0x4000  }
0xa1: {  	[sflag:s20] =	ssyncset.done $0x0  }
0xa2: {  	[sflag:s20] =	ssyncadd.s32 $0xFFFFC000  }
0xa3: {  	[tilespmem:s21], [sflag:$0x2] =	stream.indirect.gather [hbm4b:s4+s19], $0x80, s23, s19, $0xb8;
	[tilespmem:$0x1E800] =	vst v63  }
0xa4: {  	_ = 	snop  }
0xa5: {  	[spmem:s2] =	stream.indirect.scatter.add.f32 [tilespmem:s16], [sflag:$0x3], $0x80, s24, s19, $0xb8;
	[tilespmem:$0x1E800] =	vst v63  }
0xa6: {  	_ =	swait.ge [sflag:s17], $0x4000  }
0xa7: {  	[sflag:s17] =	ssyncset.done $0x0  }
0xa8: {  	[sflag:s17] =	ssyncadd.s32 $0xFFFFC000  }
0xa9: {  	_ =	swait.ge [sflag:s22], $0x4000  }
0xaa: {  	[sflag:s22] =	ssyncset.done $0x0  }
0xab: {  	[sflag:s22] =	ssyncadd.s32 $0xFFFFC000  }
0xac: {  	[spmem:s2] =	stream.indirect.scatter.add.f32 [tilespmem:s21], [sflag:$0x3], $0x80, s25, s19, $0xb8;
	[tilespmem:$0x1E800] =	vst v63  }
0xad: {  	_ =	swait.ge [sflag:s17], $0x4000  }
0xae: {  	s26 =	sshll.u32 s1, $0x6;
	s3 =	sadd.s32 $0x1, s3;
	[sflag:s17] =	ssyncset.done $0x0  }
0xaf: {  	s28 =	sshrl.u32 s5, $0x3;
	p0 =	sne.s32 s3, s11;
	[sflag:s17] =	ssyncadd.s32 $0xFFFFC000  }
.Ltmp3:
0xb0: {  	s26 =	sor.u32 $0x1C03, s26;
	[bflag:$0x0] =	sbarrier.arrive $0xFFFF;
	(pc) =	sbr.rel @p0 .LBB2_1-.Ltmp3, $4  }
0xb1: {  	[hbm:s10], [sflag:s26] =	dma.local [spmem:s28], $0x2800  }
0xb2: {  	_ =	swait.ge [sflag:s17], $0x2800  }
0xb3: {  	[sflag:s17] =	ssyncset.done $0x0  }
0xb4: {  	[sflag:s17] =	ssyncadd.s32 $0xFFFFD800  }
0xb5: {  	_ =	sfence.sel $0x180000  }
0xb6: {  	[bflag:$0x0] =	sbarrier.arrive $0xFFFF  }
0xb7: {  	p0 =	sne.s32 s1, $0x0;
	_ =	strace $0x90000050  }
0xb8: {  	s0 =	sadd.s32 @!p0 $0x100000, s0;
	[bflag:$0x2] =	sbarrier.arrive $0xFFFF  }
0xb9: {  	[sflag:s0] =	ssyncadd.tile.s32 @!p0 $0x1;
	_ =	shalt  }
.Lfunc_end2:
_tile_overlayer_lowered:
.L_overlay_start_2:
0xba: {  	(tag) =	ssettag $0x2  }
0xbb: {  	s0 =	rddreg [dreg:$0x0];
	s2 =	stileid.u32  }
0xbc: {  	s1 =	rddreg [dreg:$0x1];
	p0 =	sne.s32 s2, $0x0  }
0xbd: {  	s3 =	rddreg [dreg:$0x2];
	[bflag:$0x3] =	sbarrier.arrive $0xFFFF;
	s2 =	simm.s32 @!p0 $0x1C03  }
0xbe: {  	[timem:s3], [sflag:s2] =	dma.local @!p0 [hbm:s0], s1  }
0xbf: {  	s0 =	simm.s32 @!p0 $0x3  }
0xc0: {  	_ =	swait.ge @!p0 [sflag:s0], s1  }
0xc1: {  	s1 =	ssub.s32 @!p0 $0x0, s1;
	[sflag:s0] =	ssyncset.done @!p0 $0x0  }
0xc2: {  	[sflag:s0] =	ssyncadd.s32 @!p0 s1  }
0xc3: {  	[bflag:$0x3] =	sbarrier.arrive $0xFFFF  }
0xc4: {  	_ =	shalt  }

</sc_bundles>
